<compile_context>
chip_gen: v7x
topology: tpu7x:2x2x1
jax: 0.10.2.dev20260603
libtpu: 0.0.44.dev20260713+nightly
codegen_flags: <defaults>
</compile_context>

<pallas_src>
import functools

import jax
import jax.numpy as jnp
from jax import lax
from jax.experimental import pallas as pl
from jax.experimental.pallas import tpu as pltpu
from jax.experimental.pallas import tpu_sc as plsc

_NC, _NS = 2, 16
_NW = _NC * _NS
_NB = 8


@functools.lru_cache(maxsize=None)
def _build_gather(B: int, V: int, D: int, chunk: int):
    b_per_w = B // _NW
    n = b_per_w // chunk
    G = n // _NB
    assert b_per_w % chunk == 0 and n % _NB == 0 and G >= 2 and chunk % 8 == 0

    mesh = plsc.VectorSubcoreMesh(
        core_axis_name="c", subcore_axis_name="s",
        num_cores=_NC, num_subcores=_NS)

    @functools.partial(
        pl.kernel,
        out_type=jax.ShapeDtypeStruct((B, D), jnp.float32),
        mesh=mesh,
        scratch_types=[
            pltpu.VMEM((b_per_w,), jnp.int32),
            pltpu.VMEM((_NB, chunk, D), jnp.float32),
            pltpu.VMEM_SHARED((V, D), jnp.float32),
            pltpu.VMEM((1, D), jnp.float32),
        ] + [pltpu.SemaphoreType.DMA] * (2 * _NB),
    )
    def gather_kernel(table_hbm, idx_hbm, out_hbm, idx_v, rows_v, tbl_s, zrow, *sems):
        lag = _NB // 2
        gsem, osem = sems[:_NB], sems[_NB:]
        wid = lax.axis_index("s") * _NC + lax.axis_index("c")
        base = wid * b_per_w
        pltpu.sync_copy(idx_hbm.at[pl.ds(base, b_per_w)], idx_v)

        piece = 64
        tail = (V - 1) - (_NS - 1) * piece
        assert (_NS - 1) * piece + tail == V - 1 and tail % 8 == 0
        assert piece * D * 4 <= _NB * chunk * D * 4
        buf = rows_v.reshape(_NB * chunk, D)
        s_id = lax.axis_index("s")
        p0 = s_id * piece

        @pl.when(s_id < _NS - 1)
        def _stage_main():
            pltpu.sync_copy(table_hbm.at[pl.ds(p0, piece)], buf.at[pl.ds(0, piece)])
            pltpu.sync_copy(buf.at[pl.ds(0, piece)], tbl_s.at[pl.ds(p0, piece)])

        @pl.when(s_id == _NS - 1)
        def _stage_tail():
            pltpu.sync_copy(table_hbm.at[pl.ds(p0, tail)], buf.at[pl.ds(0, tail)])
            pltpu.sync_copy(buf.at[pl.ds(0, tail)], tbl_s.at[pl.ds(p0, tail)])
            zero = jnp.zeros((16,), jnp.float32)
            for k in range(D // 16):
                zrow.at[0][pl.ds(k * 16, 16)] = zero
            pltpu.sync_copy(zrow, tbl_s.at[pl.ds(V - 1, 1)])

        plsc.subcore_barrier()

        def gather_desc(i, b):
            return pltpu.make_async_copy(
                tbl_s.at[idx_v.at[pl.ds(i * chunk, chunk)]],
                rows_v.at[b], gsem[b])

        def out_desc(i, b):
            return pltpu.make_async_copy(
                rows_v.at[b], out_hbm.at[pl.ds(base + i * chunk, chunk)],
                osem[b])

        def step(i, b, wait_out, fire_next):
            b2 = (b + lag) % _NB
            gather_desc(i, b).wait()
            out_desc(i, b).start()
            if wait_out:
                out_desc(i - (_NB - lag), b2).wait()
            if fire_next:
                gather_desc(i + lag, b2).start()

        for b in range(lag):
            gather_desc(b, b).start()

        for b in range(_NB):
            step(b, b, b >= _NB - lag, True)

        @pl.loop(1, G - 1)
        def _steady(g):
            i0 = g * _NB
            for b in range(_NB):
                step(i0 + b, b, True, True)

        i0 = n - _NB
        for b in range(_NB):
            step(i0 + b, b, True, b < _NB - lag)

        for b in range(lag, _NB):
            out_desc(n - _NB + b, b).wait()

    return gather_kernel


def kernel(indices, table):
    batch, hist = indices.shape
    V, D = table.shape
    idx = indices.T.reshape(batch * hist).astype(jnp.int32)
    out = _build_gather(batch * hist, V, D, 80)(table, idx)
    return out.reshape(hist, batch, D).transpose(1, 0, 2)

# --- scband reference (transcript-rebuilt; emitter-appended) ---
"""Pipeline reference for scband-untrained-54133767799485 (READ-ONLY COPY).

The authoritative reference and input builder live on the scoring server;
editing this copy changes nothing except your own understanding.
"""

import jax, jax.numpy as jnp
import numpy as np

VOCAB = 1000
DIM = 128
PAD = VOCAB  # padding_idx = len(lookup) = 1000
BATCH = 4096
HIST = 50

def setup_inputs(seed: int = 0) -> dict:
    key = jax.random.key(seed)
    k1, k2 = jax.random.split(key)
    # indices in [0, VOCAB]; value VOCAB (=PAD) corresponds to OOV/padding row
    indices = jax.random.randint(k1, (BATCH, HIST), 0, VOCAB + 1)
    # embedding table of shape [VOCAB+1, DIM], matching nn.Embedding(len(lookup)+1, dim)
    table = jax.random.normal(k2, (VOCAB + 1, DIM), dtype=jnp.float32)
    return {"indices": indices, "table": table}

def reference(indices, table):
    # nn.Embedding with padding_idx: padding row is zeros
    t = table.at[PAD].set(0.0)
    # batched version of Untrained.forwards: gather rows for each token
    emb = jnp.take(t, indices, axis=0)
    # dropout with p=0.0 is identity
    return emb

if __name__ == "__main__":
    import jax
    _d = setup_inputs()
    print(jax.jit(kernel)(*tuple(_d.values())))

</pallas_src>

<mosaic_0001>
#map = affine_map<(d0, d1) -> (0, 0)>
#map1 = affine_map<(d0, d1) -> (0)>
module attributes {stable_mosaic.version = 14 : i64} {
  func.func @gather_kernel(%arg0: i32, %arg1: i32, %arg2: memref<1001x128xf32, #tpu.memory_space<hbm>>, %arg3: memref<204800xi32, #tpu.memory_space<hbm>>, %arg4: memref<204800x128xf32, #tpu.memory_space<hbm>>, %arg5: memref<6400xi32, #tpu.memory_space<vmem>>, %arg6: memref<8x80x128xf32, #tpu.memory_space<vmem>>, %arg7: memref<1001x128xf32, #tpu.memory_space<vmem_shared>>, %arg8: memref<1x128xf32, #tpu.memory_space<vmem>>, %arg9: memref<!tpu.dma_semaphore, #tpu.memory_space<semaphore_mem>>, %arg10: memref<!tpu.dma_semaphore, #tpu.memory_space<semaphore_mem>>, %arg11: memref<!tpu.dma_semaphore, #tpu.memory_space<semaphore_mem>>, %arg12: memref<!tpu.dma_semaphore, #tpu.memory_space<semaphore_mem>>, %arg13: memref<!tpu.dma_semaphore, #tpu.memory_space<semaphore_mem>>, %arg14: memref<!tpu.dma_semaphore, #tpu.memory_space<semaphore_mem>>, %arg15: memref<!tpu.dma_semaphore, #tpu.memory_space<semaphore_mem>>, %arg16: memref<!tpu.dma_semaphore, #tpu.memory_space<semaphore_mem>>, %arg17: memref<!tpu.dma_semaphore, #tpu.memory_space<semaphore_mem>>, %arg18: memref<!tpu.dma_semaphore, #tpu.memory_space<semaphore_mem>>, %arg19: memref<!tpu.dma_semaphore, #tpu.memory_space<semaphore_mem>>, %arg20: memref<!tpu.dma_semaphore, #tpu.memory_space<semaphore_mem>>, %arg21: memref<!tpu.dma_semaphore, #tpu.memory_space<semaphore_mem>>, %arg22: memref<!tpu.dma_semaphore, #tpu.memory_space<semaphore_mem>>, %arg23: memref<!tpu.dma_semaphore, #tpu.memory_space<semaphore_mem>>, %arg24: memref<!tpu.dma_semaphore, #tpu.memory_space<semaphore_mem>>) attributes {dimension_semantics = [#tpu.dimension_semantics<core_parallel>, #tpu.dimension_semantics<subcore_parallel>], iteration_bounds = array<i64: 2, 16>, scalar_prefetch = 0 : i64, scratch_operands = 20 : i64, tpu.core_type = #tpu.core_type<sc_vector_subcore>, window_params = [{transform_indices = #map}, {transform_indices = #map1}, {transform_indices = #map}]} {
    %mul3A = arith.constant 2 : i32
    %mul3A_0 = arith.muli %arg1, %mul3A : i32
    %add3A = arith.addi %mul3A_0, %arg0 : i32
    %mul3A_1 = arith.constant 6400 : i32
    %mul3A_2 = arith.muli %add3A, %mul3A_1 : i32
    "tpu.region"() ({
      %run_scoped3A = tpu.sem_alloc : memref<!tpu.dma_semaphore, #tpu.memory_space<semaphore_mem>>
      %dma_start3A_813 = tpu.memref_slice %arg3[%mul3A_2] : memref<204800xi32, #tpu.memory_space<hbm>> -> memref<6400xi32, #tpu.memory_space<hbm>>
      %dma_start3A_814 = tpu.memref_slice %arg3[%mul3A_2] : memref<204800xi32, #tpu.memory_space<hbm>> -> memref<6400xi32, #tpu.memory_space<hbm>>
      tpu.enqueue_dma source(%dma_start3A_814 : memref<6400xi32, #tpu.memory_space<hbm>>) target(%arg5 : memref<6400xi32, #tpu.memory_space<vmem>>) target_semaphore(%run_scoped3A : memref<!tpu.dma_semaphore, #tpu.memory_space<semaphore_mem>>)
      %dma_wait3A_815 = tpu.memref_slice %arg3[%mul3A_2] : memref<204800xi32, #tpu.memory_space<hbm>> -> memref<6400xi32, #tpu.memory_space<hbm>>
      %dma_wait3A_816 = tpu.memref_slice %arg3[%mul3A_2] : memref<204800xi32, #tpu.memory_space<hbm>> -> memref<6400xi32, #tpu.memory_space<hbm>>
      tpu.wait_dma2 semaphore(%run_scoped3A : memref<!tpu.dma_semaphore, #tpu.memory_space<semaphore_mem>>) src(%dma_wait3A_816 : memref<6400xi32, #tpu.memory_space<hbm>>) dst(%arg5 : memref<6400xi32, #tpu.memory_space<vmem>>)
      tpu.yield
    }) : () -> ()
    %mul3A_3 = arith.constant 64 : i32
    %mul3A_4 = arith.muli %arg1, %mul3A_3 : i32
    %lt3A = arith.constant 15 : i32
    %lt3A_5 = arith.cmpi slt, %arg1, %lt3A : i32
    %convert_element_type3A = arith.extui %lt3A_5 : i1 to i32
    %cond3A = arith.constant 0 : i32
    %cond3A_6 = arith.cmpi ne, %convert_element_type3A, %cond3A : i32
    scf.if %cond3A_6 {
      "tpu.region"() ({
        %run_scoped3A = tpu.sem_alloc : memref<!tpu.dma_semaphore, #tpu.memory_space<semaphore_mem>>
        %dma_start3A_813 = tpu.memref_reshape %arg6 : memref<8x80x128xf32, #tpu.memory_space<vmem>> -> memref<640x128xf32, #tpu.memory_space<vmem>>
        %dma_start3A_814 = arith.constant 0 : i32
        %dma_start3A_815 = arith.constant 0 : i32
        %dma_start3A_816 = tpu.memref_slice %dma_start3A_813[%dma_start3A_814, %dma_start3A_815] : memref<640x128xf32, #tpu.memory_space<vmem>> -> memref<64x128xf32, #tpu.memory_space<vmem>>
        %dma_start3A_817 = arith.constant 0 : i32
        %dma_start3A_818 = tpu.memref_slice %arg2[%mul3A_4, %dma_start3A_817] : memref<1001x128xf32, #tpu.memory_space<hbm>> -> memref<64x128xf32, #tpu.memory_space<hbm>>
        %dma_start3A_819 = tpu.memref_reshape %arg6 : memref<8x80x128xf32, #tpu.memory_space<vmem>> -> memref<640x128xf32, #tpu.memory_space<vmem>>
        %dma_start3A_820 = arith.constant 0 : i32
        %dma_start3A_821 = arith.constant 0 : i32
        %dma_start3A_822 = tpu.memref_slice %dma_start3A_819[%dma_start3A_820, %dma_start3A_821] : memref<640x128xf32, #tpu.memory_space<vmem>> -> memref<64x128xf32, #tpu.memory_space<vmem>>
        %dma_start3A_823 = arith.constant 0 : i32
        %dma_start3A_824 = tpu.memref_slice %arg2[%mul3A_4, %dma_start3A_823] : memref<1001x128xf32, #tpu.memory_space<hbm>> -> memref<64x128xf32, #tpu.memory_space<hbm>>
        tpu.enqueue_dma source(%dma_start3A_824 : memref<64x128xf32, #tpu.memory_space<hbm>>) target(%dma_start3A_822 : memref<64x128xf32, #tpu.memory_space<vmem>>) target_semaphore(%run_scoped3A : memref<!tpu.dma_semaphore, #tpu.memory_space<semaphore_mem>>)
        %dma_wait3A_825 = tpu.memref_reshape %arg6 : memref<8x80x128xf32, #tpu.memory_space<vmem>> -> memref<640x128xf32, #tpu.memory_space<vmem>>
        %dma_wait3A_826 = arith.constant 0 : i32
        %dma_wait3A_827 = arith.constant 0 : i32
        %dma_wait3A_828 = tpu.memref_slice %dma_wait3A_825[%dma_wait3A_826, %dma_wait3A_827] : memref<640x128xf32, #tpu.memory_space<vmem>> -> memref<64x128xf32, #tpu.memory_space<vmem>>
        %dma_wait3A_829 = arith.constant 0 : i32
        %dma_wait3A_830 = tpu.memref_slice %arg2[%mul3A_4, %dma_wait3A_829] : memref<1001x128xf32, #tpu.memory_space<hbm>> -> memref<64x128xf32, #tpu.memory_space<hbm>>
        %dma_wait3A_831 = tpu.memref_reshape %arg6 : memref<8x80x128xf32, #tpu.memory_space<vmem>> -> memref<640x128xf32, #tpu.memory_space<vmem>>
        %dma_wait3A_832 = arith.constant 0 : i32
        %dma_wait3A_833 = arith.constant 0 : i32
        %dma_wait3A_834 = tpu.memref_slice %dma_wait3A_831[%dma_wait3A_832, %dma_wait3A_833] : memref<640x128xf32, #tpu.memory_space<vmem>> -> memref<64x128xf32, #tpu.memory_space<vmem>>
        %dma_wait3A_835 = arith.constant 0 : i32
        %dma_wait3A_836 = tpu.memref_slice %arg2[%mul3A_4, %dma_wait3A_835] : memref<1001x128xf32, #tpu.memory_space<hbm>> -> memref<64x128xf32, #tpu.memory_space<hbm>>
        tpu.wait_dma2 semaphore(%run_scoped3A : memref<!tpu.dma_semaphore, #tpu.memory_space<semaphore_mem>>) src(%dma_wait3A_836 : memref<64x128xf32, #tpu.memory_space<hbm>>) dst(%dma_wait3A_834 : memref<64x128xf32, #tpu.memory_space<vmem>>)
        tpu.yield
      }) : () -> ()
      "tpu.region"() ({
        %run_scoped3A = tpu.sem_alloc : memref<!tpu.dma_semaphore, #tpu.memory_space<semaphore_mem>>
        %dma_start3A_813 = tpu.memref_reshape %arg6 : memref<8x80x128xf32, #tpu.memory_space<vmem>> -> memref<640x128xf32, #tpu.memory_space<vmem>>
        %dma_start3A_814 = arith.constant 0 : i32
        %dma_start3A_815 = arith.constant 0 : i32
        %dma_start3A_816 = tpu.memref_slice %dma_start3A_813[%dma_start3A_814, %dma_start3A_815] : memref<640x128xf32, #tpu.memory_space<vmem>> -> memref<64x128xf32, #tpu.memory_space<vmem>>
        %dma_start3A_817 = arith.constant 0 : i32
        %dma_start3A_818 = tpu.memref_slice %arg7[%mul3A_4, %dma_start3A_817] : memref<1001x128xf32, #tpu.memory_space<vmem_shared>> -> memref<64x128xf32, #tpu.memory_space<vmem_shared>>
        %dma_start3A_819 = arith.constant 0 : i32
        %dma_start3A_820 = tpu.memref_slice %arg7[%mul3A_4, %dma_start3A_819] : memref<1001x128xf32, #tpu.memory_space<vmem_shared>> -> memref<64x128xf32, #tpu.memory_space<vmem_shared>>
        %dma_start3A_821 = tpu.memref_reshape %arg6 : memref<8x80x128xf32, #tpu.memory_space<vmem>> -> memref<640x128xf32, #tpu.memory_space<vmem>>
        %dma_start3A_822 = arith.constant 0 : i32
        %dma_start3A_823 = arith.constant 0 : i32
        %dma_start3A_824 = tpu.memref_slice %dma_start3A_821[%dma_start3A_822, %dma_start3A_823] : memref<640x128xf32, #tpu.memory_space<vmem>> -> memref<64x128xf32, #tpu.memory_space<vmem>>
        tpu.enqueue_dma source(%dma_start3A_824 : memref<64x128xf32, #tpu.memory_space<vmem>>) target(%dma_start3A_820 : memref<64x128xf32, #tpu.memory_space<vmem_shared>>) target_semaphore(%run_scoped3A : memref<!tpu.dma_semaphore, #tpu.memory_space<semaphore_mem>>)
        %dma_wait3A_825 = tpu.memref_reshape %arg6 : memref<8x80x128xf32, #tpu.memory_space<vmem>> -> memref<640x128xf32, #tpu.memory_space<vmem>>
        %dma_wait3A_826 = arith.constant 0 : i32
        %dma_wait3A_827 = arith.constant 0 : i32
        %dma_wait3A_828 = tpu.memref_slice %dma_wait3A_825[%dma_wait3A_826, %dma_wait3A_827] : memref<640x128xf32, #tpu.memory_space<vmem>> -> memref<64x128xf32, #tpu.memory_space<vmem>>
        %dma_wait3A_829 = arith.constant 0 : i32
        %dma_wait3A_830 = tpu.memref_slice %arg7[%mul3A_4, %dma_wait3A_829] : memref<1001x128xf32, #tpu.memory_space<vmem_shared>> -> memref<64x128xf32, #tpu.memory_space<vmem_shared>>
        %dma_wait3A_831 = arith.constant 0 : i32
        %dma_wait3A_832 = tpu.memref_slice %arg7[%mul3A_4, %dma_wait3A_831] : memref<1001x128xf32, #tpu.memory_space<vmem_shared>> -> memref<64x128xf32, #tpu.memory_space<vmem_shared>>
        %dma_wait3A_833 = tpu.memref_reshape %arg6 : memref<8x80x128xf32, #tpu.memory_space<vmem>> -> memref<640x128xf32, #tpu.memory_space<vmem>>
        %dma_wait3A_834 = arith.constant 0 : i32
        %dma_wait3A_835 = arith.constant 0 : i32
        %dma_wait3A_836 = tpu.memref_slice %dma_wait3A_833[%dma_wait3A_834, %dma_wait3A_835] : memref<640x128xf32, #tpu.memory_space<vmem>> -> memref<64x128xf32, #tpu.memory_space<vmem>>
        tpu.wait_dma2 semaphore(%run_scoped3A : memref<!tpu.dma_semaphore, #tpu.memory_space<semaphore_mem>>) src(%dma_wait3A_836 : memref<64x128xf32, #tpu.memory_space<vmem>>) dst(%dma_wait3A_832 : memref<64x128xf32, #tpu.memory_space<vmem_shared>>)
        tpu.yield
      }) : () -> ()
    } else {
    }
    %eq3A = arith.constant 15 : i32
    %eq3A_7 = arith.cmpi eq, %arg1, %eq3A : i32
    %convert_element_type3A_8 = arith.extui %eq3A_7 : i1 to i32
    %cond3A_9 = arith.constant 0 : i32
    %cond3A_10 = arith.cmpi ne, %convert_element_type3A_8, %cond3A_9 : i32
    scf.if %cond3A_10 {
      "tpu.region"() ({
        %run_scoped3A = tpu.sem_alloc : memref<!tpu.dma_semaphore, #tpu.memory_space<semaphore_mem>>
        %dma_start3A_877 = tpu.memref_reshape %arg6 : memref<8x80x128xf32, #tpu.memory_space<vmem>> -> memref<640x128xf32, #tpu.memory_space<vmem>>
        %dma_start3A_878 = arith.constant 0 : i32
        %dma_start3A_879 = arith.constant 0 : i32
        %dma_start3A_880 = tpu.memref_slice %dma_start3A_877[%dma_start3A_878, %dma_start3A_879] : memref<640x128xf32, #tpu.memory_space<vmem>> -> memref<40x128xf32, #tpu.memory_space<vmem>>
        %dma_start3A_881 = arith.constant 0 : i32
        %dma_start3A_882 = tpu.memref_slice %arg2[%mul3A_4, %dma_start3A_881] : memref<1001x128xf32, #tpu.memory_space<hbm>> -> memref<40x128xf32, #tpu.memory_space<hbm>>
        %dma_start3A_883 = tpu.memref_reshape %arg6 : memref<8x80x128xf32, #tpu.memory_space<vmem>> -> memref<640x128xf32, #tpu.memory_space<vmem>>
        %dma_start3A_884 = arith.constant 0 : i32
        %dma_start3A_885 = arith.constant 0 : i32
        %dma_start3A_886 = tpu.memref_slice %dma_start3A_883[%dma_start3A_884, %dma_start3A_885] : memref<640x128xf32, #tpu.memory_space<vmem>> -> memref<40x128xf32, #tpu.memory_space<vmem>>
        %dma_start3A_887 = arith.constant 0 : i32
        %dma_start3A_888 = tpu.memref_slice %arg2[%mul3A_4, %dma_start3A_887] : memref<1001x128xf32, #tpu.memory_space<hbm>> -> memref<40x128xf32, #tpu.memory_space<hbm>>
        tpu.enqueue_dma source(%dma_start3A_888 : memref<40x128xf32, #tpu.memory_space<hbm>>) target(%dma_start3A_886 : memref<40x128xf32, #tpu.memory_space<vmem>>) target_semaphore(%run_scoped3A : memref<!tpu.dma_semaphore, #tpu.memory_space<semaphore_mem>>)
        %dma_wait3A_889 = tpu.memref_reshape %arg6 : memref<8x80x128xf32, #tpu.memory_space<vmem>> -> memref<640x128xf32, #tpu.memory_space<vmem>>
        %dma_wait3A_890 = arith.constant 0 : i32
        %dma_wait3A_891 = arith.constant 0 : i32
        %dma_wait3A_892 = tpu.memref_slice %dma_wait3A_889[%dma_wait3A_890, %dma_wait3A_891] : memref<640x128xf32, #tpu.memory_space<vmem>> -> memref<40x128xf32, #tpu.memory_space<vmem>>
        %dma_wait3A_893 = arith.constant 0 : i32
        %dma_wait3A_894 = tpu.memref_slice %arg2[%mul3A_4, %dma_wait3A_893] : memref<1001x128xf32, #tpu.memory_space<hbm>> -> memref<40x128xf32, #tpu.memory_space<hbm>>
        %dma_wait3A_895 = tpu.memref_reshape %arg6 : memref<8x80x128xf32, #tpu.memory_space<vmem>> -> memref<640x128xf32, #tpu.memory_space<vmem>>
        %dma_wait3A_896 = arith.constant 0 : i32
        %dma_wait3A_897 = arith.constant 0 : i32
        %dma_wait3A_898 = tpu.memref_slice %dma_wait3A_895[%dma_wait3A_896, %dma_wait3A_897] : memref<640x128xf32, #tpu.memory_space<vmem>> -> memref<40x128xf32, #tpu.memory_space<vmem>>
        %dma_wait3A_899 = arith.constant 0 : i32
        %dma_wait3A_900 = tpu.memref_slice %arg2[%mul3A_4, %dma_wait3A_899] : memref<1001x128xf32, #tpu.memory_space<hbm>> -> memref<40x128xf32, #tpu.memory_space<hbm>>
        tpu.wait_dma2 semaphore(%run_scoped3A : memref<!tpu.dma_semaphore, #tpu.memory_space<semaphore_mem>>) src(%dma_wait3A_900 : memref<40x128xf32, #tpu.memory_space<hbm>>) dst(%dma_wait3A_898 : memref<40x128xf32, #tpu.memory_space<vmem>>)
        tpu.yield
      }) : () -> ()
      "tpu.region"() ({
        %run_scoped3A = tpu.sem_alloc : memref<!tpu.dma_semaphore, #tpu.memory_space<semaphore_mem>>
        %dma_start3A_877 = tpu.memref_reshape %arg6 : memref<8x80x128xf32, #tpu.memory_space<vmem>> -> memref<640x128xf32, #tpu.memory_space<vmem>>
        %dma_start3A_878 = arith.constant 0 : i32
        %dma_start3A_879 = arith.constant 0 : i32
        %dma_start3A_880 = tpu.memref_slice %dma_start3A_877[%dma_start3A_878, %dma_start3A_879] : memref<640x128xf32, #tpu.memory_space<vmem>> -> memref<40x128xf32, #tpu.memory_space<vmem>>
        %dma_start3A_881 = arith.constant 0 : i32
        %dma_start3A_882 = tpu.memref_slice %arg7[%mul3A_4, %dma_start3A_881] : memref<1001x128xf32, #tpu.memory_space<vmem_shared>> -> memref<40x128xf32, #tpu.memory_space<vmem_shared>>
        %dma_start3A_883 = arith.constant 0 : i32
        %dma_start3A_884 = tpu.memref_slice %arg7[%mul3A_4, %dma_start3A_883] : memref<1001x128xf32, #tpu.memory_space<vmem_shared>> -> memref<40x128xf32, #tpu.memory_space<vmem_shared>>
        %dma_start3A_885 = tpu.memref_reshape %arg6 : memref<8x80x128xf32, #tpu.memory_space<vmem>> -> memref<640x128xf32, #tpu.memory_space<vmem>>
        %dma_start3A_886 = arith.constant 0 : i32
        %dma_start3A_887 = arith.constant 0 : i32
        %dma_start3A_888 = tpu.memref_slice %dma_start3A_885[%dma_start3A_886, %dma_start3A_887] : memref<640x128xf32, #tpu.memory_space<vmem>> -> memref<40x128xf32, #tpu.memory_space<vmem>>
        tpu.enqueue_dma source(%dma_start3A_888 : memref<40x128xf32, #tpu.memory_space<vmem>>) target(%dma_start3A_884 : memref<40x128xf32, #tpu.memory_space<vmem_shared>>) target_semaphore(%run_scoped3A : memref<!tpu.dma_semaphore, #tpu.memory_space<semaphore_mem>>)
        %dma_wait3A_889 = tpu.memref_reshape %arg6 : memref<8x80x128xf32, #tpu.memory_space<vmem>> -> memref<640x128xf32, #tpu.memory_space<vmem>>
        %dma_wait3A_890 = arith.constant 0 : i32
        %dma_wait3A_891 = arith.constant 0 : i32
        %dma_wait3A_892 = tpu.memref_slice %dma_wait3A_889[%dma_wait3A_890, %dma_wait3A_891] : memref<640x128xf32, #tpu.memory_space<vmem>> -> memref<40x128xf32, #tpu.memory_space<vmem>>
        %dma_wait3A_893 = arith.constant 0 : i32
        %dma_wait3A_894 = tpu.memref_slice %arg7[%mul3A_4, %dma_wait3A_893] : memref<1001x128xf32, #tpu.memory_space<vmem_shared>> -> memref<40x128xf32, #tpu.memory_space<vmem_shared>>
        %dma_wait3A_895 = arith.constant 0 : i32
        %dma_wait3A_896 = tpu.memref_slice %arg7[%mul3A_4, %dma_wait3A_895] : memref<1001x128xf32, #tpu.memory_space<vmem_shared>> -> memref<40x128xf32, #tpu.memory_space<vmem_shared>>
        %dma_wait3A_897 = tpu.memref_reshape %arg6 : memref<8x80x128xf32, #tpu.memory_space<vmem>> -> memref<640x128xf32, #tpu.memory_space<vmem>>
        %dma_wait3A_898 = arith.constant 0 : i32
        %dma_wait3A_899 = arith.constant 0 : i32
        %dma_wait3A_900 = tpu.memref_slice %dma_wait3A_897[%dma_wait3A_898, %dma_wait3A_899] : memref<640x128xf32, #tpu.memory_space<vmem>> -> memref<40x128xf32, #tpu.memory_space<vmem>>
        tpu.wait_dma2 semaphore(%run_scoped3A : memref<!tpu.dma_semaphore, #tpu.memory_space<semaphore_mem>>) src(%dma_wait3A_900 : memref<40x128xf32, #tpu.memory_space<vmem>>) dst(%dma_wait3A_896 : memref<40x128xf32, #tpu.memory_space<vmem_shared>>)
        tpu.yield
      }) : () -> ()
      %broadcast_in_dim3A = arith.constant 0.000000e+00 : f32
      %broadcast_in_dim3A_813 = vector.broadcast %broadcast_in_dim3A : f32 to vector<16xf32>
      %swap3A = arith.constant 0 : i32
      %swap3A_814 = arith.constant 0 : i32
      %swap3A_815 = tpu.memref_slice %arg8[%swap3A, %swap3A_814] : memref<1x128xf32, #tpu.memory_space<vmem>> -> memref<1x128xf32, #tpu.memory_space<vmem>>
      %swap3A_816 = tpu.memref_squeeze %swap3A_815 : memref<1x128xf32, #tpu.memory_space<vmem>> -> memref<128xf32, #tpu.memory_space<vmem>>
      %swap3A_817 = arith.constant 0 : index
      %swap3A_818 = tpu.vector_load %swap3A_816[%swap3A_817] {strides = array<i32>} : memref<128xf32, #tpu.memory_space<vmem>>, vector<16xf32>,
      %swap3A_819 = vector.shape_cast %swap3A_818 : vector<16xf32> to vector<16xf32>
      %swap3A_820 = vector.shape_cast %broadcast_in_dim3A_813 : vector<16xf32> to vector<16xf32>
      tpu.vector_store %swap3A_816[%swap3A_817], %swap3A_820 {strides = array<i32>} : memref<128xf32, #tpu.memory_space<vmem>>, vector<16xf32>,
      %swap3A_821 = arith.constant 0 : i32
      %swap3A_822 = arith.constant 0 : i32
      %swap3A_823 = tpu.memref_slice %arg8[%swap3A_821, %swap3A_822] : memref<1x128xf32, #tpu.memory_space<vmem>> -> memref<1x128xf32, #tpu.memory_space<vmem>>
      %swap3A_824 = tpu.memref_squeeze %swap3A_823 : memref<1x128xf32, #tpu.memory_space<vmem>> -> memref<128xf32, #tpu.memory_space<vmem>>
      %swap3A_825 = arith.constant 16 : index
      %swap3A_826 = tpu.vector_load %swap3A_824[%swap3A_825] {strides = array<i32>} : memref<128xf32, #tpu.memory_space<vmem>>, vector<16xf32>,
      %swap3A_827 = vector.shape_cast %swap3A_826 : vector<16xf32> to vector<16xf32>
      %swap3A_828 = vector.shape_cast %broadcast_in_dim3A_813 : vector<16xf32> to vector<16xf32>
      tpu.vector_store %swap3A_824[%swap3A_825], %swap3A_828 {strides = array<i32>} : memref<128xf32, #tpu.memory_space<vmem>>, vector<16xf32>,
      %swap3A_829 = arith.constant 0 : i32
      %swap3A_830 = arith.constant 0 : i32
      %swap3A_831 = tpu.memref_slice %arg8[%swap3A_829, %swap3A_830] : memref<1x128xf32, #tpu.memory_space<vmem>> -> memref<1x128xf32, #tpu.memory_space<vmem>>
      %swap3A_832 = tpu.memref_squeeze %swap3A_831 : memref<1x128xf32, #tpu.memory_space<vmem>> -> memref<128xf32, #tpu.memory_space<vmem>>
      %swap3A_833 = arith.constant 32 : index
      %swap3A_834 = tpu.vector_load %swap3A_832[%swap3A_833] {strides = array<i32>} : memref<128xf32, #tpu.memory_space<vmem>>, vector<16xf32>,
      %swap3A_835 = vector.shape_cast %swap3A_834 : vector<16xf32> to vector<16xf32>
      %swap3A_836 = vector.shape_cast %broadcast_in_dim3A_813 : vector<16xf32> to vector<16xf32>
      tpu.vector_store %swap3A_832[%swap3A_833], %swap3A_836 {strides = array<i32>} : memref<128xf32, #tpu.memory_space<vmem>>, vector<16xf32>,
      %swap3A_837 = arith.constant 0 : i32
      %swap3A_838 = arith.constant 0 : i32
      %swap3A_839 = tpu.memref_slice %arg8[%swap3A_837, %swap3A_838] : memref<1x128xf32, #tpu.memory_space<vmem>> -> memref<1x128xf32, #tpu.memory_space<vmem>>
      %swap3A_840 = tpu.memref_squeeze %swap3A_839 : memref<1x128xf32, #tpu.memory_space<vmem>> -> memref<128xf32, #tpu.memory_space<vmem>>
      %swap3A_841 = arith.constant 48 : index
      %swap3A_842 = tpu.vector_load %swap3A_840[%swap3A_841] {strides = array<i32>} : memref<128xf32, #tpu.memory_space<vmem>>, vector<16xf32>,
      %swap3A_843 = vector.shape_cast %swap3A_842 : vector<16xf32> to vector<16xf32>
      %swap3A_844 = vector.shape_cast %broadcast_in_dim3A_813 : vector<16xf32> to vector<16xf32>
      tpu.vector_store %swap3A_840[%swap3A_841], %swap3A_844 {strides = array<i32>} : memref<128xf32, #tpu.memory_space<vmem>>, vector<16xf32>,
      %swap3A_845 = arith.constant 0 : i32
      %swap3A_846 = arith.constant 0 : i32
      %swap3A_847 = tpu.memref_slice %arg8[%swap3A_845, %swap3A_846] : memref<1x128xf32, #tpu.memory_space<vmem>> -> memref<1x128xf32, #tpu.memory_space<vmem>>
      %swap3A_848 = tpu.memref_squeeze %swap3A_847 : memref<1x128xf32, #tpu.memory_space<vmem>> -> memref<128xf32, #tpu.memory_space<vmem>>
      %swap3A_849 = arith.constant 64 : index
      %swap3A_850 = tpu.vector_load %swap3A_848[%swap3A_849] {strides = array<i32>} : memref<128xf32, #tpu.memory_space<vmem>>, vector<16xf32>,
      %swap3A_851 = vector.shape_cast %swap3A_850 : vector<16xf32> to vector<16xf32>
      %swap3A_852 = vector.shape_cast %broadcast_in_dim3A_813 : vector<16xf32> to vector<16xf32>
      tpu.vector_store %swap3A_848[%swap3A_849], %swap3A_852 {strides = array<i32>} : memref<128xf32, #tpu.memory_space<vmem>>, vector<16xf32>,
      %swap3A_853 = arith.constant 0 : i32
      %swap3A_854 = arith.constant 0 : i32
      %swap3A_855 = tpu.memref_slice %arg8[%swap3A_853, %swap3A_854] : memref<1x128xf32, #tpu.memory_space<vmem>> -> memref<1x128xf32, #tpu.memory_space<vmem>>
      %swap3A_856 = tpu.memref_squeeze %swap3A_855 : memref<1x128xf32, #tpu.memory_space<vmem>> -> memref<128xf32, #tpu.memory_space<vmem>>
      %swap3A_857 = arith.constant 80 : index
      %swap3A_858 = tpu.vector_load %swap3A_856[%swap3A_857] {strides = array<i32>} : memref<128xf32, #tpu.memory_space<vmem>>, vector<16xf32>,
      %swap3A_859 = vector.shape_cast %swap3A_858 : vector<16xf32> to vector<16xf32>
      %swap3A_860 = vector.shape_cast %broadcast_in_dim3A_813 : vector<16xf32> to vector<16xf32>
      tpu.vector_store %swap3A_856[%swap3A_857], %swap3A_860 {strides = array<i32>} : memref<128xf32, #tpu.memory_space<vmem>>, vector<16xf32>,
      %swap3A_861 = arith.constant 0 : i32
      %swap3A_862 = arith.constant 0 : i32
      %swap3A_863 = tpu.memref_slice %arg8[%swap3A_861, %swap3A_862] : memref<1x128xf32, #tpu.memory_space<vmem>> -> memref<1x128xf32, #tpu.memory_space<vmem>>
      %swap3A_864 = tpu.memref_squeeze %swap3A_863 : memref<1x128xf32, #tpu.memory_space<vmem>> -> memref<128xf32, #tpu.memory_space<vmem>>
      %swap3A_865 = arith.constant 96 : index
      %swap3A_866 = tpu.vector_load %swap3A_864[%swap3A_865] {strides = array<i32>} : memref<128xf32, #tpu.memory_space<vmem>>, vector<16xf32>,
      %swap3A_867 = vector.shape_cast %swap3A_866 : vector<16xf32> to vector<16xf32>
      %swap3A_868 = vector.shape_cast %broadcast_in_dim3A_813 : vector<16xf32> to vector<16xf32>
      tpu.vector_store %swap3A_864[%swap3A_865], %swap3A_868 {strides = array<i32>} : memref<128xf32, #tpu.memory_space<vmem>>, vector<16xf32>,
      %swap3A_869 = arith.constant 0 : i32
      %swap3A_870 = arith.constant 0 : i32
      %swap3A_871 = tpu.memref_slice %arg8[%swap3A_869, %swap3A_870] : memref<1x128xf32, #tpu.memory_space<vmem>> -> memref<1x128xf32, #tpu.memory_space<vmem>>
      %swap3A_872 = tpu.memref_squeeze %swap3A_871 : memref<1x128xf32, #tpu.memory_space<vmem>> -> memref<128xf32, #tpu.memory_space<vmem>>
      %swap3A_873 = arith.constant 112 : index
      %swap3A_874 = tpu.vector_load %swap3A_872[%swap3A_873] {strides = array<i32>} : memref<128xf32, #tpu.memory_space<vmem>>, vector<16xf32>,
      %swap3A_875 = vector.shape_cast %swap3A_874 : vector<16xf32> to vector<16xf32>
      %swap3A_876 = vector.shape_cast %broadcast_in_dim3A_813 : vector<16xf32> to vector<16xf32>
      tpu.vector_store %swap3A_872[%swap3A_873], %swap3A_876 {strides = array<i32>} : memref<128xf32, #tpu.memory_space<vmem>>, vector<16xf32>,
      "tpu.region"() ({
        %run_scoped3A = tpu.sem_alloc : memref<!tpu.dma_semaphore, #tpu.memory_space<semaphore_mem>>
        %dma_start3A_877 = arith.constant 1000 : i32
        %dma_start3A_878 = arith.constant 0 : i32
        %dma_start3A_879 = tpu.memref_slice %arg7[%dma_start3A_877, %dma_start3A_878] : memref<1001x128xf32, #tpu.memory_space<vmem_shared>> -> memref<1x128xf32, #tpu.memory_space<vmem_shared>>
        %dma_start3A_880 = arith.constant 1000 : i32
        %dma_start3A_881 = arith.constant 0 : i32
        %dma_start3A_882 = tpu.memref_slice %arg7[%dma_start3A_880, %dma_start3A_881] : memref<1001x128xf32, #tpu.memory_space<vmem_shared>> -> memref<1x128xf32, #tpu.memory_space<vmem_shared>>
        tpu.enqueue_dma source(%arg8 : memref<1x128xf32, #tpu.memory_space<vmem>>) target(%dma_start3A_882 : memref<1x128xf32, #tpu.memory_space<vmem_shared>>) target_semaphore(%run_scoped3A : memref<!tpu.dma_semaphore, #tpu.memory_space<semaphore_mem>>)
        %dma_wait3A_883 = arith.constant 1000 : i32
        %dma_wait3A_884 = arith.constant 0 : i32
        %dma_wait3A_885 = tpu.memref_slice %arg7[%dma_wait3A_883, %dma_wait3A_884] : memref<1001x128xf32, #tpu.memory_space<vmem_shared>> -> memref<1x128xf32, #tpu.memory_space<vmem_shared>>
        %dma_wait3A_886 = arith.constant 1000 : i32
        %dma_wait3A_887 = arith.constant 0 : i32
        %dma_wait3A_888 = tpu.memref_slice %arg7[%dma_wait3A_886, %dma_wait3A_887] : memref<1001x128xf32, #tpu.memory_space<vmem_shared>> -> memref<1x128xf32, #tpu.memory_space<vmem_shared>>
        tpu.wait_dma2 semaphore(%run_scoped3A : memref<!tpu.dma_semaphore, #tpu.memory_space<semaphore_mem>>) src(%arg8 : memref<1x128xf32, #tpu.memory_space<vmem>>) dst(%dma_wait3A_888 : memref<1x128xf32, #tpu.memory_space<vmem_shared>>)
        tpu.yield
      }) : () -> ()
    } else {
    }
    %barrier3A = arith.constant 0 : index
    tpu.barrier barrier_id(%barrier3A)
    %dma_start3A = arith.constant 0 : i32
    %dma_start3A_11 = arith.constant 0 : i32
    %dma_start3A_12 = arith.constant 0 : i32
    %dma_start3A_13 = tpu.memref_slice %arg6[%dma_start3A, %dma_start3A_11, %dma_start3A_12] : memref<8x80x128xf32, #tpu.memory_space<vmem>> -> memref<1x80x128xf32, #tpu.memory_space<vmem>>
    %dma_start3A_14 = tpu.memref_squeeze %dma_start3A_13 : memref<1x80x128xf32, #tpu.memory_space<vmem>> -> memref<80x128xf32, #tpu.memory_space<vmem>>
    %dma_start3A_15 = arith.constant 0 : i32
    %dma_start3A_16 = tpu.memref_slice %arg5[%dma_start3A_15] : memref<6400xi32, #tpu.memory_space<vmem>> -> memref<80xi32, #tpu.memory_space<vmem>>
    %dma_start3A_17 = arith.constant 0 : i32
    %dma_start3A_18 = arith.constant 0 : i32
    %dma_start3A_19 = tpu.memref_slice %arg7[%dma_start3A_17, %dma_start3A_18] : memref<1001x128xf32, #tpu.memory_space<vmem_shared>> -> memref<1001x128xf32, #tpu.memory_space<vmem_shared>>
    tpu.enqueue_indirect_dma source(%dma_start3A_19 : memref<1001x128xf32, #tpu.memory_space<vmem_shared>>) target(%dma_start3A_14 : memref<80x128xf32, #tpu.memory_space<vmem>>) offsets(%dma_start3A_16 : memref<80xi32, #tpu.memory_space<vmem>>) semaphore(%arg9 : memref<!tpu.dma_semaphore, #tpu.memory_space<semaphore_mem>>)
    %dma_start3A_20 = arith.constant 1 : i32
    %dma_start3A_21 = arith.constant 0 : i32
    %dma_start3A_22 = arith.constant 0 : i32
    %dma_start3A_23 = tpu.memref_slice %arg6[%dma_start3A_20, %dma_start3A_21, %dma_start3A_22] : memref<8x80x128xf32, #tpu.memory_space<vmem>> -> memref<1x80x128xf32, #tpu.memory_space<vmem>>
    %dma_start3A_24 = tpu.memref_squeeze %dma_start3A_23 : memref<1x80x128xf32, #tpu.memory_space<vmem>> -> memref<80x128xf32, #tpu.memory_space<vmem>>
    %dma_start3A_25 = arith.constant 80 : i32
    %dma_start3A_26 = tpu.memref_slice %arg5[%dma_start3A_25] : memref<6400xi32, #tpu.memory_space<vmem>> -> memref<80xi32, #tpu.memory_space<vmem>>
    %dma_start3A_27 = arith.constant 0 : i32
    %dma_start3A_28 = arith.constant 0 : i32
    %dma_start3A_29 = tpu.memref_slice %arg7[%dma_start3A_27, %dma_start3A_28] : memref<1001x128xf32, #tpu.memory_space<vmem_shared>> -> memref<1001x128xf32, #tpu.memory_space<vmem_shared>>
    tpu.enqueue_indirect_dma source(%dma_start3A_29 : memref<1001x128xf32, #tpu.memory_space<vmem_shared>>) target(%dma_start3A_24 : memref<80x128xf32, #tpu.memory_space<vmem>>) offsets(%dma_start3A_26 : memref<80xi32, #tpu.memory_space<vmem>>) semaphore(%arg10 : memref<!tpu.dma_semaphore, #tpu.memory_space<semaphore_mem>>)
    %dma_start3A_30 = arith.constant 2 : i32
    %dma_start3A_31 = arith.constant 0 : i32
    %dma_start3A_32 = arith.constant 0 : i32
    %dma_start3A_33 = tpu.memref_slice %arg6[%dma_start3A_30, %dma_start3A_31, %dma_start3A_32] : memref<8x80x128xf32, #tpu.memory_space<vmem>> -> memref<1x80x128xf32, #tpu.memory_space<vmem>>
    %dma_start3A_34 = tpu.memref_squeeze %dma_start3A_33 : memref<1x80x128xf32, #tpu.memory_space<vmem>> -> memref<80x128xf32, #tpu.memory_space<vmem>>
    %dma_start3A_35 = arith.constant 160 : i32
    %dma_start3A_36 = tpu.memref_slice %arg5[%dma_start3A_35] : memref<6400xi32, #tpu.memory_space<vmem>> -> memref<80xi32, #tpu.memory_space<vmem>>
    %dma_start3A_37 = arith.constant 0 : i32
    %dma_start3A_38 = arith.constant 0 : i32
    %dma_start3A_39 = tpu.memref_slice %arg7[%dma_start3A_37, %dma_start3A_38] : memref<1001x128xf32, #tpu.memory_space<vmem_shared>> -> memref<1001x128xf32, #tpu.memory_space<vmem_shared>>
    tpu.enqueue_indirect_dma source(%dma_start3A_39 : memref<1001x128xf32, #tpu.memory_space<vmem_shared>>) target(%dma_start3A_34 : memref<80x128xf32, #tpu.memory_space<vmem>>) offsets(%dma_start3A_36 : memref<80xi32, #tpu.memory_space<vmem>>) semaphore(%arg11 : memref<!tpu.dma_semaphore, #tpu.memory_space<semaphore_mem>>)
    %dma_start3A_40 = arith.constant 3 : i32
    %dma_start3A_41 = arith.constant 0 : i32
    %dma_start3A_42 = arith.constant 0 : i32
    %dma_start3A_43 = tpu.memref_slice %arg6[%dma_start3A_40, %dma_start3A_41, %dma_start3A_42] : memref<8x80x128xf32, #tpu.memory_space<vmem>> -> memref<1x80x128xf32, #tpu.memory_space<vmem>>
    %dma_start3A_44 = tpu.memref_squeeze %dma_start3A_43 : memref<1x80x128xf32, #tpu.memory_space<vmem>> -> memref<80x128xf32, #tpu.memory_space<vmem>>
    %dma_start3A_45 = arith.constant 240 : i32
    %dma_start3A_46 = tpu.memref_slice %arg5[%dma_start3A_45] : memref<6400xi32, #tpu.memory_space<vmem>> -> memref<80xi32, #tpu.memory_space<vmem>>
    %dma_start3A_47 = arith.constant 0 : i32
    %dma_start3A_48 = arith.constant 0 : i32
    %dma_start3A_49 = tpu.memref_slice %arg7[%dma_start3A_47, %dma_start3A_48] : memref<1001x128xf32, #tpu.memory_space<vmem_shared>> -> memref<1001x128xf32, #tpu.memory_space<vmem_shared>>
    tpu.enqueue_indirect_dma source(%dma_start3A_49 : memref<1001x128xf32, #tpu.memory_space<vmem_shared>>) target(%dma_start3A_44 : memref<80x128xf32, #tpu.memory_space<vmem>>) offsets(%dma_start3A_46 : memref<80xi32, #tpu.memory_space<vmem>>) semaphore(%arg12 : memref<!tpu.dma_semaphore, #tpu.memory_space<semaphore_mem>>)
    %dma_wait3A = arith.constant 0 : i32
    %dma_wait3A_50 = arith.constant 0 : i32
    %dma_wait3A_51 = arith.constant 0 : i32
    %dma_wait3A_52 = tpu.memref_slice %arg6[%dma_wait3A, %dma_wait3A_50, %dma_wait3A_51] : memref<8x80x128xf32, #tpu.memory_space<vmem>> -> memref<1x80x128xf32, #tpu.memory_space<vmem>>
    %dma_wait3A_53 = tpu.memref_squeeze %dma_wait3A_52 : memref<1x80x128xf32, #tpu.memory_space<vmem>> -> memref<80x128xf32, #tpu.memory_space<vmem>>
    %dma_wait3A_54 = arith.constant 0 : i32
    %dma_wait3A_55 = tpu.memref_slice %arg5[%dma_wait3A_54] : memref<6400xi32, #tpu.memory_space<vmem>> -> memref<80xi32, #tpu.memory_space<vmem>>
    %dma_wait3A_56 = arith.constant 0 : i32
    %dma_wait3A_57 = arith.constant 0 : i32
    %dma_wait3A_58 = tpu.memref_slice %arg7[%dma_wait3A_56, %dma_wait3A_57] : memref<1001x128xf32, #tpu.memory_space<vmem_shared>> -> memref<1001x128xf32, #tpu.memory_space<vmem_shared>>
    tpu.wait_indirect_dma semaphore(%arg9 : memref<!tpu.dma_semaphore, #tpu.memory_space<semaphore_mem>>) src(%dma_wait3A_58 : memref<1001x128xf32, #tpu.memory_space<vmem_shared>>) dst(%dma_wait3A_53 : memref<80x128xf32, #tpu.memory_space<vmem>>)
    %add3A_59 = arith.constant 0 : i32
    %add3A_60 = arith.addi %mul3A_2, %add3A_59 : i32
    %dma_start3A_61 = arith.constant 0 : i32
    %dma_start3A_62 = arith.constant 0 : i32
    %dma_start3A_63 = arith.constant 0 : i32
    %dma_start3A_64 = tpu.memref_slice %arg6[%dma_start3A_61, %dma_start3A_62, %dma_start3A_63] : memref<8x80x128xf32, #tpu.memory_space<vmem>> -> memref<1x80x128xf32, #tpu.memory_space<vmem>>
    %dma_start3A_65 = tpu.memref_squeeze %dma_start3A_64 : memref<1x80x128xf32, #tpu.memory_space<vmem>> -> memref<80x128xf32, #tpu.memory_space<vmem>>
    %dma_start3A_66 = arith.constant 0 : i32
    %dma_start3A_67 = tpu.memref_slice %arg4[%add3A_60, %dma_start3A_66] : memref<204800x128xf32, #tpu.memory_space<hbm>> -> memref<80x128xf32, #tpu.memory_space<hbm>>
    %dma_start3A_68 = arith.constant 0 : i32
    %dma_start3A_69 = tpu.memref_slice %arg4[%add3A_60, %dma_start3A_68] : memref<204800x128xf32, #tpu.memory_space<hbm>> -> memref<80x128xf32, #tpu.memory_space<hbm>>
    %dma_start3A_70 = arith.constant 0 : i32
    %dma_start3A_71 = arith.constant 0 : i32
    %dma_start3A_72 = tpu.memref_slice %arg6[%dma_start3A_61, %dma_start3A_70, %dma_start3A_71] : memref<8x80x128xf32, #tpu.memory_space<vmem>> -> memref<1x80x128xf32, #tpu.memory_space<vmem>>
    %dma_start3A_73 = tpu.memref_squeeze %dma_start3A_72 : memref<1x80x128xf32, #tpu.memory_space<vmem>> -> memref<80x128xf32, #tpu.memory_space<vmem>>
    tpu.enqueue_dma source(%dma_start3A_73 : memref<80x128xf32, #tpu.memory_space<vmem>>) target(%dma_start3A_69 : memref<80x128xf32, #tpu.memory_space<hbm>>) target_semaphore(%arg17 : memref<!tpu.dma_semaphore, #tpu.memory_space<semaphore_mem>>)
    %dma_start3A_74 = arith.constant 4 : i32
    %dma_start3A_75 = arith.constant 0 : i32
    %dma_start3A_76 = arith.constant 0 : i32
    %dma_start3A_77 = tpu.memref_slice %arg6[%dma_start3A_74, %dma_start3A_75, %dma_start3A_76] : memref<8x80x128xf32, #tpu.memory_space<vmem>> -> memref<1x80x128xf32, #tpu.memory_space<vmem>>
    %dma_start3A_78 = tpu.memref_squeeze %dma_start3A_77 : memref<1x80x128xf32, #tpu.memory_space<vmem>> -> memref<80x128xf32, #tpu.memory_space<vmem>>
    %dma_start3A_79 = arith.constant 320 : i32
    %dma_start3A_80 = tpu.memref_slice %arg5[%dma_start3A_79] : memref<6400xi32, #tpu.memory_space<vmem>> -> memref<80xi32, #tpu.memory_space<vmem>>
    %dma_start3A_81 = arith.constant 0 : i32
    %dma_start3A_82 = arith.constant 0 : i32
    %dma_start3A_83 = tpu.memref_slice %arg7[%dma_start3A_81, %dma_start3A_82] : memref<1001x128xf32, #tpu.memory_space<vmem_shared>> -> memref<1001x128xf32, #tpu.memory_space<vmem_shared>>
    tpu.enqueue_indirect_dma source(%dma_start3A_83 : memref<1001x128xf32, #tpu.memory_space<vmem_shared>>) target(%dma_start3A_78 : memref<80x128xf32, #tpu.memory_space<vmem>>) offsets(%dma_start3A_80 : memref<80xi32, #tpu.memory_space<vmem>>) semaphore(%arg13 : memref<!tpu.dma_semaphore, #tpu.memory_space<semaphore_mem>>)
    %dma_wait3A_84 = arith.constant 1 : i32
    %dma_wait3A_85 = arith.constant 0 : i32
    %dma_wait3A_86 = arith.constant 0 : i32
    %dma_wait3A_87 = tpu.memref_slice %arg6[%dma_wait3A_84, %dma_wait3A_85, %dma_wait3A_86] : memref<8x80x128xf32, #tpu.memory_space<vmem>> -> memref<1x80x128xf32, #tpu.memory_space<vmem>>
    %dma_wait3A_88 = tpu.memref_squeeze %dma_wait3A_87 : memref<1x80x128xf32, #tpu.memory_space<vmem>> -> memref<80x128xf32, #tpu.memory_space<vmem>>
    %dma_wait3A_89 = arith.constant 80 : i32
    %dma_wait3A_90 = tpu.memref_slice %arg5[%dma_wait3A_89] : memref<6400xi32, #tpu.memory_space<vmem>> -> memref<80xi32, #tpu.memory_space<vmem>>
    %dma_wait3A_91 = arith.constant 0 : i32
    %dma_wait3A_92 = arith.constant 0 : i32
    %dma_wait3A_93 = tpu.memref_slice %arg7[%dma_wait3A_91, %dma_wait3A_92] : memref<1001x128xf32, #tpu.memory_space<vmem_shared>> -> memref<1001x128xf32, #tpu.memory_space<vmem_shared>>
    tpu.wait_indirect_dma semaphore(%arg10 : memref<!tpu.dma_semaphore, #tpu.memory_space<semaphore_mem>>) src(%dma_wait3A_93 : memref<1001x128xf32, #tpu.memory_space<vmem_shared>>) dst(%dma_wait3A_88 : memref<80x128xf32, #tpu.memory_space<vmem>>)
    %add3A_94 = arith.constant 80 : i32
    %add3A_95 = arith.addi %mul3A_2, %add3A_94 : i32
    %dma_start3A_96 = arith.constant 1 : i32
    %dma_start3A_97 = arith.constant 0 : i32
    %dma_start3A_98 = arith.constant 0 : i32
    %dma_start3A_99 = tpu.memref_slice %arg6[%dma_start3A_96, %dma_start3A_97, %dma_start3A_98] : memref<8x80x128xf32, #tpu.memory_space<vmem>> -> memref<1x80x128xf32, #tpu.memory_space<vmem>>
    %dma_start3A_100 = tpu.memref_squeeze %dma_start3A_99 : memref<1x80x128xf32, #tpu.memory_space<vmem>> -> memref<80x128xf32, #tpu.memory_space<vmem>>
    %dma_start3A_101 = arith.constant 0 : i32
    %dma_start3A_102 = tpu.memref_slice %arg4[%add3A_95, %dma_start3A_101] : memref<204800x128xf32, #tpu.memory_space<hbm>> -> memref<80x128xf32, #tpu.memory_space<hbm>>
    %dma_start3A_103 = arith.constant 0 : i32
    %dma_start3A_104 = tpu.memref_slice %arg4[%add3A_95, %dma_start3A_103] : memref<204800x128xf32, #tpu.memory_space<hbm>> -> memref<80x128xf32, #tpu.memory_space<hbm>>
    %dma_start3A_105 = arith.constant 0 : i32
    %dma_start3A_106 = arith.constant 0 : i32
    %dma_start3A_107 = tpu.memref_slice %arg6[%dma_start3A_96, %dma_start3A_105, %dma_start3A_106] : memref<8x80x128xf32, #tpu.memory_space<vmem>> -> memref<1x80x128xf32, #tpu.memory_space<vmem>>
    %dma_start3A_108 = tpu.memref_squeeze %dma_start3A_107 : memref<1x80x128xf32, #tpu.memory_space<vmem>> -> memref<80x128xf32, #tpu.memory_space<vmem>>
    tpu.enqueue_dma source(%dma_start3A_108 : memref<80x128xf32, #tpu.memory_space<vmem>>) target(%dma_start3A_104 : memref<80x128xf32, #tpu.memory_space<hbm>>) target_semaphore(%arg18 : memref<!tpu.dma_semaphore, #tpu.memory_space<semaphore_mem>>)
    %dma_start3A_109 = arith.constant 5 : i32
    %dma_start3A_110 = arith.constant 0 : i32
    %dma_start3A_111 = arith.constant 0 : i32
    %dma_start3A_112 = tpu.memref_slice %arg6[%dma_start3A_109, %dma_start3A_110, %dma_start3A_111] : memref<8x80x128xf32, #tpu.memory_space<vmem>> -> memref<1x80x128xf32, #tpu.memory_space<vmem>>
    %dma_start3A_113 = tpu.memref_squeeze %dma_start3A_112 : memref<1x80x128xf32, #tpu.memory_space<vmem>> -> memref<80x128xf32, #tpu.memory_space<vmem>>
    %dma_start3A_114 = arith.constant 400 : i32
    %dma_start3A_115 = tpu.memref_slice %arg5[%dma_start3A_114] : memref<6400xi32, #tpu.memory_space<vmem>> -> memref<80xi32, #tpu.memory_space<vmem>>
    %dma_start3A_116 = arith.constant 0 : i32
    %dma_start3A_117 = arith.constant 0 : i32
    %dma_start3A_118 = tpu.memref_slice %arg7[%dma_start3A_116, %dma_start3A_117] : memref<1001x128xf32, #tpu.memory_space<vmem_shared>> -> memref<1001x128xf32, #tpu.memory_space<vmem_shared>>
    tpu.enqueue_indirect_dma source(%dma_start3A_118 : memref<1001x128xf32, #tpu.memory_space<vmem_shared>>) target(%dma_start3A_113 : memref<80x128xf32, #tpu.memory_space<vmem>>) offsets(%dma_start3A_115 : memref<80xi32, #tpu.memory_space<vmem>>) semaphore(%arg14 : memref<!tpu.dma_semaphore, #tpu.memory_space<semaphore_mem>>)
    %dma_wait3A_119 = arith.constant 2 : i32
    %dma_wait3A_120 = arith.constant 0 : i32
    %dma_wait3A_121 = arith.constant 0 : i32
    %dma_wait3A_122 = tpu.memref_slice %arg6[%dma_wait3A_119, %dma_wait3A_120, %dma_wait3A_121] : memref<8x80x128xf32, #tpu.memory_space<vmem>> -> memref<1x80x128xf32, #tpu.memory_space<vmem>>
    %dma_wait3A_123 = tpu.memref_squeeze %dma_wait3A_122 : memref<1x80x128xf32, #tpu.memory_space<vmem>> -> memref<80x128xf32, #tpu.memory_space<vmem>>
    %dma_wait3A_124 = arith.constant 160 : i32
    %dma_wait3A_125 = tpu.memref_slice %arg5[%dma_wait3A_124] : memref<6400xi32, #tpu.memory_space<vmem>> -> memref<80xi32, #tpu.memory_space<vmem>>
    %dma_wait3A_126 = arith.constant 0 : i32
    %dma_wait3A_127 = arith.constant 0 : i32
    %dma_wait3A_128 = tpu.memref_slice %arg7[%dma_wait3A_126, %dma_wait3A_127] : memref<1001x128xf32, #tpu.memory_space<vmem_shared>> -> memref<1001x128xf32, #tpu.memory_space<vmem_shared>>
    tpu.wait_indirect_dma semaphore(%arg11 : memref<!tpu.dma_semaphore, #tpu.memory_space<semaphore_mem>>) src(%dma_wait3A_128 : memref<1001x128xf32, #tpu.memory_space<vmem_shared>>) dst(%dma_wait3A_123 : memref<80x128xf32, #tpu.memory_space<vmem>>)
    %add3A_129 = arith.constant 160 : i32
    %add3A_130 = arith.addi %mul3A_2, %add3A_129 : i32
    %dma_start3A_131 = arith.constant 2 : i32
    %dma_start3A_132 = arith.constant 0 : i32
    %dma_start3A_133 = arith.constant 0 : i32
    %dma_start3A_134 = tpu.memref_slice %arg6[%dma_start3A_131, %dma_start3A_132, %dma_start3A_133] : memref<8x80x128xf32, #tpu.memory_space<vmem>> -> memref<1x80x128xf32, #tpu.memory_space<vmem>>
    %dma_start3A_135 = tpu.memref_squeeze %dma_start3A_134 : memref<1x80x128xf32, #tpu.memory_space<vmem>> -> memref<80x128xf32, #tpu.memory_space<vmem>>
    %dma_start3A_136 = arith.constant 0 : i32
    %dma_start3A_137 = tpu.memref_slice %arg4[%add3A_130, %dma_start3A_136] : memref<204800x128xf32, #tpu.memory_space<hbm>> -> memref<80x128xf32, #tpu.memory_space<hbm>>
    %dma_start3A_138 = arith.constant 0 : i32
    %dma_start3A_139 = tpu.memref_slice %arg4[%add3A_130, %dma_start3A_138] : memref<204800x128xf32, #tpu.memory_space<hbm>> -> memref<80x128xf32, #tpu.memory_space<hbm>>
    %dma_start3A_140 = arith.constant 0 : i32
    %dma_start3A_141 = arith.constant 0 : i32
    %dma_start3A_142 = tpu.memref_slice %arg6[%dma_start3A_131, %dma_start3A_140, %dma_start3A_141] : memref<8x80x128xf32, #tpu.memory_space<vmem>> -> memref<1x80x128xf32, #tpu.memory_space<vmem>>
    %dma_start3A_143 = tpu.memref_squeeze %dma_start3A_142 : memref<1x80x128xf32, #tpu.memory_space<vmem>> -> memref<80x128xf32, #tpu.memory_space<vmem>>
    tpu.enqueue_dma source(%dma_start3A_143 : memref<80x128xf32, #tpu.memory_space<vmem>>) target(%dma_start3A_139 : memref<80x128xf32, #tpu.memory_space<hbm>>) target_semaphore(%arg19 : memref<!tpu.dma_semaphore, #tpu.memory_space<semaphore_mem>>)
    %dma_start3A_144 = arith.constant 6 : i32
    %dma_start3A_145 = arith.constant 0 : i32
    %dma_start3A_146 = arith.constant 0 : i32
    %dma_start3A_147 = tpu.memref_slice %arg6[%dma_start3A_144, %dma_start3A_145, %dma_start3A_146] : memref<8x80x128xf32, #tpu.memory_space<vmem>> -> memref<1x80x128xf32, #tpu.memory_space<vmem>>
    %dma_start3A_148 = tpu.memref_squeeze %dma_start3A_147 : memref<1x80x128xf32, #tpu.memory_space<vmem>> -> memref<80x128xf32, #tpu.memory_space<vmem>>
    %dma_start3A_149 = arith.constant 480 : i32
    %dma_start3A_150 = tpu.memref_slice %arg5[%dma_start3A_149] : memref<6400xi32, #tpu.memory_space<vmem>> -> memref<80xi32, #tpu.memory_space<vmem>>
    %dma_start3A_151 = arith.constant 0 : i32
    %dma_start3A_152 = arith.constant 0 : i32
    %dma_start3A_153 = tpu.memref_slice %arg7[%dma_start3A_151, %dma_start3A_152] : memref<1001x128xf32, #tpu.memory_space<vmem_shared>> -> memref<1001x128xf32, #tpu.memory_space<vmem_shared>>
    tpu.enqueue_indirect_dma source(%dma_start3A_153 : memref<1001x128xf32, #tpu.memory_space<vmem_shared>>) target(%dma_start3A_148 : memref<80x128xf32, #tpu.memory_space<vmem>>) offsets(%dma_start3A_150 : memref<80xi32, #tpu.memory_space<vmem>>) semaphore(%arg15 : memref<!tpu.dma_semaphore, #tpu.memory_space<semaphore_mem>>)
    %dma_wait3A_154 = arith.constant 3 : i32
    %dma_wait3A_155 = arith.constant 0 : i32
    %dma_wait3A_156 = arith.constant 0 : i32
    %dma_wait3A_157 = tpu.memref_slice %arg6[%dma_wait3A_154, %dma_wait3A_155, %dma_wait3A_156] : memref<8x80x128xf32, #tpu.memory_space<vmem>> -> memref<1x80x128xf32, #tpu.memory_space<vmem>>
    %dma_wait3A_158 = tpu.memref_squeeze %dma_wait3A_157 : memref<1x80x128xf32, #tpu.memory_space<vmem>> -> memref<80x128xf32, #tpu.memory_space<vmem>>
    %dma_wait3A_159 = arith.constant 240 : i32
    %dma_wait3A_160 = tpu.memref_slice %arg5[%dma_wait3A_159] : memref<6400xi32, #tpu.memory_space<vmem>> -> memref<80xi32, #tpu.memory_space<vmem>>
    %dma_wait3A_161 = arith.constant 0 : i32
    %dma_wait3A_162 = arith.constant 0 : i32
    %dma_wait3A_163 = tpu.memref_slice %arg7[%dma_wait3A_161, %dma_wait3A_162] : memref<1001x128xf32, #tpu.memory_space<vmem_shared>> -> memref<1001x128xf32, #tpu.memory_space<vmem_shared>>
    tpu.wait_indirect_dma semaphore(%arg12 : memref<!tpu.dma_semaphore, #tpu.memory_space<semaphore_mem>>) src(%dma_wait3A_163 : memref<1001x128xf32, #tpu.memory_space<vmem_shared>>) dst(%dma_wait3A_158 : memref<80x128xf32, #tpu.memory_space<vmem>>)
    %add3A_164 = arith.constant 240 : i32
    %add3A_165 = arith.addi %mul3A_2, %add3A_164 : i32
    %dma_start3A_166 = arith.constant 3 : i32
    %dma_start3A_167 = arith.constant 0 : i32
    %dma_start3A_168 = arith.constant 0 : i32
    %dma_start3A_169 = tpu.memref_slice %arg6[%dma_start3A_166, %dma_start3A_167, %dma_start3A_168] : memref<8x80x128xf32, #tpu.memory_space<vmem>> -> memref<1x80x128xf32, #tpu.memory_space<vmem>>
    %dma_start3A_170 = tpu.memref_squeeze %dma_start3A_169 : memref<1x80x128xf32, #tpu.memory_space<vmem>> -> memref<80x128xf32, #tpu.memory_space<vmem>>
    %dma_start3A_171 = arith.constant 0 : i32
    %dma_start3A_172 = tpu.memref_slice %arg4[%add3A_165, %dma_start3A_171] : memref<204800x128xf32, #tpu.memory_space<hbm>> -> memref<80x128xf32, #tpu.memory_space<hbm>>
    %dma_start3A_173 = arith.constant 0 : i32
    %dma_start3A_174 = tpu.memref_slice %arg4[%add3A_165, %dma_start3A_173] : memref<204800x128xf32, #tpu.memory_space<hbm>> -> memref<80x128xf32, #tpu.memory_space<hbm>>
    %dma_start3A_175 = arith.constant 0 : i32
    %dma_start3A_176 = arith.constant 0 : i32
    %dma_start3A_177 = tpu.memref_slice %arg6[%dma_start3A_166, %dma_start3A_175, %dma_start3A_176] : memref<8x80x128xf32, #tpu.memory_space<vmem>> -> memref<1x80x128xf32, #tpu.memory_space<vmem>>
    %dma_start3A_178 = tpu.memref_squeeze %dma_start3A_177 : memref<1x80x128xf32, #tpu.memory_space<vmem>> -> memref<80x128xf32, #tpu.memory_space<vmem>>
    tpu.enqueue_dma source(%dma_start3A_178 : memref<80x128xf32, #tpu.memory_space<vmem>>) target(%dma_start3A_174 : memref<80x128xf32, #tpu.memory_space<hbm>>) target_semaphore(%arg20 : memref<!tpu.dma_semaphore, #tpu.memory_space<semaphore_mem>>)
    %dma_start3A_179 = arith.constant 7 : i32
    %dma_start3A_180 = arith.constant 0 : i32
    %dma_start3A_181 = arith.constant 0 : i32
    %dma_start3A_182 = tpu.memref_slice %arg6[%dma_start3A_179, %dma_start3A_180, %dma_start3A_181] : memref<8x80x128xf32, #tpu.memory_space<vmem>> -> memref<1x80x128xf32, #tpu.memory_space<vmem>>
    %dma_start3A_183 = tpu.memref_squeeze %dma_start3A_182 : memref<1x80x128xf32, #tpu.memory_space<vmem>> -> memref<80x128xf32, #tpu.memory_space<vmem>>
    %dma_start3A_184 = arith.constant 560 : i32
    %dma_start3A_185 = tpu.memref_slice %arg5[%dma_start3A_184] : memref<6400xi32, #tpu.memory_space<vmem>> -> memref<80xi32, #tpu.memory_space<vmem>>
    %dma_start3A_186 = arith.constant 0 : i32
    %dma_start3A_187 = arith.constant 0 : i32
    %dma_start3A_188 = tpu.memref_slice %arg7[%dma_start3A_186, %dma_start3A_187] : memref<1001x128xf32, #tpu.memory_space<vmem_shared>> -> memref<1001x128xf32, #tpu.memory_space<vmem_shared>>
    tpu.enqueue_indirect_dma source(%dma_start3A_188 : memref<1001x128xf32, #tpu.memory_space<vmem_shared>>) target(%dma_start3A_183 : memref<80x128xf32, #tpu.memory_space<vmem>>) offsets(%dma_start3A_185 : memref<80xi32, #tpu.memory_space<vmem>>) semaphore(%arg16 : memref<!tpu.dma_semaphore, #tpu.memory_space<semaphore_mem>>)
    %dma_wait3A_189 = arith.constant 4 : i32
    %dma_wait3A_190 = arith.constant 0 : i32
    %dma_wait3A_191 = arith.constant 0 : i32
    %dma_wait3A_192 = tpu.memref_slice %arg6[%dma_wait3A_189, %dma_wait3A_190, %dma_wait3A_191] : memref<8x80x128xf32, #tpu.memory_space<vmem>> -> memref<1x80x128xf32, #tpu.memory_space<vmem>>
    %dma_wait3A_193 = tpu.memref_squeeze %dma_wait3A_192 : memref<1x80x128xf32, #tpu.memory_space<vmem>> -> memref<80x128xf32, #tpu.memory_space<vmem>>
    %dma_wait3A_194 = arith.constant 320 : i32
    %dma_wait3A_195 = tpu.memref_slice %arg5[%dma_wait3A_194] : memref<6400xi32, #tpu.memory_space<vmem>> -> memref<80xi32, #tpu.memory_space<vmem>>
    %dma_wait3A_196 = arith.constant 0 : i32
    %dma_wait3A_197 = arith.constant 0 : i32
    %dma_wait3A_198 = tpu.memref_slice %arg7[%dma_wait3A_196, %dma_wait3A_197] : memref<1001x128xf32, #tpu.memory_space<vmem_shared>> -> memref<1001x128xf32, #tpu.memory_space<vmem_shared>>
    tpu.wait_indirect_dma semaphore(%arg13 : memref<!tpu.dma_semaphore, #tpu.memory_space<semaphore_mem>>) src(%dma_wait3A_198 : memref<1001x128xf32, #tpu.memory_space<vmem_shared>>) dst(%dma_wait3A_193 : memref<80x128xf32, #tpu.memory_space<vmem>>)
    %add3A_199 = arith.constant 320 : i32
    %add3A_200 = arith.addi %mul3A_2, %add3A_199 : i32
    %dma_start3A_201 = arith.constant 4 : i32
    %dma_start3A_202 = arith.constant 0 : i32
    %dma_start3A_203 = arith.constant 0 : i32
    %dma_start3A_204 = tpu.memref_slice %arg6[%dma_start3A_201, %dma_start3A_202, %dma_start3A_203] : memref<8x80x128xf32, #tpu.memory_space<vmem>> -> memref<1x80x128xf32, #tpu.memory_space<vmem>>
    %dma_start3A_205 = tpu.memref_squeeze %dma_start3A_204 : memref<1x80x128xf32, #tpu.memory_space<vmem>> -> memref<80x128xf32, #tpu.memory_space<vmem>>
    %dma_start3A_206 = arith.constant 0 : i32
    %dma_start3A_207 = tpu.memref_slice %arg4[%add3A_200, %dma_start3A_206] : memref<204800x128xf32, #tpu.memory_space<hbm>> -> memref<80x128xf32, #tpu.memory_space<hbm>>
    %dma_start3A_208 = arith.constant 0 : i32
    %dma_start3A_209 = tpu.memref_slice %arg4[%add3A_200, %dma_start3A_208] : memref<204800x128xf32, #tpu.memory_space<hbm>> -> memref<80x128xf32, #tpu.memory_space<hbm>>
    %dma_start3A_210 = arith.constant 0 : i32
    %dma_start3A_211 = arith.constant 0 : i32
    %dma_start3A_212 = tpu.memref_slice %arg6[%dma_start3A_201, %dma_start3A_210, %dma_start3A_211] : memref<8x80x128xf32, #tpu.memory_space<vmem>> -> memref<1x80x128xf32, #tpu.memory_space<vmem>>
    %dma_start3A_213 = tpu.memref_squeeze %dma_start3A_212 : memref<1x80x128xf32, #tpu.memory_space<vmem>> -> memref<80x128xf32, #tpu.memory_space<vmem>>
    tpu.enqueue_dma source(%dma_start3A_213 : memref<80x128xf32, #tpu.memory_space<vmem>>) target(%dma_start3A_209 : memref<80x128xf32, #tpu.memory_space<hbm>>) target_semaphore(%arg21 : memref<!tpu.dma_semaphore, #tpu.memory_space<semaphore_mem>>)
    %add3A_214 = arith.constant 0 : i32
    %add3A_215 = arith.addi %mul3A_2, %add3A_214 : i32
    %dma_wait3A_216 = arith.constant 0 : i32
    %dma_wait3A_217 = arith.constant 0 : i32
    %dma_wait3A_218 = arith.constant 0 : i32
    %dma_wait3A_219 = tpu.memref_slice %arg6[%dma_wait3A_216, %dma_wait3A_217, %dma_wait3A_218] : memref<8x80x128xf32, #tpu.memory_space<vmem>> -> memref<1x80x128xf32, #tpu.memory_space<vmem>>
    %dma_wait3A_220 = tpu.memref_squeeze %dma_wait3A_219 : memref<1x80x128xf32, #tpu.memory_space<vmem>> -> memref<80x128xf32, #tpu.memory_space<vmem>>
    %dma_wait3A_221 = arith.constant 0 : i32
    %dma_wait3A_222 = tpu.memref_slice %arg4[%add3A_215, %dma_wait3A_221] : memref<204800x128xf32, #tpu.memory_space<hbm>> -> memref<80x128xf32, #tpu.memory_space<hbm>>
    %dma_wait3A_223 = arith.constant 0 : i32
    %dma_wait3A_224 = tpu.memref_slice %arg4[%add3A_215, %dma_wait3A_223] : memref<204800x128xf32, #tpu.memory_space<hbm>> -> memref<80x128xf32, #tpu.memory_space<hbm>>
    %dma_wait3A_225 = arith.constant 0 : i32
    %dma_wait3A_226 = arith.constant 0 : i32
    %dma_wait3A_227 = tpu.memref_slice %arg6[%dma_wait3A_216, %dma_wait3A_225, %dma_wait3A_226] : memref<8x80x128xf32, #tpu.memory_space<vmem>> -> memref<1x80x128xf32, #tpu.memory_space<vmem>>
    %dma_wait3A_228 = tpu.memref_squeeze %dma_wait3A_227 : memref<1x80x128xf32, #tpu.memory_space<vmem>> -> memref<80x128xf32, #tpu.memory_space<vmem>>
    tpu.wait_dma2 semaphore(%arg17 : memref<!tpu.dma_semaphore, #tpu.memory_space<semaphore_mem>>) src(%dma_wait3A_228 : memref<80x128xf32, #tpu.memory_space<vmem>>) dst(%dma_wait3A_224 : memref<80x128xf32, #tpu.memory_space<hbm>>)
    %dma_start3A_229 = arith.constant 0 : i32
    %dma_start3A_230 = arith.constant 0 : i32
    %dma_start3A_231 = arith.constant 0 : i32
    %dma_start3A_232 = tpu.memref_slice %arg6[%dma_start3A_229, %dma_start3A_230, %dma_start3A_231] : memref<8x80x128xf32, #tpu.memory_space<vmem>> -> memref<1x80x128xf32, #tpu.memory_space<vmem>>
    %dma_start3A_233 = tpu.memref_squeeze %dma_start3A_232 : memref<1x80x128xf32, #tpu.memory_space<vmem>> -> memref<80x128xf32, #tpu.memory_space<vmem>>
    %dma_start3A_234 = arith.constant 640 : i32
    %dma_start3A_235 = tpu.memref_slice %arg5[%dma_start3A_234] : memref<6400xi32, #tpu.memory_space<vmem>> -> memref<80xi32, #tpu.memory_space<vmem>>
    %dma_start3A_236 = arith.constant 0 : i32
    %dma_start3A_237 = arith.constant 0 : i32
    %dma_start3A_238 = tpu.memref_slice %arg7[%dma_start3A_236, %dma_start3A_237] : memref<1001x128xf32, #tpu.memory_space<vmem_shared>> -> memref<1001x128xf32, #tpu.memory_space<vmem_shared>>
    tpu.enqueue_indirect_dma source(%dma_start3A_238 : memref<1001x128xf32, #tpu.memory_space<vmem_shared>>) target(%dma_start3A_233 : memref<80x128xf32, #tpu.memory_space<vmem>>) offsets(%dma_start3A_235 : memref<80xi32, #tpu.memory_space<vmem>>) semaphore(%arg9 : memref<!tpu.dma_semaphore, #tpu.memory_space<semaphore_mem>>)
    %dma_wait3A_239 = arith.constant 5 : i32
    %dma_wait3A_240 = arith.constant 0 : i32
    %dma_wait3A_241 = arith.constant 0 : i32
    %dma_wait3A_242 = tpu.memref_slice %arg6[%dma_wait3A_239, %dma_wait3A_240, %dma_wait3A_241] : memref<8x80x128xf32, #tpu.memory_space<vmem>> -> memref<1x80x128xf32, #tpu.memory_space<vmem>>
    %dma_wait3A_243 = tpu.memref_squeeze %dma_wait3A_242 : memref<1x80x128xf32, #tpu.memory_space<vmem>> -> memref<80x128xf32, #tpu.memory_space<vmem>>
    %dma_wait3A_244 = arith.constant 400 : i32
    %dma_wait3A_245 = tpu.memref_slice %arg5[%dma_wait3A_244] : memref<6400xi32, #tpu.memory_space<vmem>> -> memref<80xi32, #tpu.memory_space<vmem>>
    %dma_wait3A_246 = arith.constant 0 : i32
    %dma_wait3A_247 = arith.constant 0 : i32
    %dma_wait3A_248 = tpu.memref_slice %arg7[%dma_wait3A_246, %dma_wait3A_247] : memref<1001x128xf32, #tpu.memory_space<vmem_shared>> -> memref<1001x128xf32, #tpu.memory_space<vmem_shared>>
    tpu.wait_indirect_dma semaphore(%arg14 : memref<!tpu.dma_semaphore, #tpu.memory_space<semaphore_mem>>) src(%dma_wait3A_248 : memref<1001x128xf32, #tpu.memory_space<vmem_shared>>) dst(%dma_wait3A_243 : memref<80x128xf32, #tpu.memory_space<vmem>>)
    %add3A_249 = arith.constant 400 : i32
    %add3A_250 = arith.addi %mul3A_2, %add3A_249 : i32
    %dma_start3A_251 = arith.constant 5 : i32
    %dma_start3A_252 = arith.constant 0 : i32
    %dma_start3A_253 = arith.constant 0 : i32
    %dma_start3A_254 = tpu.memref_slice %arg6[%dma_start3A_251, %dma_start3A_252, %dma_start3A_253] : memref<8x80x128xf32, #tpu.memory_space<vmem>> -> memref<1x80x128xf32, #tpu.memory_space<vmem>>
    %dma_start3A_255 = tpu.memref_squeeze %dma_start3A_254 : memref<1x80x128xf32, #tpu.memory_space<vmem>> -> memref<80x128xf32, #tpu.memory_space<vmem>>
    %dma_start3A_256 = arith.constant 0 : i32
    %dma_start3A_257 = tpu.memref_slice %arg4[%add3A_250, %dma_start3A_256] : memref<204800x128xf32, #tpu.memory_space<hbm>> -> memref<80x128xf32, #tpu.memory_space<hbm>>
    %dma_start3A_258 = arith.constant 0 : i32
    %dma_start3A_259 = tpu.memref_slice %arg4[%add3A_250, %dma_start3A_258] : memref<204800x128xf32, #tpu.memory_space<hbm>> -> memref<80x128xf32, #tpu.memory_space<hbm>>
    %dma_start3A_260 = arith.constant 0 : i32
    %dma_start3A_261 = arith.constant 0 : i32
    %dma_start3A_262 = tpu.memref_slice %arg6[%dma_start3A_251, %dma_start3A_260, %dma_start3A_261] : memref<8x80x128xf32, #tpu.memory_space<vmem>> -> memref<1x80x128xf32, #tpu.memory_space<vmem>>
    %dma_start3A_263 = tpu.memref_squeeze %dma_start3A_262 : memref<1x80x128xf32, #tpu.memory_space<vmem>> -> memref<80x128xf32, #tpu.memory_space<vmem>>
    tpu.enqueue_dma source(%dma_start3A_263 : memref<80x128xf32, #tpu.memory_space<vmem>>) target(%dma_start3A_259 : memref<80x128xf32, #tpu.memory_space<hbm>>) target_semaphore(%arg22 : memref<!tpu.dma_semaphore, #tpu.memory_space<semaphore_mem>>)
    %add3A_264 = arith.constant 80 : i32
    %add3A_265 = arith.addi %mul3A_2, %add3A_264 : i32
    %dma_wait3A_266 = arith.constant 1 : i32
    %dma_wait3A_267 = arith.constant 0 : i32
    %dma_wait3A_268 = arith.constant 0 : i32
    %dma_wait3A_269 = tpu.memref_slice %arg6[%dma_wait3A_266, %dma_wait3A_267, %dma_wait3A_268] : memref<8x80x128xf32, #tpu.memory_space<vmem>> -> memref<1x80x128xf32, #tpu.memory_space<vmem>>
    %dma_wait3A_270 = tpu.memref_squeeze %dma_wait3A_269 : memref<1x80x128xf32, #tpu.memory_space<vmem>> -> memref<80x128xf32, #tpu.memory_space<vmem>>
    %dma_wait3A_271 = arith.constant 0 : i32
    %dma_wait3A_272 = tpu.memref_slice %arg4[%add3A_265, %dma_wait3A_271] : memref<204800x128xf32, #tpu.memory_space<hbm>> -> memref<80x128xf32, #tpu.memory_space<hbm>>
    %dma_wait3A_273 = arith.constant 0 : i32
    %dma_wait3A_274 = tpu.memref_slice %arg4[%add3A_265, %dma_wait3A_273] : memref<204800x128xf32, #tpu.memory_space<hbm>> -> memref<80x128xf32, #tpu.memory_space<hbm>>
    %dma_wait3A_275 = arith.constant 0 : i32
    %dma_wait3A_276 = arith.constant 0 : i32
    %dma_wait3A_277 = tpu.memref_slice %arg6[%dma_wait3A_266, %dma_wait3A_275, %dma_wait3A_276] : memref<8x80x128xf32, #tpu.memory_space<vmem>> -> memref<1x80x128xf32, #tpu.memory_space<vmem>>
    %dma_wait3A_278 = tpu.memref_squeeze %dma_wait3A_277 : memref<1x80x128xf32, #tpu.memory_space<vmem>> -> memref<80x128xf32, #tpu.memory_space<vmem>>
    tpu.wait_dma2 semaphore(%arg18 : memref<!tpu.dma_semaphore, #tpu.memory_space<semaphore_mem>>) src(%dma_wait3A_278 : memref<80x128xf32, #tpu.memory_space<vmem>>) dst(%dma_wait3A_274 : memref<80x128xf32, #tpu.memory_space<hbm>>)
    %dma_start3A_279 = arith.constant 1 : i32
    %dma_start3A_280 = arith.constant 0 : i32
    %dma_start3A_281 = arith.constant 0 : i32
    %dma_start3A_282 = tpu.memref_slice %arg6[%dma_start3A_279, %dma_start3A_280, %dma_start3A_281] : memref<8x80x128xf32, #tpu.memory_space<vmem>> -> memref<1x80x128xf32, #tpu.memory_space<vmem>>
    %dma_start3A_283 = tpu.memref_squeeze %dma_start3A_282 : memref<1x80x128xf32, #tpu.memory_space<vmem>> -> memref<80x128xf32, #tpu.memory_space<vmem>>
    %dma_start3A_284 = arith.constant 720 : i32
    %dma_start3A_285 = tpu.memref_slice %arg5[%dma_start3A_284] : memref<6400xi32, #tpu.memory_space<vmem>> -> memref<80xi32, #tpu.memory_space<vmem>>
    %dma_start3A_286 = arith.constant 0 : i32
    %dma_start3A_287 = arith.constant 0 : i32
    %dma_start3A_288 = tpu.memref_slice %arg7[%dma_start3A_286, %dma_start3A_287] : memref<1001x128xf32, #tpu.memory_space<vmem_shared>> -> memref<1001x128xf32, #tpu.memory_space<vmem_shared>>
    tpu.enqueue_indirect_dma source(%dma_start3A_288 : memref<1001x128xf32, #tpu.memory_space<vmem_shared>>) target(%dma_start3A_283 : memref<80x128xf32, #tpu.memory_space<vmem>>) offsets(%dma_start3A_285 : memref<80xi32, #tpu.memory_space<vmem>>) semaphore(%arg10 : memref<!tpu.dma_semaphore, #tpu.memory_space<semaphore_mem>>)
    %dma_wait3A_289 = arith.constant 6 : i32
    %dma_wait3A_290 = arith.constant 0 : i32
    %dma_wait3A_291 = arith.constant 0 : i32
    %dma_wait3A_292 = tpu.memref_slice %arg6[%dma_wait3A_289, %dma_wait3A_290, %dma_wait3A_291] : memref<8x80x128xf32, #tpu.memory_space<vmem>> -> memref<1x80x128xf32, #tpu.memory_space<vmem>>
    %dma_wait3A_293 = tpu.memref_squeeze %dma_wait3A_292 : memref<1x80x128xf32, #tpu.memory_space<vmem>> -> memref<80x128xf32, #tpu.memory_space<vmem>>
    %dma_wait3A_294 = arith.constant 480 : i32
    %dma_wait3A_295 = tpu.memref_slice %arg5[%dma_wait3A_294] : memref<6400xi32, #tpu.memory_space<vmem>> -> memref<80xi32, #tpu.memory_space<vmem>>
    %dma_wait3A_296 = arith.constant 0 : i32
    %dma_wait3A_297 = arith.constant 0 : i32
    %dma_wait3A_298 = tpu.memref_slice %arg7[%dma_wait3A_296, %dma_wait3A_297] : memref<1001x128xf32, #tpu.memory_space<vmem_shared>> -> memref<1001x128xf32, #tpu.memory_space<vmem_shared>>
    tpu.wait_indirect_dma semaphore(%arg15 : memref<!tpu.dma_semaphore, #tpu.memory_space<semaphore_mem>>) src(%dma_wait3A_298 : memref<1001x128xf32, #tpu.memory_space<vmem_shared>>) dst(%dma_wait3A_293 : memref<80x128xf32, #tpu.memory_space<vmem>>)
    %add3A_299 = arith.constant 480 : i32
    %add3A_300 = arith.addi %mul3A_2, %add3A_299 : i32
    %dma_start3A_301 = arith.constant 6 : i32
    %dma_start3A_302 = arith.constant 0 : i32
    %dma_start3A_303 = arith.constant 0 : i32
    %dma_start3A_304 = tpu.memref_slice %arg6[%dma_start3A_301, %dma_start3A_302, %dma_start3A_303] : memref<8x80x128xf32, #tpu.memory_space<vmem>> -> memref<1x80x128xf32, #tpu.memory_space<vmem>>
    %dma_start3A_305 = tpu.memref_squeeze %dma_start3A_304 : memref<1x80x128xf32, #tpu.memory_space<vmem>> -> memref<80x128xf32, #tpu.memory_space<vmem>>
    %dma_start3A_306 = arith.constant 0 : i32
    %dma_start3A_307 = tpu.memref_slice %arg4[%add3A_300, %dma_start3A_306] : memref<204800x128xf32, #tpu.memory_space<hbm>> -> memref<80x128xf32, #tpu.memory_space<hbm>>
    %dma_start3A_308 = arith.constant 0 : i32
    %dma_start3A_309 = tpu.memref_slice %arg4[%add3A_300, %dma_start3A_308] : memref<204800x128xf32, #tpu.memory_space<hbm>> -> memref<80x128xf32, #tpu.memory_space<hbm>>
    %dma_start3A_310 = arith.constant 0 : i32
    %dma_start3A_311 = arith.constant 0 : i32
    %dma_start3A_312 = tpu.memref_slice %arg6[%dma_start3A_301, %dma_start3A_310, %dma_start3A_311] : memref<8x80x128xf32, #tpu.memory_space<vmem>> -> memref<1x80x128xf32, #tpu.memory_space<vmem>>
    %dma_start3A_313 = tpu.memref_squeeze %dma_start3A_312 : memref<1x80x128xf32, #tpu.memory_space<vmem>> -> memref<80x128xf32, #tpu.memory_space<vmem>>
    tpu.enqueue_dma source(%dma_start3A_313 : memref<80x128xf32, #tpu.memory_space<vmem>>) target(%dma_start3A_309 : memref<80x128xf32, #tpu.memory_space<hbm>>) target_semaphore(%arg23 : memref<!tpu.dma_semaphore, #tpu.memory_space<semaphore_mem>>)
    %add3A_314 = arith.constant 160 : i32
    %add3A_315 = arith.addi %mul3A_2, %add3A_314 : i32
    %dma_wait3A_316 = arith.constant 2 : i32
    %dma_wait3A_317 = arith.constant 0 : i32
    %dma_wait3A_318 = arith.constant 0 : i32
    %dma_wait3A_319 = tpu.memref_slice %arg6[%dma_wait3A_316, %dma_wait3A_317, %dma_wait3A_318] : memref<8x80x128xf32, #tpu.memory_space<vmem>> -> memref<1x80x128xf32, #tpu.memory_space<vmem>>
    %dma_wait3A_320 = tpu.memref_squeeze %dma_wait3A_319 : memref<1x80x128xf32, #tpu.memory_space<vmem>> -> memref<80x128xf32, #tpu.memory_space<vmem>>
    %dma_wait3A_321 = arith.constant 0 : i32
    %dma_wait3A_322 = tpu.memref_slice %arg4[%add3A_315, %dma_wait3A_321] : memref<204800x128xf32, #tpu.memory_space<hbm>> -> memref<80x128xf32, #tpu.memory_space<hbm>>
    %dma_wait3A_323 = arith.constant 0 : i32
    %dma_wait3A_324 = tpu.memref_slice %arg4[%add3A_315, %dma_wait3A_323] : memref<204800x128xf32, #tpu.memory_space<hbm>> -> memref<80x128xf32, #tpu.memory_space<hbm>>
    %dma_wait3A_325 = arith.constant 0 : i32
    %dma_wait3A_326 = arith.constant 0 : i32
    %dma_wait3A_327 = tpu.memref_slice %arg6[%dma_wait3A_316, %dma_wait3A_325, %dma_wait3A_326] : memref<8x80x128xf32, #tpu.memory_space<vmem>> -> memref<1x80x128xf32, #tpu.memory_space<vmem>>
    %dma_wait3A_328 = tpu.memref_squeeze %dma_wait3A_327 : memref<1x80x128xf32, #tpu.memory_space<vmem>> -> memref<80x128xf32, #tpu.memory_space<vmem>>
    tpu.wait_dma2 semaphore(%arg19 : memref<!tpu.dma_semaphore, #tpu.memory_space<semaphore_mem>>) src(%dma_wait3A_328 : memref<80x128xf32, #tpu.memory_space<vmem>>) dst(%dma_wait3A_324 : memref<80x128xf32, #tpu.memory_space<hbm>>)
    %dma_start3A_329 = arith.constant 2 : i32
    %dma_start3A_330 = arith.constant 0 : i32
    %dma_start3A_331 = arith.constant 0 : i32
    %dma_start3A_332 = tpu.memref_slice %arg6[%dma_start3A_329, %dma_start3A_330, %dma_start3A_331] : memref<8x80x128xf32, #tpu.memory_space<vmem>> -> memref<1x80x128xf32, #tpu.memory_space<vmem>>
    %dma_start3A_333 = tpu.memref_squeeze %dma_start3A_332 : memref<1x80x128xf32, #tpu.memory_space<vmem>> -> memref<80x128xf32, #tpu.memory_space<vmem>>
    %dma_start3A_334 = arith.constant 800 : i32
    %dma_start3A_335 = tpu.memref_slice %arg5[%dma_start3A_334] : memref<6400xi32, #tpu.memory_space<vmem>> -> memref<80xi32, #tpu.memory_space<vmem>>
    %dma_start3A_336 = arith.constant 0 : i32
    %dma_start3A_337 = arith.constant 0 : i32
    %dma_start3A_338 = tpu.memref_slice %arg7[%dma_start3A_336, %dma_start3A_337] : memref<1001x128xf32, #tpu.memory_space<vmem_shared>> -> memref<1001x128xf32, #tpu.memory_space<vmem_shared>>
    tpu.enqueue_indirect_dma source(%dma_start3A_338 : memref<1001x128xf32, #tpu.memory_space<vmem_shared>>) target(%dma_start3A_333 : memref<80x128xf32, #tpu.memory_space<vmem>>) offsets(%dma_start3A_335 : memref<80xi32, #tpu.memory_space<vmem>>) semaphore(%arg11 : memref<!tpu.dma_semaphore, #tpu.memory_space<semaphore_mem>>)
    %dma_wait3A_339 = arith.constant 7 : i32
    %dma_wait3A_340 = arith.constant 0 : i32
    %dma_wait3A_341 = arith.constant 0 : i32
    %dma_wait3A_342 = tpu.memref_slice %arg6[%dma_wait3A_339, %dma_wait3A_340, %dma_wait3A_341] : memref<8x80x128xf32, #tpu.memory_space<vmem>> -> memref<1x80x128xf32, #tpu.memory_space<vmem>>
    %dma_wait3A_343 = tpu.memref_squeeze %dma_wait3A_342 : memref<1x80x128xf32, #tpu.memory_space<vmem>> -> memref<80x128xf32, #tpu.memory_space<vmem>>
    %dma_wait3A_344 = arith.constant 560 : i32
    %dma_wait3A_345 = tpu.memref_slice %arg5[%dma_wait3A_344] : memref<6400xi32, #tpu.memory_space<vmem>> -> memref<80xi32, #tpu.memory_space<vmem>>
    %dma_wait3A_346 = arith.constant 0 : i32
    %dma_wait3A_347 = arith.constant 0 : i32
    %dma_wait3A_348 = tpu.memref_slice %arg7[%dma_wait3A_346, %dma_wait3A_347] : memref<1001x128xf32, #tpu.memory_space<vmem_shared>> -> memref<1001x128xf32, #tpu.memory_space<vmem_shared>>
    tpu.wait_indirect_dma semaphore(%arg16 : memref<!tpu.dma_semaphore, #tpu.memory_space<semaphore_mem>>) src(%dma_wait3A_348 : memref<1001x128xf32, #tpu.memory_space<vmem_shared>>) dst(%dma_wait3A_343 : memref<80x128xf32, #tpu.memory_space<vmem>>)
    %add3A_349 = arith.constant 560 : i32
    %add3A_350 = arith.addi %mul3A_2, %add3A_349 : i32
    %dma_start3A_351 = arith.constant 7 : i32
    %dma_start3A_352 = arith.constant 0 : i32
    %dma_start3A_353 = arith.constant 0 : i32
    %dma_start3A_354 = tpu.memref_slice %arg6[%dma_start3A_351, %dma_start3A_352, %dma_start3A_353] : memref<8x80x128xf32, #tpu.memory_space<vmem>> -> memref<1x80x128xf32, #tpu.memory_space<vmem>>
    %dma_start3A_355 = tpu.memref_squeeze %dma_start3A_354 : memref<1x80x128xf32, #tpu.memory_space<vmem>> -> memref<80x128xf32, #tpu.memory_space<vmem>>
    %dma_start3A_356 = arith.constant 0 : i32
    %dma_start3A_357 = tpu.memref_slice %arg4[%add3A_350, %dma_start3A_356] : memref<204800x128xf32, #tpu.memory_space<hbm>> -> memref<80x128xf32, #tpu.memory_space<hbm>>
    %dma_start3A_358 = arith.constant 0 : i32
    %dma_start3A_359 = tpu.memref_slice %arg4[%add3A_350, %dma_start3A_358] : memref<204800x128xf32, #tpu.memory_space<hbm>> -> memref<80x128xf32, #tpu.memory_space<hbm>>
    %dma_start3A_360 = arith.constant 0 : i32
    %dma_start3A_361 = arith.constant 0 : i32
    %dma_start3A_362 = tpu.memref_slice %arg6[%dma_start3A_351, %dma_start3A_360, %dma_start3A_361] : memref<8x80x128xf32, #tpu.memory_space<vmem>> -> memref<1x80x128xf32, #tpu.memory_space<vmem>>
    %dma_start3A_363 = tpu.memref_squeeze %dma_start3A_362 : memref<1x80x128xf32, #tpu.memory_space<vmem>> -> memref<80x128xf32, #tpu.memory_space<vmem>>
    tpu.enqueue_dma source(%dma_start3A_363 : memref<80x128xf32, #tpu.memory_space<vmem>>) target(%dma_start3A_359 : memref<80x128xf32, #tpu.memory_space<hbm>>) target_semaphore(%arg24 : memref<!tpu.dma_semaphore, #tpu.memory_space<semaphore_mem>>)
    %add3A_364 = arith.constant 240 : i32
    %add3A_365 = arith.addi %mul3A_2, %add3A_364 : i32
    %dma_wait3A_366 = arith.constant 3 : i32
    %dma_wait3A_367 = arith.constant 0 : i32
    %dma_wait3A_368 = arith.constant 0 : i32
    %dma_wait3A_369 = tpu.memref_slice %arg6[%dma_wait3A_366, %dma_wait3A_367, %dma_wait3A_368] : memref<8x80x128xf32, #tpu.memory_space<vmem>> -> memref<1x80x128xf32, #tpu.memory_space<vmem>>
    %dma_wait3A_370 = tpu.memref_squeeze %dma_wait3A_369 : memref<1x80x128xf32, #tpu.memory_space<vmem>> -> memref<80x128xf32, #tpu.memory_space<vmem>>
    %dma_wait3A_371 = arith.constant 0 : i32
    %dma_wait3A_372 = tpu.memref_slice %arg4[%add3A_365, %dma_wait3A_371] : memref<204800x128xf32, #tpu.memory_space<hbm>> -> memref<80x128xf32, #tpu.memory_space<hbm>>
    %dma_wait3A_373 = arith.constant 0 : i32
    %dma_wait3A_374 = tpu.memref_slice %arg4[%add3A_365, %dma_wait3A_373] : memref<204800x128xf32, #tpu.memory_space<hbm>> -> memref<80x128xf32, #tpu.memory_space<hbm>>
    %dma_wait3A_375 = arith.constant 0 : i32
    %dma_wait3A_376 = arith.constant 0 : i32
    %dma_wait3A_377 = tpu.memref_slice %arg6[%dma_wait3A_366, %dma_wait3A_375, %dma_wait3A_376] : memref<8x80x128xf32, #tpu.memory_space<vmem>> -> memref<1x80x128xf32, #tpu.memory_space<vmem>>
    %dma_wait3A_378 = tpu.memref_squeeze %dma_wait3A_377 : memref<1x80x128xf32, #tpu.memory_space<vmem>> -> memref<80x128xf32, #tpu.memory_space<vmem>>
    tpu.wait_dma2 semaphore(%arg20 : memref<!tpu.dma_semaphore, #tpu.memory_space<semaphore_mem>>) src(%dma_wait3A_378 : memref<80x128xf32, #tpu.memory_space<vmem>>) dst(%dma_wait3A_374 : memref<80x128xf32, #tpu.memory_space<hbm>>)
    %dma_start3A_379 = arith.constant 3 : i32
    %dma_start3A_380 = arith.constant 0 : i32
    %dma_start3A_381 = arith.constant 0 : i32
    %dma_start3A_382 = tpu.memref_slice %arg6[%dma_start3A_379, %dma_start3A_380, %dma_start3A_381] : memref<8x80x128xf32, #tpu.memory_space<vmem>> -> memref<1x80x128xf32, #tpu.memory_space<vmem>>
    %dma_start3A_383 = tpu.memref_squeeze %dma_start3A_382 : memref<1x80x128xf32, #tpu.memory_space<vmem>> -> memref<80x128xf32, #tpu.memory_space<vmem>>
    %dma_start3A_384 = arith.constant 880 : i32
    %dma_start3A_385 = tpu.memref_slice %arg5[%dma_start3A_384] : memref<6400xi32, #tpu.memory_space<vmem>> -> memref<80xi32, #tpu.memory_space<vmem>>
    %dma_start3A_386 = arith.constant 0 : i32
    %dma_start3A_387 = arith.constant 0 : i32
    %dma_start3A_388 = tpu.memref_slice %arg7[%dma_start3A_386, %dma_start3A_387] : memref<1001x128xf32, #tpu.memory_space<vmem_shared>> -> memref<1001x128xf32, #tpu.memory_space<vmem_shared>>
    tpu.enqueue_indirect_dma source(%dma_start3A_388 : memref<1001x128xf32, #tpu.memory_space<vmem_shared>>) target(%dma_start3A_383 : memref<80x128xf32, #tpu.memory_space<vmem>>) offsets(%dma_start3A_385 : memref<80xi32, #tpu.memory_space<vmem>>) semaphore(%arg12 : memref<!tpu.dma_semaphore, #tpu.memory_space<semaphore_mem>>)
    %scan3A = arith.constant 0 : i32
    %scan3A_389 = arith.constant 8 : i32
    %scan3A_390 = arith.addi %scan3A, %scan3A_389 : i32
    %scan3A_391 = arith.constant 1 : i32
    scf.for %scan3A_813 = %scan3A to %scan3A_390 step %scan3A_391  : i32 {
      %mul3A_814 = arith.constant 1 : i32
      %mul3A_815 = arith.muli %scan3A_813, %mul3A_814 : i32
      %add3A_816 = arith.constant 1 : i32
      %add3A_817 = arith.addi %add3A_816, %mul3A_815 : i32
      %mul3A_818 = arith.constant 8 : i32
      %mul3A_819 = arith.muli %add3A_817, %mul3A_818 : i32
      %add3A_820 = arith.constant 0 : i32
      %add3A_821 = arith.addi %mul3A_819, %add3A_820 : i32
      %mul3A_822 = arith.constant 80 : i32
      %mul3A_823 = arith.muli %add3A_821, %mul3A_822 : i32
      %dma_wait3A_824 = arith.constant 0 : i32
      %dma_wait3A_825 = arith.constant 0 : i32
      %dma_wait3A_826 = arith.constant 0 : i32
      %dma_wait3A_827 = tpu.memref_slice %arg6[%dma_wait3A_824, %dma_wait3A_825, %dma_wait3A_826] : memref<8x80x128xf32, #tpu.memory_space<vmem>> -> memref<1x80x128xf32, #tpu.memory_space<vmem>>
      %dma_wait3A_828 = tpu.memref_squeeze %dma_wait3A_827 : memref<1x80x128xf32, #tpu.memory_space<vmem>> -> memref<80x128xf32, #tpu.memory_space<vmem>>
      %dma_wait3A_829 = tpu.memref_slice %arg5[%mul3A_823] : memref<6400xi32, #tpu.memory_space<vmem>> -> memref<80xi32, #tpu.memory_space<vmem>>
      %dma_wait3A_830 = arith.constant 0 : i32
      %dma_wait3A_831 = arith.constant 0 : i32
      %dma_wait3A_832 = tpu.memref_slice %arg7[%dma_wait3A_830, %dma_wait3A_831] : memref<1001x128xf32, #tpu.memory_space<vmem_shared>> -> memref<1001x128xf32, #tpu.memory_space<vmem_shared>>
      tpu.wait_indirect_dma semaphore(%arg9 : memref<!tpu.dma_semaphore, #tpu.memory_space<semaphore_mem>>) src(%dma_wait3A_832 : memref<1001x128xf32, #tpu.memory_space<vmem_shared>>) dst(%dma_wait3A_828 : memref<80x128xf32, #tpu.memory_space<vmem>>)
      %mul3A_833 = arith.constant 80 : i32
      %mul3A_834 = arith.muli %add3A_821, %mul3A_833 : i32
      %add3A_835 = arith.addi %mul3A_2, %mul3A_834 : i32
      %dma_start3A_836 = arith.constant 0 : i32
      %dma_start3A_837 = arith.constant 0 : i32
      %dma_start3A_838 = arith.constant 0 : i32
      %dma_start3A_839 = tpu.memref_slice %arg6[%dma_start3A_836, %dma_start3A_837, %dma_start3A_838] : memref<8x80x128xf32, #tpu.memory_space<vmem>> -> memref<1x80x128xf32, #tpu.memory_space<vmem>>
      %dma_start3A_840 = tpu.memref_squeeze %dma_start3A_839 : memref<1x80x128xf32, #tpu.memory_space<vmem>> -> memref<80x128xf32, #tpu.memory_space<vmem>>
      %dma_start3A_841 = arith.constant 0 : i32
      %dma_start3A_842 = tpu.memref_slice %arg4[%add3A_835, %dma_start3A_841] : memref<204800x128xf32, #tpu.memory_space<hbm>> -> memref<80x128xf32, #tpu.memory_space<hbm>>
      %dma_start3A_843 = arith.constant 0 : i32
      %dma_start3A_844 = tpu.memref_slice %arg4[%add3A_835, %dma_start3A_843] : memref<204800x128xf32, #tpu.memory_space<hbm>> -> memref<80x128xf32, #tpu.memory_space<hbm>>
      %dma_start3A_845 = arith.constant 0 : i32
      %dma_start3A_846 = arith.constant 0 : i32
      %dma_start3A_847 = tpu.memref_slice %arg6[%dma_start3A_836, %dma_start3A_845, %dma_start3A_846] : memref<8x80x128xf32, #tpu.memory_space<vmem>> -> memref<1x80x128xf32, #tpu.memory_space<vmem>>
      %dma_start3A_848 = tpu.memref_squeeze %dma_start3A_847 : memref<1x80x128xf32, #tpu.memory_space<vmem>> -> memref<80x128xf32, #tpu.memory_space<vmem>>
      tpu.enqueue_dma source(%dma_start3A_848 : memref<80x128xf32, #tpu.memory_space<vmem>>) target(%dma_start3A_844 : memref<80x128xf32, #tpu.memory_space<hbm>>) target_semaphore(%arg17 : memref<!tpu.dma_semaphore, #tpu.memory_space<semaphore_mem>>)
      %sub3A = arith.constant 4 : i32
      %sub3A_849 = arith.subi %add3A_821, %sub3A : i32
      %mul3A_850 = arith.constant 80 : i32
      %mul3A_851 = arith.muli %sub3A_849, %mul3A_850 : i32
      %add3A_852 = arith.addi %mul3A_2, %mul3A_851 : i32
      %dma_wait3A_853 = arith.constant 4 : i32
      %dma_wait3A_854 = arith.constant 0 : i32
      %dma_wait3A_855 = arith.constant 0 : i32
      %dma_wait3A_856 = tpu.memref_slice %arg6[%dma_wait3A_853, %dma_wait3A_854, %dma_wait3A_855] : memref<8x80x128xf32, #tpu.memory_space<vmem>> -> memref<1x80x128xf32, #tpu.memory_space<vmem>>
      %dma_wait3A_857 = tpu.memref_squeeze %dma_wait3A_856 : memref<1x80x128xf32, #tpu.memory_space<vmem>> -> memref<80x128xf32, #tpu.memory_space<vmem>>
      %dma_wait3A_858 = arith.constant 0 : i32
      %dma_wait3A_859 = tpu.memref_slice %arg4[%add3A_852, %dma_wait3A_858] : memref<204800x128xf32, #tpu.memory_space<hbm>> -> memref<80x128xf32, #tpu.memory_space<hbm>>
      %dma_wait3A_860 = arith.constant 0 : i32
      %dma_wait3A_861 = tpu.memref_slice %arg4[%add3A_852, %dma_wait3A_860] : memref<204800x128xf32, #tpu.memory_space<hbm>> -> memref<80x128xf32, #tpu.memory_space<hbm>>
      %dma_wait3A_862 = arith.constant 0 : i32
      %dma_wait3A_863 = arith.constant 0 : i32
      %dma_wait3A_864 = tpu.memref_slice %arg6[%dma_wait3A_853, %dma_wait3A_862, %dma_wait3A_863] : memref<8x80x128xf32, #tpu.memory_space<vmem>> -> memref<1x80x128xf32, #tpu.memory_space<vmem>>
      %dma_wait3A_865 = tpu.memref_squeeze %dma_wait3A_864 : memref<1x80x128xf32, #tpu.memory_space<vmem>> -> memref<80x128xf32, #tpu.memory_space<vmem>>
      tpu.wait_dma2 semaphore(%arg21 : memref<!tpu.dma_semaphore, #tpu.memory_space<semaphore_mem>>) src(%dma_wait3A_865 : memref<80x128xf32, #tpu.memory_space<vmem>>) dst(%dma_wait3A_861 : memref<80x128xf32, #tpu.memory_space<hbm>>)
      %add3A_866 = arith.constant 4 : i32
      %add3A_867 = arith.addi %add3A_821, %add3A_866 : i32
      %mul3A_868 = arith.constant 80 : i32
      %mul3A_869 = arith.muli %add3A_867, %mul3A_868 : i32
      %dma_start3A_870 = arith.constant 4 : i32
      %dma_start3A_871 = arith.constant 0 : i32
      %dma_start3A_872 = arith.constant 0 : i32
      %dma_start3A_873 = tpu.memref_slice %arg6[%dma_start3A_870, %dma_start3A_871, %dma_start3A_872] : memref<8x80x128xf32, #tpu.memory_space<vmem>> -> memref<1x80x128xf32, #tpu.memory_space<vmem>>
      %dma_start3A_874 = tpu.memref_squeeze %dma_start3A_873 : memref<1x80x128xf32, #tpu.memory_space<vmem>> -> memref<80x128xf32, #tpu.memory_space<vmem>>
      %dma_start3A_875 = tpu.memref_slice %arg5[%mul3A_869] : memref<6400xi32, #tpu.memory_space<vmem>> -> memref<80xi32, #tpu.memory_space<vmem>>
      %dma_start3A_876 = arith.constant 0 : i32
      %dma_start3A_877 = arith.constant 0 : i32
      %dma_start3A_878 = tpu.memref_slice %arg7[%dma_start3A_876, %dma_start3A_877] : memref<1001x128xf32, #tpu.memory_space<vmem_shared>> -> memref<1001x128xf32, #tpu.memory_space<vmem_shared>>
      tpu.enqueue_indirect_dma source(%dma_start3A_878 : memref<1001x128xf32, #tpu.memory_space<vmem_shared>>) target(%dma_start3A_874 : memref<80x128xf32, #tpu.memory_space<vmem>>) offsets(%dma_start3A_875 : memref<80xi32, #tpu.memory_space<vmem>>) semaphore(%arg13 : memref<!tpu.dma_semaphore, #tpu.memory_space<semaphore_mem>>)
      %add3A_879 = arith.constant 1 : i32
      %add3A_880 = arith.addi %mul3A_819, %add3A_879 : i32
      %mul3A_881 = arith.constant 80 : i32
      %mul3A_882 = arith.muli %add3A_880, %mul3A_881 : i32
      %dma_wait3A_883 = arith.constant 1 : i32
      %dma_wait3A_884 = arith.constant 0 : i32
      %dma_wait3A_885 = arith.constant 0 : i32
      %dma_wait3A_886 = tpu.memref_slice %arg6[%dma_wait3A_883, %dma_wait3A_884, %dma_wait3A_885] : memref<8x80x128xf32, #tpu.memory_space<vmem>> -> memref<1x80x128xf32, #tpu.memory_space<vmem>>
      %dma_wait3A_887 = tpu.memref_squeeze %dma_wait3A_886 : memref<1x80x128xf32, #tpu.memory_space<vmem>> -> memref<80x128xf32, #tpu.memory_space<vmem>>
      %dma_wait3A_888 = tpu.memref_slice %arg5[%mul3A_882] : memref<6400xi32, #tpu.memory_space<vmem>> -> memref<80xi32, #tpu.memory_space<vmem>>
      %dma_wait3A_889 = arith.constant 0 : i32
      %dma_wait3A_890 = arith.constant 0 : i32
      %dma_wait3A_891 = tpu.memref_slice %arg7[%dma_wait3A_889, %dma_wait3A_890] : memref<1001x128xf32, #tpu.memory_space<vmem_shared>> -> memref<1001x128xf32, #tpu.memory_space<vmem_shared>>
      tpu.wait_indirect_dma semaphore(%arg10 : memref<!tpu.dma_semaphore, #tpu.memory_space<semaphore_mem>>) src(%dma_wait3A_891 : memref<1001x128xf32, #tpu.memory_space<vmem_shared>>) dst(%dma_wait3A_887 : memref<80x128xf32, #tpu.memory_space<vmem>>)
      %mul3A_892 = arith.constant 80 : i32
      %mul3A_893 = arith.muli %add3A_880, %mul3A_892 : i32
      %add3A_894 = arith.addi %mul3A_2, %mul3A_893 : i32
      %dma_start3A_895 = arith.constant 1 : i32
      %dma_start3A_896 = arith.constant 0 : i32
      %dma_start3A_897 = arith.constant 0 : i32
      %dma_start3A_898 = tpu.memref_slice %arg6[%dma_start3A_895, %dma_start3A_896, %dma_start3A_897] : memref<8x80x128xf32, #tpu.memory_space<vmem>> -> memref<1x80x128xf32, #tpu.memory_space<vmem>>
      %dma_start3A_899 = tpu.memref_squeeze %dma_start3A_898 : memref<1x80x128xf32, #tpu.memory_space<vmem>> -> memref<80x128xf32, #tpu.memory_space<vmem>>
      %dma_start3A_900 = arith.constant 0 : i32
      %dma_start3A_901 = tpu.memref_slice %arg4[%add3A_894, %dma_start3A_900] : memref<204800x128xf32, #tpu.memory_space<hbm>> -> memref<80x128xf32, #tpu.memory_space<hbm>>
      %dma_start3A_902 = arith.constant 0 : i32
      %dma_start3A_903 = tpu.memref_slice %arg4[%add3A_894, %dma_start3A_902] : memref<204800x128xf32, #tpu.memory_space<hbm>> -> memref<80x128xf32, #tpu.memory_space<hbm>>
      %dma_start3A_904 = arith.constant 0 : i32
      %dma_start3A_905 = arith.constant 0 : i32
      %dma_start3A_906 = tpu.memref_slice %arg6[%dma_start3A_895, %dma_start3A_904, %dma_start3A_905] : memref<8x80x128xf32, #tpu.memory_space<vmem>> -> memref<1x80x128xf32, #tpu.memory_space<vmem>>
      %dma_start3A_907 = tpu.memref_squeeze %dma_start3A_906 : memref<1x80x128xf32, #tpu.memory_space<vmem>> -> memref<80x128xf32, #tpu.memory_space<vmem>>
      tpu.enqueue_dma source(%dma_start3A_907 : memref<80x128xf32, #tpu.memory_space<vmem>>) target(%dma_start3A_903 : memref<80x128xf32, #tpu.memory_space<hbm>>) target_semaphore(%arg18 : memref<!tpu.dma_semaphore, #tpu.memory_space<semaphore_mem>>)
      %sub3A_908 = arith.constant 4 : i32
      %sub3A_909 = arith.subi %add3A_880, %sub3A_908 : i32
      %mul3A_910 = arith.constant 80 : i32
      %mul3A_911 = arith.muli %sub3A_909, %mul3A_910 : i32
      %add3A_912 = arith.addi %mul3A_2, %mul3A_911 : i32
      %dma_wait3A_913 = arith.constant 5 : i32
      %dma_wait3A_914 = arith.constant 0 : i32
      %dma_wait3A_915 = arith.constant 0 : i32
      %dma_wait3A_916 = tpu.memref_slice %arg6[%dma_wait3A_913, %dma_wait3A_914, %dma_wait3A_915] : memref<8x80x128xf32, #tpu.memory_space<vmem>> -> memref<1x80x128xf32, #tpu.memory_space<vmem>>
      %dma_wait3A_917 = tpu.memref_squeeze %dma_wait3A_916 : memref<1x80x128xf32, #tpu.memory_space<vmem>> -> memref<80x128xf32, #tpu.memory_space<vmem>>
      %dma_wait3A_918 = arith.constant 0 : i32
      %dma_wait3A_919 = tpu.memref_slice %arg4[%add3A_912, %dma_wait3A_918] : memref<204800x128xf32, #tpu.memory_space<hbm>> -> memref<80x128xf32, #tpu.memory_space<hbm>>
      %dma_wait3A_920 = arith.constant 0 : i32
      %dma_wait3A_921 = tpu.memref_slice %arg4[%add3A_912, %dma_wait3A_920] : memref<204800x128xf32, #tpu.memory_space<hbm>> -> memref<80x128xf32, #tpu.memory_space<hbm>>
      %dma_wait3A_922 = arith.constant 0 : i32
      %dma_wait3A_923 = arith.constant 0 : i32
      %dma_wait3A_924 = tpu.memref_slice %arg6[%dma_wait3A_913, %dma_wait3A_922, %dma_wait3A_923] : memref<8x80x128xf32, #tpu.memory_space<vmem>> -> memref<1x80x128xf32, #tpu.memory_space<vmem>>
      %dma_wait3A_925 = tpu.memref_squeeze %dma_wait3A_924 : memref<1x80x128xf32, #tpu.memory_space<vmem>> -> memref<80x128xf32, #tpu.memory_space<vmem>>
      tpu.wait_dma2 semaphore(%arg22 : memref<!tpu.dma_semaphore, #tpu.memory_space<semaphore_mem>>) src(%dma_wait3A_925 : memref<80x128xf32, #tpu.memory_space<vmem>>) dst(%dma_wait3A_921 : memref<80x128xf32, #tpu.memory_space<hbm>>)
      %add3A_926 = arith.constant 4 : i32
      %add3A_927 = arith.addi %add3A_880, %add3A_926 : i32
      %mul3A_928 = arith.constant 80 : i32
      %mul3A_929 = arith.muli %add3A_927, %mul3A_928 : i32
      %dma_start3A_930 = arith.constant 5 : i32
      %dma_start3A_931 = arith.constant 0 : i32
      %dma_start3A_932 = arith.constant 0 : i32
      %dma_start3A_933 = tpu.memref_slice %arg6[%dma_start3A_930, %dma_start3A_931, %dma_start3A_932] : memref<8x80x128xf32, #tpu.memory_space<vmem>> -> memref<1x80x128xf32, #tpu.memory_space<vmem>>
      %dma_start3A_934 = tpu.memref_squeeze %dma_start3A_933 : memref<1x80x128xf32, #tpu.memory_space<vmem>> -> memref<80x128xf32, #tpu.memory_space<vmem>>
      %dma_start3A_935 = tpu.memref_slice %arg5[%mul3A_929] : memref<6400xi32, #tpu.memory_space<vmem>> -> memref<80xi32, #tpu.memory_space<vmem>>
      %dma_start3A_936 = arith.constant 0 : i32
      %dma_start3A_937 = arith.constant 0 : i32
      %dma_start3A_938 = tpu.memref_slice %arg7[%dma_start3A_936, %dma_start3A_937] : memref<1001x128xf32, #tpu.memory_space<vmem_shared>> -> memref<1001x128xf32, #tpu.memory_space<vmem_shared>>
      tpu.enqueue_indirect_dma source(%dma_start3A_938 : memref<1001x128xf32, #tpu.memory_space<vmem_shared>>) target(%dma_start3A_934 : memref<80x128xf32, #tpu.memory_space<vmem>>) offsets(%dma_start3A_935 : memref<80xi32, #tpu.memory_space<vmem>>) semaphore(%arg14 : memref<!tpu.dma_semaphore, #tpu.memory_space<semaphore_mem>>)
      %add3A_939 = arith.constant 2 : i32
      %add3A_940 = arith.addi %mul3A_819, %add3A_939 : i32
      %mul3A_941 = arith.constant 80 : i32
      %mul3A_942 = arith.muli %add3A_940, %mul3A_941 : i32
      %dma_wait3A_943 = arith.constant 2 : i32
      %dma_wait3A_944 = arith.constant 0 : i32
      %dma_wait3A_945 = arith.constant 0 : i32
      %dma_wait3A_946 = tpu.memref_slice %arg6[%dma_wait3A_943, %dma_wait3A_944, %dma_wait3A_945] : memref<8x80x128xf32, #tpu.memory_space<vmem>> -> memref<1x80x128xf32, #tpu.memory_space<vmem>>
      %dma_wait3A_947 = tpu.memref_squeeze %dma_wait3A_946 : memref<1x80x128xf32, #tpu.memory_space<vmem>> -> memref<80x128xf32, #tpu.memory_space<vmem>>
      %dma_wait3A_948 = tpu.memref_slice %arg5[%mul3A_942] : memref<6400xi32, #tpu.memory_space<vmem>> -> memref<80xi32, #tpu.memory_space<vmem>>
      %dma_wait3A_949 = arith.constant 0 : i32
      %dma_wait3A_950 = arith.constant 0 : i32
      %dma_wait3A_951 = tpu.memref_slice %arg7[%dma_wait3A_949, %dma_wait3A_950] : memref<1001x128xf32, #tpu.memory_space<vmem_shared>> -> memref<1001x128xf32, #tpu.memory_space<vmem_shared>>
      tpu.wait_indirect_dma semaphore(%arg11 : memref<!tpu.dma_semaphore, #tpu.memory_space<semaphore_mem>>) src(%dma_wait3A_951 : memref<1001x128xf32, #tpu.memory_space<vmem_shared>>) dst(%dma_wait3A_947 : memref<80x128xf32, #tpu.memory_space<vmem>>)
      %mul3A_952 = arith.constant 80 : i32
      %mul3A_953 = arith.muli %add3A_940, %mul3A_952 : i32
      %add3A_954 = arith.addi %mul3A_2, %mul3A_953 : i32
      %dma_start3A_955 = arith.constant 2 : i32
      %dma_start3A_956 = arith.constant 0 : i32
      %dma_start3A_957 = arith.constant 0 : i32
      %dma_start3A_958 = tpu.memref_slice %arg6[%dma_start3A_955, %dma_start3A_956, %dma_start3A_957] : memref<8x80x128xf32, #tpu.memory_space<vmem>> -> memref<1x80x128xf32, #tpu.memory_space<vmem>>
      %dma_start3A_959 = tpu.memref_squeeze %dma_start3A_958 : memref<1x80x128xf32, #tpu.memory_space<vmem>> -> memref<80x128xf32, #tpu.memory_space<vmem>>
      %dma_start3A_960 = arith.constant 0 : i32
      %dma_start3A_961 = tpu.memref_slice %arg4[%add3A_954, %dma_start3A_960] : memref<204800x128xf32, #tpu.memory_space<hbm>> -> memref<80x128xf32, #tpu.memory_space<hbm>>
      %dma_start3A_962 = arith.constant 0 : i32
      %dma_start3A_963 = tpu.memref_slice %arg4[%add3A_954, %dma_start3A_962] : memref<204800x128xf32, #tpu.memory_space<hbm>> -> memref<80x128xf32, #tpu.memory_space<hbm>>
      %dma_start3A_964 = arith.constant 0 : i32
      %dma_start3A_965 = arith.constant 0 : i32
      %dma_start3A_966 = tpu.memref_slice %arg6[%dma_start3A_955, %dma_start3A_964, %dma_start3A_965] : memref<8x80x128xf32, #tpu.memory_space<vmem>> -> memref<1x80x128xf32, #tpu.memory_space<vmem>>
      %dma_start3A_967 = tpu.memref_squeeze %dma_start3A_966 : memref<1x80x128xf32, #tpu.memory_space<vmem>> -> memref<80x128xf32, #tpu.memory_space<vmem>>
      tpu.enqueue_dma source(%dma_start3A_967 : memref<80x128xf32, #tpu.memory_space<vmem>>) target(%dma_start3A_963 : memref<80x128xf32, #tpu.memory_space<hbm>>) target_semaphore(%arg19 : memref<!tpu.dma_semaphore, #tpu.memory_space<semaphore_mem>>)
      %sub3A_968 = arith.constant 4 : i32
      %sub3A_969 = arith.subi %add3A_940, %sub3A_968 : i32
      %mul3A_970 = arith.constant 80 : i32
      %mul3A_971 = arith.muli %sub3A_969, %mul3A_970 : i32
      %add3A_972 = arith.addi %mul3A_2, %mul3A_971 : i32
      %dma_wait3A_973 = arith.constant 6 : i32
      %dma_wait3A_974 = arith.constant 0 : i32
      %dma_wait3A_975 = arith.constant 0 : i32
      %dma_wait3A_976 = tpu.memref_slice %arg6[%dma_wait3A_973, %dma_wait3A_974, %dma_wait3A_975] : memref<8x80x128xf32, #tpu.memory_space<vmem>> -> memref<1x80x128xf32, #tpu.memory_space<vmem>>
      %dma_wait3A_977 = tpu.memref_squeeze %dma_wait3A_976 : memref<1x80x128xf32, #tpu.memory_space<vmem>> -> memref<80x128xf32, #tpu.memory_space<vmem>>
      %dma_wait3A_978 = arith.constant 0 : i32
      %dma_wait3A_979 = tpu.memref_slice %arg4[%add3A_972, %dma_wait3A_978] : memref<204800x128xf32, #tpu.memory_space<hbm>> -> memref<80x128xf32, #tpu.memory_space<hbm>>
      %dma_wait3A_980 = arith.constant 0 : i32
      %dma_wait3A_981 = tpu.memref_slice %arg4[%add3A_972, %dma_wait3A_980] : memref<204800x128xf32, #tpu.memory_space<hbm>> -> memref<80x128xf32, #tpu.memory_space<hbm>>
      %dma_wait3A_982 = arith.constant 0 : i32
      %dma_wait3A_983 = arith.constant 0 : i32
      %dma_wait3A_984 = tpu.memref_slice %arg6[%dma_wait3A_973, %dma_wait3A_982, %dma_wait3A_983] : memref<8x80x128xf32, #tpu.memory_space<vmem>> -> memref<1x80x128xf32, #tpu.memory_space<vmem>>
      %dma_wait3A_985 = tpu.memref_squeeze %dma_wait3A_984 : memref<1x80x128xf32, #tpu.memory_space<vmem>> -> memref<80x128xf32, #tpu.memory_space<vmem>>
      tpu.wait_dma2 semaphore(%arg23 : memref<!tpu.dma_semaphore, #tpu.memory_space<semaphore_mem>>) src(%dma_wait3A_985 : memref<80x128xf32, #tpu.memory_space<vmem>>) dst(%dma_wait3A_981 : memref<80x128xf32, #tpu.memory_space<hbm>>)
      %add3A_986 = arith.constant 4 : i32
      %add3A_987 = arith.addi %add3A_940, %add3A_986 : i32
      %mul3A_988 = arith.constant 80 : i32
      %mul3A_989 = arith.muli %add3A_987, %mul3A_988 : i32
      %dma_start3A_990 = arith.constant 6 : i32
      %dma_start3A_991 = arith.constant 0 : i32
      %dma_start3A_992 = arith.constant 0 : i32
      %dma_start3A_993 = tpu.memref_slice %arg6[%dma_start3A_990, %dma_start3A_991, %dma_start3A_992] : memref<8x80x128xf32, #tpu.memory_space<vmem>> -> memref<1x80x128xf32, #tpu.memory_space<vmem>>
      %dma_start3A_994 = tpu.memref_squeeze %dma_start3A_993 : memref<1x80x128xf32, #tpu.memory_space<vmem>> -> memref<80x128xf32, #tpu.memory_space<vmem>>
      %dma_start3A_995 = tpu.memref_slice %arg5[%mul3A_989] : memref<6400xi32, #tpu.memory_space<vmem>> -> memref<80xi32, #tpu.memory_space<vmem>>
      %dma_start3A_996 = arith.constant 0 : i32
      %dma_start3A_997 = arith.constant 0 : i32
      %dma_start3A_998 = tpu.memref_slice %arg7[%dma_start3A_996, %dma_start3A_997] : memref<1001x128xf32, #tpu.memory_space<vmem_shared>> -> memref<1001x128xf32, #tpu.memory_space<vmem_shared>>
      tpu.enqueue_indirect_dma source(%dma_start3A_998 : memref<1001x128xf32, #tpu.memory_space<vmem_shared>>) target(%dma_start3A_994 : memref<80x128xf32, #tpu.memory_space<vmem>>) offsets(%dma_start3A_995 : memref<80xi32, #tpu.memory_space<vmem>>) semaphore(%arg15 : memref<!tpu.dma_semaphore, #tpu.memory_space<semaphore_mem>>)
      %add3A_999 = arith.constant 3 : i32
      %add3A_1000 = arith.addi %mul3A_819, %add3A_999 : i32
      %mul3A_1001 = arith.constant 80 : i32
      %mul3A_1002 = arith.muli %add3A_1000, %mul3A_1001 : i32
      %dma_wait3A_1003 = arith.constant 3 : i32
      %dma_wait3A_1004 = arith.constant 0 : i32
      %dma_wait3A_1005 = arith.constant 0 : i32
      %dma_wait3A_1006 = tpu.memref_slice %arg6[%dma_wait3A_1003, %dma_wait3A_1004, %dma_wait3A_1005] : memref<8x80x128xf32, #tpu.memory_space<vmem>> -> memref<1x80x128xf32, #tpu.memory_space<vmem>>
      %dma_wait3A_1007 = tpu.memref_squeeze %dma_wait3A_1006 : memref<1x80x128xf32, #tpu.memory_space<vmem>> -> memref<80x128xf32, #tpu.memory_space<vmem>>
      %dma_wait3A_1008 = tpu.memref_slice %arg5[%mul3A_1002] : memref<6400xi32, #tpu.memory_space<vmem>> -> memref<80xi32, #tpu.memory_space<vmem>>
      %dma_wait3A_1009 = arith.constant 0 : i32
      %dma_wait3A_1010 = arith.constant 0 : i32
      %dma_wait3A_1011 = tpu.memref_slice %arg7[%dma_wait3A_1009, %dma_wait3A_1010] : memref<1001x128xf32, #tpu.memory_space<vmem_shared>> -> memref<1001x128xf32, #tpu.memory_space<vmem_shared>>
      tpu.wait_indirect_dma semaphore(%arg12 : memref<!tpu.dma_semaphore, #tpu.memory_space<semaphore_mem>>) src(%dma_wait3A_1011 : memref<1001x128xf32, #tpu.memory_space<vmem_shared>>) dst(%dma_wait3A_1007 : memref<80x128xf32, #tpu.memory_space<vmem>>)
      %mul3A_1012 = arith.constant 80 : i32
      %mul3A_1013 = arith.muli %add3A_1000, %mul3A_1012 : i32
      %add3A_1014 = arith.addi %mul3A_2, %mul3A_1013 : i32
      %dma_start3A_1015 = arith.constant 3 : i32
      %dma_start3A_1016 = arith.constant 0 : i32
      %dma_start3A_1017 = arith.constant 0 : i32
      %dma_start3A_1018 = tpu.memref_slice %arg6[%dma_start3A_1015, %dma_start3A_1016, %dma_start3A_1017] : memref<8x80x128xf32, #tpu.memory_space<vmem>> -> memref<1x80x128xf32, #tpu.memory_space<vmem>>
      %dma_start3A_1019 = tpu.memref_squeeze %dma_start3A_1018 : memref<1x80x128xf32, #tpu.memory_space<vmem>> -> memref<80x128xf32, #tpu.memory_space<vmem>>
      %dma_start3A_1020 = arith.constant 0 : i32
      %dma_start3A_1021 = tpu.memref_slice %arg4[%add3A_1014, %dma_start3A_1020] : memref<204800x128xf32, #tpu.memory_space<hbm>> -> memref<80x128xf32, #tpu.memory_space<hbm>>
      %dma_start3A_1022 = arith.constant 0 : i32
      %dma_start3A_1023 = tpu.memref_slice %arg4[%add3A_1014, %dma_start3A_1022] : memref<204800x128xf32, #tpu.memory_space<hbm>> -> memref<80x128xf32, #tpu.memory_space<hbm>>
      %dma_start3A_1024 = arith.constant 0 : i32
      %dma_start3A_1025 = arith.constant 0 : i32
      %dma_start3A_1026 = tpu.memref_slice %arg6[%dma_start3A_1015, %dma_start3A_1024, %dma_start3A_1025] : memref<8x80x128xf32, #tpu.memory_space<vmem>> -> memref<1x80x128xf32, #tpu.memory_space<vmem>>
      %dma_start3A_1027 = tpu.memref_squeeze %dma_start3A_1026 : memref<1x80x128xf32, #tpu.memory_space<vmem>> -> memref<80x128xf32, #tpu.memory_space<vmem>>
      tpu.enqueue_dma source(%dma_start3A_1027 : memref<80x128xf32, #tpu.memory_space<vmem>>) target(%dma_start3A_1023 : memref<80x128xf32, #tpu.memory_space<hbm>>) target_semaphore(%arg20 : memref<!tpu.dma_semaphore, #tpu.memory_space<semaphore_mem>>)
      %sub3A_1028 = arith.constant 4 : i32
      %sub3A_1029 = arith.subi %add3A_1000, %sub3A_1028 : i32
      %mul3A_1030 = arith.constant 80 : i32
      %mul3A_1031 = arith.muli %sub3A_1029, %mul3A_1030 : i32
      %add3A_1032 = arith.addi %mul3A_2, %mul3A_1031 : i32
      %dma_wait3A_1033 = arith.constant 7 : i32
      %dma_wait3A_1034 = arith.constant 0 : i32
      %dma_wait3A_1035 = arith.constant 0 : i32
      %dma_wait3A_1036 = tpu.memref_slice %arg6[%dma_wait3A_1033, %dma_wait3A_1034, %dma_wait3A_1035] : memref<8x80x128xf32, #tpu.memory_space<vmem>> -> memref<1x80x128xf32, #tpu.memory_space<vmem>>
      %dma_wait3A_1037 = tpu.memref_squeeze %dma_wait3A_1036 : memref<1x80x128xf32, #tpu.memory_space<vmem>> -> memref<80x128xf32, #tpu.memory_space<vmem>>
      %dma_wait3A_1038 = arith.constant 0 : i32
      %dma_wait3A_1039 = tpu.memref_slice %arg4[%add3A_1032, %dma_wait3A_1038] : memref<204800x128xf32, #tpu.memory_space<hbm>> -> memref<80x128xf32, #tpu.memory_space<hbm>>
      %dma_wait3A_1040 = arith.constant 0 : i32
      %dma_wait3A_1041 = tpu.memref_slice %arg4[%add3A_1032, %dma_wait3A_1040] : memref<204800x128xf32, #tpu.memory_space<hbm>> -> memref<80x128xf32, #tpu.memory_space<hbm>>
      %dma_wait3A_1042 = arith.constant 0 : i32
      %dma_wait3A_1043 = arith.constant 0 : i32
      %dma_wait3A_1044 = tpu.memref_slice %arg6[%dma_wait3A_1033, %dma_wait3A_1042, %dma_wait3A_1043] : memref<8x80x128xf32, #tpu.memory_space<vmem>> -> memref<1x80x128xf32, #tpu.memory_space<vmem>>
      %dma_wait3A_1045 = tpu.memref_squeeze %dma_wait3A_1044 : memref<1x80x128xf32, #tpu.memory_space<vmem>> -> memref<80x128xf32, #tpu.memory_space<vmem>>
      tpu.wait_dma2 semaphore(%arg24 : memref<!tpu.dma_semaphore, #tpu.memory_space<semaphore_mem>>) src(%dma_wait3A_1045 : memref<80x128xf32, #tpu.memory_space<vmem>>) dst(%dma_wait3A_1041 : memref<80x128xf32, #tpu.memory_space<hbm>>)
      %add3A_1046 = arith.constant 4 : i32
      %add3A_1047 = arith.addi %add3A_1000, %add3A_1046 : i32
      %mul3A_1048 = arith.constant 80 : i32
      %mul3A_1049 = arith.muli %add3A_1047, %mul3A_1048 : i32
      %dma_start3A_1050 = arith.constant 7 : i32
      %dma_start3A_1051 = arith.constant 0 : i32
      %dma_start3A_1052 = arith.constant 0 : i32
      %dma_start3A_1053 = tpu.memref_slice %arg6[%dma_start3A_1050, %dma_start3A_1051, %dma_start3A_1052] : memref<8x80x128xf32, #tpu.memory_space<vmem>> -> memref<1x80x128xf32, #tpu.memory_space<vmem>>
      %dma_start3A_1054 = tpu.memref_squeeze %dma_start3A_1053 : memref<1x80x128xf32, #tpu.memory_space<vmem>> -> memref<80x128xf32, #tpu.memory_space<vmem>>
      %dma_start3A_1055 = tpu.memref_slice %arg5[%mul3A_1049] : memref<6400xi32, #tpu.memory_space<vmem>> -> memref<80xi32, #tpu.memory_space<vmem>>
      %dma_start3A_1056 = arith.constant 0 : i32
      %dma_start3A_1057 = arith.constant 0 : i32
      %dma_start3A_1058 = tpu.memref_slice %arg7[%dma_start3A_1056, %dma_start3A_1057] : memref<1001x128xf32, #tpu.memory_space<vmem_shared>> -> memref<1001x128xf32, #tpu.memory_space<vmem_shared>>
      tpu.enqueue_indirect_dma source(%dma_start3A_1058 : memref<1001x128xf32, #tpu.memory_space<vmem_shared>>) target(%dma_start3A_1054 : memref<80x128xf32, #tpu.memory_space<vmem>>) offsets(%dma_start3A_1055 : memref<80xi32, #tpu.memory_space<vmem>>) semaphore(%arg16 : memref<!tpu.dma_semaphore, #tpu.memory_space<semaphore_mem>>)
      %add3A_1059 = arith.constant 4 : i32
      %add3A_1060 = arith.addi %mul3A_819, %add3A_1059 : i32
      %mul3A_1061 = arith.constant 80 : i32
      %mul3A_1062 = arith.muli %add3A_1060, %mul3A_1061 : i32
      %dma_wait3A_1063 = arith.constant 4 : i32
      %dma_wait3A_1064 = arith.constant 0 : i32
      %dma_wait3A_1065 = arith.constant 0 : i32
      %dma_wait3A_1066 = tpu.memref_slice %arg6[%dma_wait3A_1063, %dma_wait3A_1064, %dma_wait3A_1065] : memref<8x80x128xf32, #tpu.memory_space<vmem>> -> memref<1x80x128xf32, #tpu.memory_space<vmem>>
      %dma_wait3A_1067 = tpu.memref_squeeze %dma_wait3A_1066 : memref<1x80x128xf32, #tpu.memory_space<vmem>> -> memref<80x128xf32, #tpu.memory_space<vmem>>
      %dma_wait3A_1068 = tpu.memref_slice %arg5[%mul3A_1062] : memref<6400xi32, #tpu.memory_space<vmem>> -> memref<80xi32, #tpu.memory_space<vmem>>
      %dma_wait3A_1069 = arith.constant 0 : i32
      %dma_wait3A_1070 = arith.constant 0 : i32
      %dma_wait3A_1071 = tpu.memref_slice %arg7[%dma_wait3A_1069, %dma_wait3A_1070] : memref<1001x128xf32, #tpu.memory_space<vmem_shared>> -> memref<1001x128xf32, #tpu.memory_space<vmem_shared>>
      tpu.wait_indirect_dma semaphore(%arg13 : memref<!tpu.dma_semaphore, #tpu.memory_space<semaphore_mem>>) src(%dma_wait3A_1071 : memref<1001x128xf32, #tpu.memory_space<vmem_shared>>) dst(%dma_wait3A_1067 : memref<80x128xf32, #tpu.memory_space<vmem>>)
      %mul3A_1072 = arith.constant 80 : i32
      %mul3A_1073 = arith.muli %add3A_1060, %mul3A_1072 : i32
      %add3A_1074 = arith.addi %mul3A_2, %mul3A_1073 : i32
      %dma_start3A_1075 = arith.constant 4 : i32
      %dma_start3A_1076 = arith.constant 0 : i32
      %dma_start3A_1077 = arith.constant 0 : i32
      %dma_start3A_1078 = tpu.memref_slice %arg6[%dma_start3A_1075, %dma_start3A_1076, %dma_start3A_1077] : memref<8x80x128xf32, #tpu.memory_space<vmem>> -> memref<1x80x128xf32, #tpu.memory_space<vmem>>
      %dma_start3A_1079 = tpu.memref_squeeze %dma_start3A_1078 : memref<1x80x128xf32, #tpu.memory_space<vmem>> -> memref<80x128xf32, #tpu.memory_space<vmem>>
      %dma_start3A_1080 = arith.constant 0 : i32
      %dma_start3A_1081 = tpu.memref_slice %arg4[%add3A_1074, %dma_start3A_1080] : memref<204800x128xf32, #tpu.memory_space<hbm>> -> memref<80x128xf32, #tpu.memory_space<hbm>>
      %dma_start3A_1082 = arith.constant 0 : i32
      %dma_start3A_1083 = tpu.memref_slice %arg4[%add3A_1074, %dma_start3A_1082] : memref<204800x128xf32, #tpu.memory_space<hbm>> -> memref<80x128xf32, #tpu.memory_space<hbm>>
      %dma_start3A_1084 = arith.constant 0 : i32
      %dma_start3A_1085 = arith.constant 0 : i32
      %dma_start3A_1086 = tpu.memref_slice %arg6[%dma_start3A_1075, %dma_start3A_1084, %dma_start3A_1085] : memref<8x80x128xf32, #tpu.memory_space<vmem>> -> memref<1x80x128xf32, #tpu.memory_space<vmem>>
      %dma_start3A_1087 = tpu.memref_squeeze %dma_start3A_1086 : memref<1x80x128xf32, #tpu.memory_space<vmem>> -> memref<80x128xf32, #tpu.memory_space<vmem>>
      tpu.enqueue_dma source(%dma_start3A_1087 : memref<80x128xf32, #tpu.memory_space<vmem>>) target(%dma_start3A_1083 : memref<80x128xf32, #tpu.memory_space<hbm>>) target_semaphore(%arg21 : memref<!tpu.dma_semaphore, #tpu.memory_space<semaphore_mem>>)
      %sub3A_1088 = arith.constant 4 : i32
      %sub3A_1089 = arith.subi %add3A_1060, %sub3A_1088 : i32
      %mul3A_1090 = arith.constant 80 : i32
      %mul3A_1091 = arith.muli %sub3A_1089, %mul3A_1090 : i32
      %add3A_1092 = arith.addi %mul3A_2, %mul3A_1091 : i32
      %dma_wait3A_1093 = arith.constant 0 : i32
      %dma_wait3A_1094 = arith.constant 0 : i32
      %dma_wait3A_1095 = arith.constant 0 : i32
      %dma_wait3A_1096 = tpu.memref_slice %arg6[%dma_wait3A_1093, %dma_wait3A_1094, %dma_wait3A_1095] : memref<8x80x128xf32, #tpu.memory_space<vmem>> -> memref<1x80x128xf32, #tpu.memory_space<vmem>>
      %dma_wait3A_1097 = tpu.memref_squeeze %dma_wait3A_1096 : memref<1x80x128xf32, #tpu.memory_space<vmem>> -> memref<80x128xf32, #tpu.memory_space<vmem>>
      %dma_wait3A_1098 = arith.constant 0 : i32
      %dma_wait3A_1099 = tpu.memref_slice %arg4[%add3A_1092, %dma_wait3A_1098] : memref<204800x128xf32, #tpu.memory_space<hbm>> -> memref<80x128xf32, #tpu.memory_space<hbm>>
      %dma_wait3A_1100 = arith.constant 0 : i32
      %dma_wait3A_1101 = tpu.memref_slice %arg4[%add3A_1092, %dma_wait3A_1100] : memref<204800x128xf32, #tpu.memory_space<hbm>> -> memref<80x128xf32, #tpu.memory_space<hbm>>
      %dma_wait3A_1102 = arith.constant 0 : i32
      %dma_wait3A_1103 = arith.constant 0 : i32
      %dma_wait3A_1104 = tpu.memref_slice %arg6[%dma_wait3A_1093, %dma_wait3A_1102, %dma_wait3A_1103] : memref<8x80x128xf32, #tpu.memory_space<vmem>> -> memref<1x80x128xf32, #tpu.memory_space<vmem>>
      %dma_wait3A_1105 = tpu.memref_squeeze %dma_wait3A_1104 : memref<1x80x128xf32, #tpu.memory_space<vmem>> -> memref<80x128xf32, #tpu.memory_space<vmem>>
      tpu.wait_dma2 semaphore(%arg17 : memref<!tpu.dma_semaphore, #tpu.memory_space<semaphore_mem>>) src(%dma_wait3A_1105 : memref<80x128xf32, #tpu.memory_space<vmem>>) dst(%dma_wait3A_1101 : memref<80x128xf32, #tpu.memory_space<hbm>>)
      %add3A_1106 = arith.constant 4 : i32
      %add3A_1107 = arith.addi %add3A_1060, %add3A_1106 : i32
      %mul3A_1108 = arith.constant 80 : i32
      %mul3A_1109 = arith.muli %add3A_1107, %mul3A_1108 : i32
      %dma_start3A_1110 = arith.constant 0 : i32
      %dma_start3A_1111 = arith.constant 0 : i32
      %dma_start3A_1112 = arith.constant 0 : i32
      %dma_start3A_1113 = tpu.memref_slice %arg6[%dma_start3A_1110, %dma_start3A_1111, %dma_start3A_1112] : memref<8x80x128xf32, #tpu.memory_space<vmem>> -> memref<1x80x128xf32, #tpu.memory_space<vmem>>
      %dma_start3A_1114 = tpu.memref_squeeze %dma_start3A_1113 : memref<1x80x128xf32, #tpu.memory_space<vmem>> -> memref<80x128xf32, #tpu.memory_space<vmem>>
      %dma_start3A_1115 = tpu.memref_slice %arg5[%mul3A_1109] : memref<6400xi32, #tpu.memory_space<vmem>> -> memref<80xi32, #tpu.memory_space<vmem>>
      %dma_start3A_1116 = arith.constant 0 : i32
      %dma_start3A_1117 = arith.constant 0 : i32
      %dma_start3A_1118 = tpu.memref_slice %arg7[%dma_start3A_1116, %dma_start3A_1117] : memref<1001x128xf32, #tpu.memory_space<vmem_shared>> -> memref<1001x128xf32, #tpu.memory_space<vmem_shared>>
      tpu.enqueue_indirect_dma source(%dma_start3A_1118 : memref<1001x128xf32, #tpu.memory_space<vmem_shared>>) target(%dma_start3A_1114 : memref<80x128xf32, #tpu.memory_space<vmem>>) offsets(%dma_start3A_1115 : memref<80xi32, #tpu.memory_space<vmem>>) semaphore(%arg9 : memref<!tpu.dma_semaphore, #tpu.memory_space<semaphore_mem>>)
      %add3A_1119 = arith.constant 5 : i32
      %add3A_1120 = arith.addi %mul3A_819, %add3A_1119 : i32
      %mul3A_1121 = arith.constant 80 : i32
      %mul3A_1122 = arith.muli %add3A_1120, %mul3A_1121 : i32
      %dma_wait3A_1123 = arith.constant 5 : i32
      %dma_wait3A_1124 = arith.constant 0 : i32
      %dma_wait3A_1125 = arith.constant 0 : i32
      %dma_wait3A_1126 = tpu.memref_slice %arg6[%dma_wait3A_1123, %dma_wait3A_1124, %dma_wait3A_1125] : memref<8x80x128xf32, #tpu.memory_space<vmem>> -> memref<1x80x128xf32, #tpu.memory_space<vmem>>
      %dma_wait3A_1127 = tpu.memref_squeeze %dma_wait3A_1126 : memref<1x80x128xf32, #tpu.memory_space<vmem>> -> memref<80x128xf32, #tpu.memory_space<vmem>>
      %dma_wait3A_1128 = tpu.memref_slice %arg5[%mul3A_1122] : memref<6400xi32, #tpu.memory_space<vmem>> -> memref<80xi32, #tpu.memory_space<vmem>>
      %dma_wait3A_1129 = arith.constant 0 : i32
      %dma_wait3A_1130 = arith.constant 0 : i32
      %dma_wait3A_1131 = tpu.memref_slice %arg7[%dma_wait3A_1129, %dma_wait3A_1130] : memref<1001x128xf32, #tpu.memory_space<vmem_shared>> -> memref<1001x128xf32, #tpu.memory_space<vmem_shared>>
      tpu.wait_indirect_dma semaphore(%arg14 : memref<!tpu.dma_semaphore, #tpu.memory_space<semaphore_mem>>) src(%dma_wait3A_1131 : memref<1001x128xf32, #tpu.memory_space<vmem_shared>>) dst(%dma_wait3A_1127 : memref<80x128xf32, #tpu.memory_space<vmem>>)
      %mul3A_1132 = arith.constant 80 : i32
      %mul3A_1133 = arith.muli %add3A_1120, %mul3A_1132 : i32
      %add3A_1134 = arith.addi %mul3A_2, %mul3A_1133 : i32
      %dma_start3A_1135 = arith.constant 5 : i32
      %dma_start3A_1136 = arith.constant 0 : i32
      %dma_start3A_1137 = arith.constant 0 : i32
      %dma_start3A_1138 = tpu.memref_slice %arg6[%dma_start3A_1135, %dma_start3A_1136, %dma_start3A_1137] : memref<8x80x128xf32, #tpu.memory_space<vmem>> -> memref<1x80x128xf32, #tpu.memory_space<vmem>>
      %dma_start3A_1139 = tpu.memref_squeeze %dma_start3A_1138 : memref<1x80x128xf32, #tpu.memory_space<vmem>> -> memref<80x128xf32, #tpu.memory_space<vmem>>
      %dma_start3A_1140 = arith.constant 0 : i32
      %dma_start3A_1141 = tpu.memref_slice %arg4[%add3A_1134, %dma_start3A_1140] : memref<204800x128xf32, #tpu.memory_space<hbm>> -> memref<80x128xf32, #tpu.memory_space<hbm>>
      %dma_start3A_1142 = arith.constant 0 : i32
      %dma_start3A_1143 = tpu.memref_slice %arg4[%add3A_1134, %dma_start3A_1142] : memref<204800x128xf32, #tpu.memory_space<hbm>> -> memref<80x128xf32, #tpu.memory_space<hbm>>
      %dma_start3A_1144 = arith.constant 0 : i32
      %dma_start3A_1145 = arith.constant 0 : i32
      %dma_start3A_1146 = tpu.memref_slice %arg6[%dma_start3A_1135, %dma_start3A_1144, %dma_start3A_1145] : memref<8x80x128xf32, #tpu.memory_space<vmem>> -> memref<1x80x128xf32, #tpu.memory_space<vmem>>
      %dma_start3A_1147 = tpu.memref_squeeze %dma_start3A_1146 : memref<1x80x128xf32, #tpu.memory_space<vmem>> -> memref<80x128xf32, #tpu.memory_space<vmem>>
      tpu.enqueue_dma source(%dma_start3A_1147 : memref<80x128xf32, #tpu.memory_space<vmem>>) target(%dma_start3A_1143 : memref<80x128xf32, #tpu.memory_space<hbm>>) target_semaphore(%arg22 : memref<!tpu.dma_semaphore, #tpu.memory_space<semaphore_mem>>)
      %sub3A_1148 = arith.constant 4 : i32
      %sub3A_1149 = arith.subi %add3A_1120, %sub3A_1148 : i32
      %mul3A_1150 = arith.constant 80 : i32
      %mul3A_1151 = arith.muli %sub3A_1149, %mul3A_1150 : i32
      %add3A_1152 = arith.addi %mul3A_2, %mul3A_1151 : i32
      %dma_wait3A_1153 = arith.constant 1 : i32
      %dma_wait3A_1154 = arith.constant 0 : i32
      %dma_wait3A_1155 = arith.constant 0 : i32
      %dma_wait3A_1156 = tpu.memref_slice %arg6[%dma_wait3A_1153, %dma_wait3A_1154, %dma_wait3A_1155] : memref<8x80x128xf32, #tpu.memory_space<vmem>> -> memref<1x80x128xf32, #tpu.memory_space<vmem>>
      %dma_wait3A_1157 = tpu.memref_squeeze %dma_wait3A_1156 : memref<1x80x128xf32, #tpu.memory_space<vmem>> -> memref<80x128xf32, #tpu.memory_space<vmem>>
      %dma_wait3A_1158 = arith.constant 0 : i32
      %dma_wait3A_1159 = tpu.memref_slice %arg4[%add3A_1152, %dma_wait3A_1158] : memref<204800x128xf32, #tpu.memory_space<hbm>> -> memref<80x128xf32, #tpu.memory_space<hbm>>
      %dma_wait3A_1160 = arith.constant 0 : i32
      %dma_wait3A_1161 = tpu.memref_slice %arg4[%add3A_1152, %dma_wait3A_1160] : memref<204800x128xf32, #tpu.memory_space<hbm>> -> memref<80x128xf32, #tpu.memory_space<hbm>>
      %dma_wait3A_1162 = arith.constant 0 : i32
      %dma_wait3A_1163 = arith.constant 0 : i32
      %dma_wait3A_1164 = tpu.memref_slice %arg6[%dma_wait3A_1153, %dma_wait3A_1162, %dma_wait3A_1163] : memref<8x80x128xf32, #tpu.memory_space<vmem>> -> memref<1x80x128xf32, #tpu.memory_space<vmem>>
      %dma_wait3A_1165 = tpu.memref_squeeze %dma_wait3A_1164 : memref<1x80x128xf32, #tpu.memory_space<vmem>> -> memref<80x128xf32, #tpu.memory_space<vmem>>
      tpu.wait_dma2 semaphore(%arg18 : memref<!tpu.dma_semaphore, #tpu.memory_space<semaphore_mem>>) src(%dma_wait3A_1165 : memref<80x128xf32, #tpu.memory_space<vmem>>) dst(%dma_wait3A_1161 : memref<80x128xf32, #tpu.memory_space<hbm>>)
      %add3A_1166 = arith.constant 4 : i32
      %add3A_1167 = arith.addi %add3A_1120, %add3A_1166 : i32
      %mul3A_1168 = arith.constant 80 : i32
      %mul3A_1169 = arith.muli %add3A_1167, %mul3A_1168 : i32
      %dma_start3A_1170 = arith.constant 1 : i32
      %dma_start3A_1171 = arith.constant 0 : i32
      %dma_start3A_1172 = arith.constant 0 : i32
      %dma_start3A_1173 = tpu.memref_slice %arg6[%dma_start3A_1170, %dma_start3A_1171, %dma_start3A_1172] : memref<8x80x128xf32, #tpu.memory_space<vmem>> -> memref<1x80x128xf32, #tpu.memory_space<vmem>>
      %dma_start3A_1174 = tpu.memref_squeeze %dma_start3A_1173 : memref<1x80x128xf32, #tpu.memory_space<vmem>> -> memref<80x128xf32, #tpu.memory_space<vmem>>
      %dma_start3A_1175 = tpu.memref_slice %arg5[%mul3A_1169] : memref<6400xi32, #tpu.memory_space<vmem>> -> memref<80xi32, #tpu.memory_space<vmem>>
      %dma_start3A_1176 = arith.constant 0 : i32
      %dma_start3A_1177 = arith.constant 0 : i32
      %dma_start3A_1178 = tpu.memref_slice %arg7[%dma_start3A_1176, %dma_start3A_1177] : memref<1001x128xf32, #tpu.memory_space<vmem_shared>> -> memref<1001x128xf32, #tpu.memory_space<vmem_shared>>
      tpu.enqueue_indirect_dma source(%dma_start3A_1178 : memref<1001x128xf32, #tpu.memory_space<vmem_shared>>) target(%dma_start3A_1174 : memref<80x128xf32, #tpu.memory_space<vmem>>) offsets(%dma_start3A_1175 : memref<80xi32, #tpu.memory_space<vmem>>) semaphore(%arg10 : memref<!tpu.dma_semaphore, #tpu.memory_space<semaphore_mem>>)
      %add3A_1179 = arith.constant 6 : i32
      %add3A_1180 = arith.addi %mul3A_819, %add3A_1179 : i32
      %mul3A_1181 = arith.constant 80 : i32
      %mul3A_1182 = arith.muli %add3A_1180, %mul3A_1181 : i32
      %dma_wait3A_1183 = arith.constant 6 : i32
      %dma_wait3A_1184 = arith.constant 0 : i32
      %dma_wait3A_1185 = arith.constant 0 : i32
      %dma_wait3A_1186 = tpu.memref_slice %arg6[%dma_wait3A_1183, %dma_wait3A_1184, %dma_wait3A_1185] : memref<8x80x128xf32, #tpu.memory_space<vmem>> -> memref<1x80x128xf32, #tpu.memory_space<vmem>>
      %dma_wait3A_1187 = tpu.memref_squeeze %dma_wait3A_1186 : memref<1x80x128xf32, #tpu.memory_space<vmem>> -> memref<80x128xf32, #tpu.memory_space<vmem>>
      %dma_wait3A_1188 = tpu.memref_slice %arg5[%mul3A_1182] : memref<6400xi32, #tpu.memory_space<vmem>> -> memref<80xi32, #tpu.memory_space<vmem>>
      %dma_wait3A_1189 = arith.constant 0 : i32
      %dma_wait3A_1190 = arith.constant 0 : i32
      %dma_wait3A_1191 = tpu.memref_slice %arg7[%dma_wait3A_1189, %dma_wait3A_1190] : memref<1001x128xf32, #tpu.memory_space<vmem_shared>> -> memref<1001x128xf32, #tpu.memory_space<vmem_shared>>
      tpu.wait_indirect_dma semaphore(%arg15 : memref<!tpu.dma_semaphore, #tpu.memory_space<semaphore_mem>>) src(%dma_wait3A_1191 : memref<1001x128xf32, #tpu.memory_space<vmem_shared>>) dst(%dma_wait3A_1187 : memref<80x128xf32, #tpu.memory_space<vmem>>)
      %mul3A_1192 = arith.constant 80 : i32
      %mul3A_1193 = arith.muli %add3A_1180, %mul3A_1192 : i32
      %add3A_1194 = arith.addi %mul3A_2, %mul3A_1193 : i32
      %dma_start3A_1195 = arith.constant 6 : i32
      %dma_start3A_1196 = arith.constant 0 : i32
      %dma_start3A_1197 = arith.constant 0 : i32
      %dma_start3A_1198 = tpu.memref_slice %arg6[%dma_start3A_1195, %dma_start3A_1196, %dma_start3A_1197] : memref<8x80x128xf32, #tpu.memory_space<vmem>> -> memref<1x80x128xf32, #tpu.memory_space<vmem>>
      %dma_start3A_1199 = tpu.memref_squeeze %dma_start3A_1198 : memref<1x80x128xf32, #tpu.memory_space<vmem>> -> memref<80x128xf32, #tpu.memory_space<vmem>>
      %dma_start3A_1200 = arith.constant 0 : i32
      %dma_start3A_1201 = tpu.memref_slice %arg4[%add3A_1194, %dma_start3A_1200] : memref<204800x128xf32, #tpu.memory_space<hbm>> -> memref<80x128xf32, #tpu.memory_space<hbm>>
      %dma_start3A_1202 = arith.constant 0 : i32
      %dma_start3A_1203 = tpu.memref_slice %arg4[%add3A_1194, %dma_start3A_1202] : memref<204800x128xf32, #tpu.memory_space<hbm>> -> memref<80x128xf32, #tpu.memory_space<hbm>>
      %dma_start3A_1204 = arith.constant 0 : i32
      %dma_start3A_1205 = arith.constant 0 : i32
      %dma_start3A_1206 = tpu.memref_slice %arg6[%dma_start3A_1195, %dma_start3A_1204, %dma_start3A_1205] : memref<8x80x128xf32, #tpu.memory_space<vmem>> -> memref<1x80x128xf32, #tpu.memory_space<vmem>>
      %dma_start3A_1207 = tpu.memref_squeeze %dma_start3A_1206 : memref<1x80x128xf32, #tpu.memory_space<vmem>> -> memref<80x128xf32, #tpu.memory_space<vmem>>
      tpu.enqueue_dma source(%dma_start3A_1207 : memref<80x128xf32, #tpu.memory_space<vmem>>) target(%dma_start3A_1203 : memref<80x128xf32, #tpu.memory_space<hbm>>) target_semaphore(%arg23 : memref<!tpu.dma_semaphore, #tpu.memory_space<semaphore_mem>>)
      %sub3A_1208 = arith.constant 4 : i32
      %sub3A_1209 = arith.subi %add3A_1180, %sub3A_1208 : i32
      %mul3A_1210 = arith.constant 80 : i32
      %mul3A_1211 = arith.muli %sub3A_1209, %mul3A_1210 : i32
      %add3A_1212 = arith.addi %mul3A_2, %mul3A_1211 : i32
      %dma_wait3A_1213 = arith.constant 2 : i32
      %dma_wait3A_1214 = arith.constant 0 : i32
      %dma_wait3A_1215 = arith.constant 0 : i32
      %dma_wait3A_1216 = tpu.memref_slice %arg6[%dma_wait3A_1213, %dma_wait3A_1214, %dma_wait3A_1215] : memref<8x80x128xf32, #tpu.memory_space<vmem>> -> memref<1x80x128xf32, #tpu.memory_space<vmem>>
      %dma_wait3A_1217 = tpu.memref_squeeze %dma_wait3A_1216 : memref<1x80x128xf32, #tpu.memory_space<vmem>> -> memref<80x128xf32, #tpu.memory_space<vmem>>
      %dma_wait3A_1218 = arith.constant 0 : i32
      %dma_wait3A_1219 = tpu.memref_slice %arg4[%add3A_1212, %dma_wait3A_1218] : memref<204800x128xf32, #tpu.memory_space<hbm>> -> memref<80x128xf32, #tpu.memory_space<hbm>>
      %dma_wait3A_1220 = arith.constant 0 : i32
      %dma_wait3A_1221 = tpu.memref_slice %arg4[%add3A_1212, %dma_wait3A_1220] : memref<204800x128xf32, #tpu.memory_space<hbm>> -> memref<80x128xf32, #tpu.memory_space<hbm>>
      %dma_wait3A_1222 = arith.constant 0 : i32
      %dma_wait3A_1223 = arith.constant 0 : i32
      %dma_wait3A_1224 = tpu.memref_slice %arg6[%dma_wait3A_1213, %dma_wait3A_1222, %dma_wait3A_1223] : memref<8x80x128xf32, #tpu.memory_space<vmem>> -> memref<1x80x128xf32, #tpu.memory_space<vmem>>
      %dma_wait3A_1225 = tpu.memref_squeeze %dma_wait3A_1224 : memref<1x80x128xf32, #tpu.memory_space<vmem>> -> memref<80x128xf32, #tpu.memory_space<vmem>>
      tpu.wait_dma2 semaphore(%arg19 : memref<!tpu.dma_semaphore, #tpu.memory_space<semaphore_mem>>) src(%dma_wait3A_1225 : memref<80x128xf32, #tpu.memory_space<vmem>>) dst(%dma_wait3A_1221 : memref<80x128xf32, #tpu.memory_space<hbm>>)
      %add3A_1226 = arith.constant 4 : i32
      %add3A_1227 = arith.addi %add3A_1180, %add3A_1226 : i32
      %mul3A_1228 = arith.constant 80 : i32
      %mul3A_1229 = arith.muli %add3A_1227, %mul3A_1228 : i32
      %dma_start3A_1230 = arith.constant 2 : i32
      %dma_start3A_1231 = arith.constant 0 : i32
      %dma_start3A_1232 = arith.constant 0 : i32
      %dma_start3A_1233 = tpu.memref_slice %arg6[%dma_start3A_1230, %dma_start3A_1231, %dma_start3A_1232] : memref<8x80x128xf32, #tpu.memory_space<vmem>> -> memref<1x80x128xf32, #tpu.memory_space<vmem>>
      %dma_start3A_1234 = tpu.memref_squeeze %dma_start3A_1233 : memref<1x80x128xf32, #tpu.memory_space<vmem>> -> memref<80x128xf32, #tpu.memory_space<vmem>>
      %dma_start3A_1235 = tpu.memref_slice %arg5[%mul3A_1229] : memref<6400xi32, #tpu.memory_space<vmem>> -> memref<80xi32, #tpu.memory_space<vmem>>
      %dma_start3A_1236 = arith.constant 0 : i32
      %dma_start3A_1237 = arith.constant 0 : i32
      %dma_start3A_1238 = tpu.memref_slice %arg7[%dma_start3A_1236, %dma_start3A_1237] : memref<1001x128xf32, #tpu.memory_space<vmem_shared>> -> memref<1001x128xf32, #tpu.memory_space<vmem_shared>>
      tpu.enqueue_indirect_dma source(%dma_start3A_1238 : memref<1001x128xf32, #tpu.memory_space<vmem_shared>>) target(%dma_start3A_1234 : memref<80x128xf32, #tpu.memory_space<vmem>>) offsets(%dma_start3A_1235 : memref<80xi32, #tpu.memory_space<vmem>>) semaphore(%arg11 : memref<!tpu.dma_semaphore, #tpu.memory_space<semaphore_mem>>)
      %add3A_1239 = arith.constant 7 : i32
      %add3A_1240 = arith.addi %mul3A_819, %add3A_1239 : i32
      %mul3A_1241 = arith.constant 80 : i32
      %mul3A_1242 = arith.muli %add3A_1240, %mul3A_1241 : i32
      %dma_wait3A_1243 = arith.constant 7 : i32
      %dma_wait3A_1244 = arith.constant 0 : i32
      %dma_wait3A_1245 = arith.constant 0 : i32
      %dma_wait3A_1246 = tpu.memref_slice %arg6[%dma_wait3A_1243, %dma_wait3A_1244, %dma_wait3A_1245] : memref<8x80x128xf32, #tpu.memory_space<vmem>> -> memref<1x80x128xf32, #tpu.memory_space<vmem>>
      %dma_wait3A_1247 = tpu.memref_squeeze %dma_wait3A_1246 : memref<1x80x128xf32, #tpu.memory_space<vmem>> -> memref<80x128xf32, #tpu.memory_space<vmem>>
      %dma_wait3A_1248 = tpu.memref_slice %arg5[%mul3A_1242] : memref<6400xi32, #tpu.memory_space<vmem>> -> memref<80xi32, #tpu.memory_space<vmem>>
      %dma_wait3A_1249 = arith.constant 0 : i32
      %dma_wait3A_1250 = arith.constant 0 : i32
      %dma_wait3A_1251 = tpu.memref_slice %arg7[%dma_wait3A_1249, %dma_wait3A_1250] : memref<1001x128xf32, #tpu.memory_space<vmem_shared>> -> memref<1001x128xf32, #tpu.memory_space<vmem_shared>>
      tpu.wait_indirect_dma semaphore(%arg16 : memref<!tpu.dma_semaphore, #tpu.memory_space<semaphore_mem>>) src(%dma_wait3A_1251 : memref<1001x128xf32, #tpu.memory_space<vmem_shared>>) dst(%dma_wait3A_1247 : memref<80x128xf32, #tpu.memory_space<vmem>>)
      %mul3A_1252 = arith.constant 80 : i32
      %mul3A_1253 = arith.muli %add3A_1240, %mul3A_1252 : i32
      %add3A_1254 = arith.addi %mul3A_2, %mul3A_1253 : i32
      %dma_start3A_1255 = arith.constant 7 : i32
      %dma_start3A_1256 = arith.constant 0 : i32
      %dma_start3A_1257 = arith.constant 0 : i32
      %dma_start3A_1258 = tpu.memref_slice %arg6[%dma_start3A_1255, %dma_start3A_1256, %dma_start3A_1257] : memref<8x80x128xf32, #tpu.memory_space<vmem>> -> memref<1x80x128xf32, #tpu.memory_space<vmem>>
      %dma_start3A_1259 = tpu.memref_squeeze %dma_start3A_1258 : memref<1x80x128xf32, #tpu.memory_space<vmem>> -> memref<80x128xf32, #tpu.memory_space<vmem>>
      %dma_start3A_1260 = arith.constant 0 : i32
      %dma_start3A_1261 = tpu.memref_slice %arg4[%add3A_1254, %dma_start3A_1260] : memref<204800x128xf32, #tpu.memory_space<hbm>> -> memref<80x128xf32, #tpu.memory_space<hbm>>
      %dma_start3A_1262 = arith.constant 0 : i32
      %dma_start3A_1263 = tpu.memref_slice %arg4[%add3A_1254, %dma_start3A_1262] : memref<204800x128xf32, #tpu.memory_space<hbm>> -> memref<80x128xf32, #tpu.memory_space<hbm>>
      %dma_start3A_1264 = arith.constant 0 : i32
      %dma_start3A_1265 = arith.constant 0 : i32
      %dma_start3A_1266 = tpu.memref_slice %arg6[%dma_start3A_1255, %dma_start3A_1264, %dma_start3A_1265] : memref<8x80x128xf32, #tpu.memory_space<vmem>> -> memref<1x80x128xf32, #tpu.memory_space<vmem>>
      %dma_start3A_1267 = tpu.memref_squeeze %dma_start3A_1266 : memref<1x80x128xf32, #tpu.memory_space<vmem>> -> memref<80x128xf32, #tpu.memory_space<vmem>>
      tpu.enqueue_dma source(%dma_start3A_1267 : memref<80x128xf32, #tpu.memory_space<vmem>>) target(%dma_start3A_1263 : memref<80x128xf32, #tpu.memory_space<hbm>>) target_semaphore(%arg24 : memref<!tpu.dma_semaphore, #tpu.memory_space<semaphore_mem>>)
      %sub3A_1268 = arith.constant 4 : i32
      %sub3A_1269 = arith.subi %add3A_1240, %sub3A_1268 : i32
      %mul3A_1270 = arith.constant 80 : i32
      %mul3A_1271 = arith.muli %sub3A_1269, %mul3A_1270 : i32
      %add3A_1272 = arith.addi %mul3A_2, %mul3A_1271 : i32
      %dma_wait3A_1273 = arith.constant 3 : i32
      %dma_wait3A_1274 = arith.constant 0 : i32
      %dma_wait3A_1275 = arith.constant 0 : i32
      %dma_wait3A_1276 = tpu.memref_slice %arg6[%dma_wait3A_1273, %dma_wait3A_1274, %dma_wait3A_1275] : memref<8x80x128xf32, #tpu.memory_space<vmem>> -> memref<1x80x128xf32, #tpu.memory_space<vmem>>
      %dma_wait3A_1277 = tpu.memref_squeeze %dma_wait3A_1276 : memref<1x80x128xf32, #tpu.memory_space<vmem>> -> memref<80x128xf32, #tpu.memory_space<vmem>>
      %dma_wait3A_1278 = arith.constant 0 : i32
      %dma_wait3A_1279 = tpu.memref_slice %arg4[%add3A_1272, %dma_wait3A_1278] : memref<204800x128xf32, #tpu.memory_space<hbm>> -> memref<80x128xf32, #tpu.memory_space<hbm>>
      %dma_wait3A_1280 = arith.constant 0 : i32
      %dma_wait3A_1281 = tpu.memref_slice %arg4[%add3A_1272, %dma_wait3A_1280] : memref<204800x128xf32, #tpu.memory_space<hbm>> -> memref<80x128xf32, #tpu.memory_space<hbm>>
      %dma_wait3A_1282 = arith.constant 0 : i32
      %dma_wait3A_1283 = arith.constant 0 : i32
      %dma_wait3A_1284 = tpu.memref_slice %arg6[%dma_wait3A_1273, %dma_wait3A_1282, %dma_wait3A_1283] : memref<8x80x128xf32, #tpu.memory_space<vmem>> -> memref<1x80x128xf32, #tpu.memory_space<vmem>>
      %dma_wait3A_1285 = tpu.memref_squeeze %dma_wait3A_1284 : memref<1x80x128xf32, #tpu.memory_space<vmem>> -> memref<80x128xf32, #tpu.memory_space<vmem>>
      tpu.wait_dma2 semaphore(%arg20 : memref<!tpu.dma_semaphore, #tpu.memory_space<semaphore_mem>>) src(%dma_wait3A_1285 : memref<80x128xf32, #tpu.memory_space<vmem>>) dst(%dma_wait3A_1281 : memref<80x128xf32, #tpu.memory_space<hbm>>)
      %add3A_1286 = arith.constant 4 : i32
      %add3A_1287 = arith.addi %add3A_1240, %add3A_1286 : i32
      %mul3A_1288 = arith.constant 80 : i32
      %mul3A_1289 = arith.muli %add3A_1287, %mul3A_1288 : i32
      %dma_start3A_1290 = arith.constant 3 : i32
      %dma_start3A_1291 = arith.constant 0 : i32
      %dma_start3A_1292 = arith.constant 0 : i32
      %dma_start3A_1293 = tpu.memref_slice %arg6[%dma_start3A_1290, %dma_start3A_1291, %dma_start3A_1292] : memref<8x80x128xf32, #tpu.memory_space<vmem>> -> memref<1x80x128xf32, #tpu.memory_space<vmem>>
      %dma_start3A_1294 = tpu.memref_squeeze %dma_start3A_1293 : memref<1x80x128xf32, #tpu.memory_space<vmem>> -> memref<80x128xf32, #tpu.memory_space<vmem>>
      %dma_start3A_1295 = tpu.memref_slice %arg5[%mul3A_1289] : memref<6400xi32, #tpu.memory_space<vmem>> -> memref<80xi32, #tpu.memory_space<vmem>>
      %dma_start3A_1296 = arith.constant 0 : i32
      %dma_start3A_1297 = arith.constant 0 : i32
      %dma_start3A_1298 = tpu.memref_slice %arg7[%dma_start3A_1296, %dma_start3A_1297] : memref<1001x128xf32, #tpu.memory_space<vmem_shared>> -> memref<1001x128xf32, #tpu.memory_space<vmem_shared>>
      tpu.enqueue_indirect_dma source(%dma_start3A_1298 : memref<1001x128xf32, #tpu.memory_space<vmem_shared>>) target(%dma_start3A_1294 : memref<80x128xf32, #tpu.memory_space<vmem>>) offsets(%dma_start3A_1295 : memref<80xi32, #tpu.memory_space<vmem>>) semaphore(%arg12 : memref<!tpu.dma_semaphore, #tpu.memory_space<semaphore_mem>>)
    }
    %scan3A_392 = arith.constant 8 : i32
    %dma_wait3A_393 = arith.constant 0 : i32
    %dma_wait3A_394 = arith.constant 0 : i32
    %dma_wait3A_395 = arith.constant 0 : i32
    %dma_wait3A_396 = tpu.memref_slice %arg6[%dma_wait3A_393, %dma_wait3A_394, %dma_wait3A_395] : memref<8x80x128xf32, #tpu.memory_space<vmem>> -> memref<1x80x128xf32, #tpu.memory_space<vmem>>
    %dma_wait3A_397 = tpu.memref_squeeze %dma_wait3A_396 : memref<1x80x128xf32, #tpu.memory_space<vmem>> -> memref<80x128xf32, #tpu.memory_space<vmem>>
    %dma_wait3A_398 = arith.constant 5760 : i32
    %dma_wait3A_399 = tpu.memref_slice %arg5[%dma_wait3A_398] : memref<6400xi32, #tpu.memory_space<vmem>> -> memref<80xi32, #tpu.memory_space<vmem>>
    %dma_wait3A_400 = arith.constant 0 : i32
    %dma_wait3A_401 = arith.constant 0 : i32
    %dma_wait3A_402 = tpu.memref_slice %arg7[%dma_wait3A_400, %dma_wait3A_401] : memref<1001x128xf32, #tpu.memory_space<vmem_shared>> -> memref<1001x128xf32, #tpu.memory_space<vmem_shared>>
    tpu.wait_indirect_dma semaphore(%arg9 : memref<!tpu.dma_semaphore, #tpu.memory_space<semaphore_mem>>) src(%dma_wait3A_402 : memref<1001x128xf32, #tpu.memory_space<vmem_shared>>) dst(%dma_wait3A_397 : memref<80x128xf32, #tpu.memory_space<vmem>>)
    %add3A_403 = arith.constant 5760 : i32
    %add3A_404 = arith.addi %mul3A_2, %add3A_403 : i32
    %dma_start3A_405 = arith.constant 0 : i32
    %dma_start3A_406 = arith.constant 0 : i32
    %dma_start3A_407 = arith.constant 0 : i32
    %dma_start3A_408 = tpu.memref_slice %arg6[%dma_start3A_405, %dma_start3A_406, %dma_start3A_407] : memref<8x80x128xf32, #tpu.memory_space<vmem>> -> memref<1x80x128xf32, #tpu.memory_space<vmem>>
    %dma_start3A_409 = tpu.memref_squeeze %dma_start3A_408 : memref<1x80x128xf32, #tpu.memory_space<vmem>> -> memref<80x128xf32, #tpu.memory_space<vmem>>
    %dma_start3A_410 = arith.constant 0 : i32
    %dma_start3A_411 = tpu.memref_slice %arg4[%add3A_404, %dma_start3A_410] : memref<204800x128xf32, #tpu.memory_space<hbm>> -> memref<80x128xf32, #tpu.memory_space<hbm>>
    %dma_start3A_412 = arith.constant 0 : i32
    %dma_start3A_413 = tpu.memref_slice %arg4[%add3A_404, %dma_start3A_412] : memref<204800x128xf32, #tpu.memory_space<hbm>> -> memref<80x128xf32, #tpu.memory_space<hbm>>
    %dma_start3A_414 = arith.constant 0 : i32
    %dma_start3A_415 = arith.constant 0 : i32
    %dma_start3A_416 = tpu.memref_slice %arg6[%dma_start3A_405, %dma_start3A_414, %dma_start3A_415] : memref<8x80x128xf32, #tpu.memory_space<vmem>> -> memref<1x80x128xf32, #tpu.memory_space<vmem>>
    %dma_start3A_417 = tpu.memref_squeeze %dma_start3A_416 : memref<1x80x128xf32, #tpu.memory_space<vmem>> -> memref<80x128xf32, #tpu.memory_space<vmem>>
    tpu.enqueue_dma source(%dma_start3A_417 : memref<80x128xf32, #tpu.memory_space<vmem>>) target(%dma_start3A_413 : memref<80x128xf32, #tpu.memory_space<hbm>>) target_semaphore(%arg17 : memref<!tpu.dma_semaphore, #tpu.memory_space<semaphore_mem>>)
    %add3A_418 = arith.constant 5440 : i32
    %add3A_419 = arith.addi %mul3A_2, %add3A_418 : i32
    %dma_wait3A_420 = arith.constant 4 : i32
    %dma_wait3A_421 = arith.constant 0 : i32
    %dma_wait3A_422 = arith.constant 0 : i32
    %dma_wait3A_423 = tpu.memref_slice %arg6[%dma_wait3A_420, %dma_wait3A_421, %dma_wait3A_422] : memref<8x80x128xf32, #tpu.memory_space<vmem>> -> memref<1x80x128xf32, #tpu.memory_space<vmem>>
    %dma_wait3A_424 = tpu.memref_squeeze %dma_wait3A_423 : memref<1x80x128xf32, #tpu.memory_space<vmem>> -> memref<80x128xf32, #tpu.memory_space<vmem>>
    %dma_wait3A_425 = arith.constant 0 : i32
    %dma_wait3A_426 = tpu.memref_slice %arg4[%add3A_419, %dma_wait3A_425] : memref<204800x128xf32, #tpu.memory_space<hbm>> -> memref<80x128xf32, #tpu.memory_space<hbm>>
    %dma_wait3A_427 = arith.constant 0 : i32
    %dma_wait3A_428 = tpu.memref_slice %arg4[%add3A_419, %dma_wait3A_427] : memref<204800x128xf32, #tpu.memory_space<hbm>> -> memref<80x128xf32, #tpu.memory_space<hbm>>
    %dma_wait3A_429 = arith.constant 0 : i32
    %dma_wait3A_430 = arith.constant 0 : i32
    %dma_wait3A_431 = tpu.memref_slice %arg6[%dma_wait3A_420, %dma_wait3A_429, %dma_wait3A_430] : memref<8x80x128xf32, #tpu.memory_space<vmem>> -> memref<1x80x128xf32, #tpu.memory_space<vmem>>
    %dma_wait3A_432 = tpu.memref_squeeze %dma_wait3A_431 : memref<1x80x128xf32, #tpu.memory_space<vmem>> -> memref<80x128xf32, #tpu.memory_space<vmem>>
    tpu.wait_dma2 semaphore(%arg21 : memref<!tpu.dma_semaphore, #tpu.memory_space<semaphore_mem>>) src(%dma_wait3A_432 : memref<80x128xf32, #tpu.memory_space<vmem>>) dst(%dma_wait3A_428 : memref<80x128xf32, #tpu.memory_space<hbm>>)
    %dma_start3A_433 = arith.constant 4 : i32
    %dma_start3A_434 = arith.constant 0 : i32
    %dma_start3A_435 = arith.constant 0 : i32
    %dma_start3A_436 = tpu.memref_slice %arg6[%dma_start3A_433, %dma_start3A_434, %dma_start3A_435] : memref<8x80x128xf32, #tpu.memory_space<vmem>> -> memref<1x80x128xf32, #tpu.memory_space<vmem>>
    %dma_start3A_437 = tpu.memref_squeeze %dma_start3A_436 : memref<1x80x128xf32, #tpu.memory_space<vmem>> -> memref<80x128xf32, #tpu.memory_space<vmem>>
    %dma_start3A_438 = arith.constant 6080 : i32
    %dma_start3A_439 = tpu.memref_slice %arg5[%dma_start3A_438] : memref<6400xi32, #tpu.memory_space<vmem>> -> memref<80xi32, #tpu.memory_space<vmem>>
    %dma_start3A_440 = arith.constant 0 : i32
    %dma_start3A_441 = arith.constant 0 : i32
    %dma_start3A_442 = tpu.memref_slice %arg7[%dma_start3A_440, %dma_start3A_441] : memref<1001x128xf32, #tpu.memory_space<vmem_shared>> -> memref<1001x128xf32, #tpu.memory_space<vmem_shared>>
    tpu.enqueue_indirect_dma source(%dma_start3A_442 : memref<1001x128xf32, #tpu.memory_space<vmem_shared>>) target(%dma_start3A_437 : memref<80x128xf32, #tpu.memory_space<vmem>>) offsets(%dma_start3A_439 : memref<80xi32, #tpu.memory_space<vmem>>) semaphore(%arg13 : memref<!tpu.dma_semaphore, #tpu.memory_space<semaphore_mem>>)
    %dma_wait3A_443 = arith.constant 1 : i32
    %dma_wait3A_444 = arith.constant 0 : i32
    %dma_wait3A_445 = arith.constant 0 : i32
    %dma_wait3A_446 = tpu.memref_slice %arg6[%dma_wait3A_443, %dma_wait3A_444, %dma_wait3A_445] : memref<8x80x128xf32, #tpu.memory_space<vmem>> -> memref<1x80x128xf32, #tpu.memory_space<vmem>>
    %dma_wait3A_447 = tpu.memref_squeeze %dma_wait3A_446 : memref<1x80x128xf32, #tpu.memory_space<vmem>> -> memref<80x128xf32, #tpu.memory_space<vmem>>
    %dma_wait3A_448 = arith.constant 5840 : i32
    %dma_wait3A_449 = tpu.memref_slice %arg5[%dma_wait3A_448] : memref<6400xi32, #tpu.memory_space<vmem>> -> memref<80xi32, #tpu.memory_space<vmem>>
    %dma_wait3A_450 = arith.constant 0 : i32
    %dma_wait3A_451 = arith.constant 0 : i32
    %dma_wait3A_452 = tpu.memref_slice %arg7[%dma_wait3A_450, %dma_wait3A_451] : memref<1001x128xf32, #tpu.memory_space<vmem_shared>> -> memref<1001x128xf32, #tpu.memory_space<vmem_shared>>
    tpu.wait_indirect_dma semaphore(%arg10 : memref<!tpu.dma_semaphore, #tpu.memory_space<semaphore_mem>>) src(%dma_wait3A_452 : memref<1001x128xf32, #tpu.memory_space<vmem_shared>>) dst(%dma_wait3A_447 : memref<80x128xf32, #tpu.memory_space<vmem>>)
    %add3A_453 = arith.constant 5840 : i32
    %add3A_454 = arith.addi %mul3A_2, %add3A_453 : i32
    %dma_start3A_455 = arith.constant 1 : i32
    %dma_start3A_456 = arith.constant 0 : i32
    %dma_start3A_457 = arith.constant 0 : i32
    %dma_start3A_458 = tpu.memref_slice %arg6[%dma_start3A_455, %dma_start3A_456, %dma_start3A_457] : memref<8x80x128xf32, #tpu.memory_space<vmem>> -> memref<1x80x128xf32, #tpu.memory_space<vmem>>
    %dma_start3A_459 = tpu.memref_squeeze %dma_start3A_458 : memref<1x80x128xf32, #tpu.memory_space<vmem>> -> memref<80x128xf32, #tpu.memory_space<vmem>>
    %dma_start3A_460 = arith.constant 0 : i32
    %dma_start3A_461 = tpu.memref_slice %arg4[%add3A_454, %dma_start3A_460] : memref<204800x128xf32, #tpu.memory_space<hbm>> -> memref<80x128xf32, #tpu.memory_space<hbm>>
    %dma_start3A_462 = arith.constant 0 : i32
    %dma_start3A_463 = tpu.memref_slice %arg4[%add3A_454, %dma_start3A_462] : memref<204800x128xf32, #tpu.memory_space<hbm>> -> memref<80x128xf32, #tpu.memory_space<hbm>>
    %dma_start3A_464 = arith.constant 0 : i32
    %dma_start3A_465 = arith.constant 0 : i32
    %dma_start3A_466 = tpu.memref_slice %arg6[%dma_start3A_455, %dma_start3A_464, %dma_start3A_465] : memref<8x80x128xf32, #tpu.memory_space<vmem>> -> memref<1x80x128xf32, #tpu.memory_space<vmem>>
    %dma_start3A_467 = tpu.memref_squeeze %dma_start3A_466 : memref<1x80x128xf32, #tpu.memory_space<vmem>> -> memref<80x128xf32, #tpu.memory_space<vmem>>
    tpu.enqueue_dma source(%dma_start3A_467 : memref<80x128xf32, #tpu.memory_space<vmem>>) target(%dma_start3A_463 : memref<80x128xf32, #tpu.memory_space<hbm>>) target_semaphore(%arg18 : memref<!tpu.dma_semaphore, #tpu.memory_space<semaphore_mem>>)
    %add3A_468 = arith.constant 5520 : i32
    %add3A_469 = arith.addi %mul3A_2, %add3A_468 : i32
    %dma_wait3A_470 = arith.constant 5 : i32
    %dma_wait3A_471 = arith.constant 0 : i32
    %dma_wait3A_472 = arith.constant 0 : i32
    %dma_wait3A_473 = tpu.memref_slice %arg6[%dma_wait3A_470, %dma_wait3A_471, %dma_wait3A_472] : memref<8x80x128xf32, #tpu.memory_space<vmem>> -> memref<1x80x128xf32, #tpu.memory_space<vmem>>
    %dma_wait3A_474 = tpu.memref_squeeze %dma_wait3A_473 : memref<1x80x128xf32, #tpu.memory_space<vmem>> -> memref<80x128xf32, #tpu.memory_space<vmem>>
    %dma_wait3A_475 = arith.constant 0 : i32
    %dma_wait3A_476 = tpu.memref_slice %arg4[%add3A_469, %dma_wait3A_475] : memref<204800x128xf32, #tpu.memory_space<hbm>> -> memref<80x128xf32, #tpu.memory_space<hbm>>
    %dma_wait3A_477 = arith.constant 0 : i32
    %dma_wait3A_478 = tpu.memref_slice %arg4[%add3A_469, %dma_wait3A_477] : memref<204800x128xf32, #tpu.memory_space<hbm>> -> memref<80x128xf32, #tpu.memory_space<hbm>>
    %dma_wait3A_479 = arith.constant 0 : i32
    %dma_wait3A_480 = arith.constant 0 : i32
    %dma_wait3A_481 = tpu.memref_slice %arg6[%dma_wait3A_470, %dma_wait3A_479, %dma_wait3A_480] : memref<8x80x128xf32, #tpu.memory_space<vmem>> -> memref<1x80x128xf32, #tpu.memory_space<vmem>>
    %dma_wait3A_482 = tpu.memref_squeeze %dma_wait3A_481 : memref<1x80x128xf32, #tpu.memory_space<vmem>> -> memref<80x128xf32, #tpu.memory_space<vmem>>
    tpu.wait_dma2 semaphore(%arg22 : memref<!tpu.dma_semaphore, #tpu.memory_space<semaphore_mem>>) src(%dma_wait3A_482 : memref<80x128xf32, #tpu.memory_space<vmem>>) dst(%dma_wait3A_478 : memref<80x128xf32, #tpu.memory_space<hbm>>)
    %dma_start3A_483 = arith.constant 5 : i32
    %dma_start3A_484 = arith.constant 0 : i32
    %dma_start3A_485 = arith.constant 0 : i32
    %dma_start3A_486 = tpu.memref_slice %arg6[%dma_start3A_483, %dma_start3A_484, %dma_start3A_485] : memref<8x80x128xf32, #tpu.memory_space<vmem>> -> memref<1x80x128xf32, #tpu.memory_space<vmem>>
    %dma_start3A_487 = tpu.memref_squeeze %dma_start3A_486 : memref<1x80x128xf32, #tpu.memory_space<vmem>> -> memref<80x128xf32, #tpu.memory_space<vmem>>
    %dma_start3A_488 = arith.constant 6160 : i32
    %dma_start3A_489 = tpu.memref_slice %arg5[%dma_start3A_488] : memref<6400xi32, #tpu.memory_space<vmem>> -> memref<80xi32, #tpu.memory_space<vmem>>
    %dma_start3A_490 = arith.constant 0 : i32
    %dma_start3A_491 = arith.constant 0 : i32
    %dma_start3A_492 = tpu.memref_slice %arg7[%dma_start3A_490, %dma_start3A_491] : memref<1001x128xf32, #tpu.memory_space<vmem_shared>> -> memref<1001x128xf32, #tpu.memory_space<vmem_shared>>
    tpu.enqueue_indirect_dma source(%dma_start3A_492 : memref<1001x128xf32, #tpu.memory_space<vmem_shared>>) target(%dma_start3A_487 : memref<80x128xf32, #tpu.memory_space<vmem>>) offsets(%dma_start3A_489 : memref<80xi32, #tpu.memory_space<vmem>>) semaphore(%arg14 : memref<!tpu.dma_semaphore, #tpu.memory_space<semaphore_mem>>)
    %dma_wait3A_493 = arith.constant 2 : i32
    %dma_wait3A_494 = arith.constant 0 : i32
    %dma_wait3A_495 = arith.constant 0 : i32
    %dma_wait3A_496 = tpu.memref_slice %arg6[%dma_wait3A_493, %dma_wait3A_494, %dma_wait3A_495] : memref<8x80x128xf32, #tpu.memory_space<vmem>> -> memref<1x80x128xf32, #tpu.memory_space<vmem>>
    %dma_wait3A_497 = tpu.memref_squeeze %dma_wait3A_496 : memref<1x80x128xf32, #tpu.memory_space<vmem>> -> memref<80x128xf32, #tpu.memory_space<vmem>>
    %dma_wait3A_498 = arith.constant 5920 : i32
    %dma_wait3A_499 = tpu.memref_slice %arg5[%dma_wait3A_498] : memref<6400xi32, #tpu.memory_space<vmem>> -> memref<80xi32, #tpu.memory_space<vmem>>
    %dma_wait3A_500 = arith.constant 0 : i32
    %dma_wait3A_501 = arith.constant 0 : i32
    %dma_wait3A_502 = tpu.memref_slice %arg7[%dma_wait3A_500, %dma_wait3A_501] : memref<1001x128xf32, #tpu.memory_space<vmem_shared>> -> memref<1001x128xf32, #tpu.memory_space<vmem_shared>>
    tpu.wait_indirect_dma semaphore(%arg11 : memref<!tpu.dma_semaphore, #tpu.memory_space<semaphore_mem>>) src(%dma_wait3A_502 : memref<1001x128xf32, #tpu.memory_space<vmem_shared>>) dst(%dma_wait3A_497 : memref<80x128xf32, #tpu.memory_space<vmem>>)
    %add3A_503 = arith.constant 5920 : i32
    %add3A_504 = arith.addi %mul3A_2, %add3A_503 : i32
    %dma_start3A_505 = arith.constant 2 : i32
    %dma_start3A_506 = arith.constant 0 : i32
    %dma_start3A_507 = arith.constant 0 : i32
    %dma_start3A_508 = tpu.memref_slice %arg6[%dma_start3A_505, %dma_start3A_506, %dma_start3A_507] : memref<8x80x128xf32, #tpu.memory_space<vmem>> -> memref<1x80x128xf32, #tpu.memory_space<vmem>>
    %dma_start3A_509 = tpu.memref_squeeze %dma_start3A_508 : memref<1x80x128xf32, #tpu.memory_space<vmem>> -> memref<80x128xf32, #tpu.memory_space<vmem>>
    %dma_start3A_510 = arith.constant 0 : i32
    %dma_start3A_511 = tpu.memref_slice %arg4[%add3A_504, %dma_start3A_510] : memref<204800x128xf32, #tpu.memory_space<hbm>> -> memref<80x128xf32, #tpu.memory_space<hbm>>
    %dma_start3A_512 = arith.constant 0 : i32
    %dma_start3A_513 = tpu.memref_slice %arg4[%add3A_504, %dma_start3A_512] : memref<204800x128xf32, #tpu.memory_space<hbm>> -> memref<80x128xf32, #tpu.memory_space<hbm>>
    %dma_start3A_514 = arith.constant 0 : i32
    %dma_start3A_515 = arith.constant 0 : i32
    %dma_start3A_516 = tpu.memref_slice %arg6[%dma_start3A_505, %dma_start3A_514, %dma_start3A_515] : memref<8x80x128xf32, #tpu.memory_space<vmem>> -> memref<1x80x128xf32, #tpu.memory_space<vmem>>
    %dma_start3A_517 = tpu.memref_squeeze %dma_start3A_516 : memref<1x80x128xf32, #tpu.memory_space<vmem>> -> memref<80x128xf32, #tpu.memory_space<vmem>>
    tpu.enqueue_dma source(%dma_start3A_517 : memref<80x128xf32, #tpu.memory_space<vmem>>) target(%dma_start3A_513 : memref<80x128xf32, #tpu.memory_space<hbm>>) target_semaphore(%arg19 : memref<!tpu.dma_semaphore, #tpu.memory_space<semaphore_mem>>)
    %add3A_518 = arith.constant 5600 : i32
    %add3A_519 = arith.addi %mul3A_2, %add3A_518 : i32
    %dma_wait3A_520 = arith.constant 6 : i32
    %dma_wait3A_521 = arith.constant 0 : i32
    %dma_wait3A_522 = arith.constant 0 : i32
    %dma_wait3A_523 = tpu.memref_slice %arg6[%dma_wait3A_520, %dma_wait3A_521, %dma_wait3A_522] : memref<8x80x128xf32, #tpu.memory_space<vmem>> -> memref<1x80x128xf32, #tpu.memory_space<vmem>>
    %dma_wait3A_524 = tpu.memref_squeeze %dma_wait3A_523 : memref<1x80x128xf32, #tpu.memory_space<vmem>> -> memref<80x128xf32, #tpu.memory_space<vmem>>
    %dma_wait3A_525 = arith.constant 0 : i32
    %dma_wait3A_526 = tpu.memref_slice %arg4[%add3A_519, %dma_wait3A_525] : memref<204800x128xf32, #tpu.memory_space<hbm>> -> memref<80x128xf32, #tpu.memory_space<hbm>>
    %dma_wait3A_527 = arith.constant 0 : i32
    %dma_wait3A_528 = tpu.memref_slice %arg4[%add3A_519, %dma_wait3A_527] : memref<204800x128xf32, #tpu.memory_space<hbm>> -> memref<80x128xf32, #tpu.memory_space<hbm>>
    %dma_wait3A_529 = arith.constant 0 : i32
    %dma_wait3A_530 = arith.constant 0 : i32
    %dma_wait3A_531 = tpu.memref_slice %arg6[%dma_wait3A_520, %dma_wait3A_529, %dma_wait3A_530] : memref<8x80x128xf32, #tpu.memory_space<vmem>> -> memref<1x80x128xf32, #tpu.memory_space<vmem>>
    %dma_wait3A_532 = tpu.memref_squeeze %dma_wait3A_531 : memref<1x80x128xf32, #tpu.memory_space<vmem>> -> memref<80x128xf32, #tpu.memory_space<vmem>>
    tpu.wait_dma2 semaphore(%arg23 : memref<!tpu.dma_semaphore, #tpu.memory_space<semaphore_mem>>) src(%dma_wait3A_532 : memref<80x128xf32, #tpu.memory_space<vmem>>) dst(%dma_wait3A_528 : memref<80x128xf32, #tpu.memory_space<hbm>>)
    %dma_start3A_533 = arith.constant 6 : i32
    %dma_start3A_534 = arith.constant 0 : i32
    %dma_start3A_535 = arith.constant 0 : i32
    %dma_start3A_536 = tpu.memref_slice %arg6[%dma_start3A_533, %dma_start3A_534, %dma_start3A_535] : memref<8x80x128xf32, #tpu.memory_space<vmem>> -> memref<1x80x128xf32, #tpu.memory_space<vmem>>
    %dma_start3A_537 = tpu.memref_squeeze %dma_start3A_536 : memref<1x80x128xf32, #tpu.memory_space<vmem>> -> memref<80x128xf32, #tpu.memory_space<vmem>>
    %dma_start3A_538 = arith.constant 6240 : i32
    %dma_start3A_539 = tpu.memref_slice %arg5[%dma_start3A_538] : memref<6400xi32, #tpu.memory_space<vmem>> -> memref<80xi32, #tpu.memory_space<vmem>>
    %dma_start3A_540 = arith.constant 0 : i32
    %dma_start3A_541 = arith.constant 0 : i32
    %dma_start3A_542 = tpu.memref_slice %arg7[%dma_start3A_540, %dma_start3A_541] : memref<1001x128xf32, #tpu.memory_space<vmem_shared>> -> memref<1001x128xf32, #tpu.memory_space<vmem_shared>>
    tpu.enqueue_indirect_dma source(%dma_start3A_542 : memref<1001x128xf32, #tpu.memory_space<vmem_shared>>) target(%dma_start3A_537 : memref<80x128xf32, #tpu.memory_space<vmem>>) offsets(%dma_start3A_539 : memref<80xi32, #tpu.memory_space<vmem>>) semaphore(%arg15 : memref<!tpu.dma_semaphore, #tpu.memory_space<semaphore_mem>>)
    %dma_wait3A_543 = arith.constant 3 : i32
    %dma_wait3A_544 = arith.constant 0 : i32
    %dma_wait3A_545 = arith.constant 0 : i32
    %dma_wait3A_546 = tpu.memref_slice %arg6[%dma_wait3A_543, %dma_wait3A_544, %dma_wait3A_545] : memref<8x80x128xf32, #tpu.memory_space<vmem>> -> memref<1x80x128xf32, #tpu.memory_space<vmem>>
    %dma_wait3A_547 = tpu.memref_squeeze %dma_wait3A_546 : memref<1x80x128xf32, #tpu.memory_space<vmem>> -> memref<80x128xf32, #tpu.memory_space<vmem>>
    %dma_wait3A_548 = arith.constant 6000 : i32
    %dma_wait3A_549 = tpu.memref_slice %arg5[%dma_wait3A_548] : memref<6400xi32, #tpu.memory_space<vmem>> -> memref<80xi32, #tpu.memory_space<vmem>>
    %dma_wait3A_550 = arith.constant 0 : i32
    %dma_wait3A_551 = arith.constant 0 : i32
    %dma_wait3A_552 = tpu.memref_slice %arg7[%dma_wait3A_550, %dma_wait3A_551] : memref<1001x128xf32, #tpu.memory_space<vmem_shared>> -> memref<1001x128xf32, #tpu.memory_space<vmem_shared>>
    tpu.wait_indirect_dma semaphore(%arg12 : memref<!tpu.dma_semaphore, #tpu.memory_space<semaphore_mem>>) src(%dma_wait3A_552 : memref<1001x128xf32, #tpu.memory_space<vmem_shared>>) dst(%dma_wait3A_547 : memref<80x128xf32, #tpu.memory_space<vmem>>)
    %add3A_553 = arith.constant 6000 : i32
    %add3A_554 = arith.addi %mul3A_2, %add3A_553 : i32
    %dma_start3A_555 = arith.constant 3 : i32
    %dma_start3A_556 = arith.constant 0 : i32
    %dma_start3A_557 = arith.constant 0 : i32
    %dma_start3A_558 = tpu.memref_slice %arg6[%dma_start3A_555, %dma_start3A_556, %dma_start3A_557] : memref<8x80x128xf32, #tpu.memory_space<vmem>> -> memref<1x80x128xf32, #tpu.memory_space<vmem>>
    %dma_start3A_559 = tpu.memref_squeeze %dma_start3A_558 : memref<1x80x128xf32, #tpu.memory_space<vmem>> -> memref<80x128xf32, #tpu.memory_space<vmem>>
    %dma_start3A_560 = arith.constant 0 : i32
    %dma_start3A_561 = tpu.memref_slice %arg4[%add3A_554, %dma_start3A_560] : memref<204800x128xf32, #tpu.memory_space<hbm>> -> memref<80x128xf32, #tpu.memory_space<hbm>>
    %dma_start3A_562 = arith.constant 0 : i32
    %dma_start3A_563 = tpu.memref_slice %arg4[%add3A_554, %dma_start3A_562] : memref<204800x128xf32, #tpu.memory_space<hbm>> -> memref<80x128xf32, #tpu.memory_space<hbm>>
    %dma_start3A_564 = arith.constant 0 : i32
    %dma_start3A_565 = arith.constant 0 : i32
    %dma_start3A_566 = tpu.memref_slice %arg6[%dma_start3A_555, %dma_start3A_564, %dma_start3A_565] : memref<8x80x128xf32, #tpu.memory_space<vmem>> -> memref<1x80x128xf32, #tpu.memory_space<vmem>>
    %dma_start3A_567 = tpu.memref_squeeze %dma_start3A_566 : memref<1x80x128xf32, #tpu.memory_space<vmem>> -> memref<80x128xf32, #tpu.memory_space<vmem>>
    tpu.enqueue_dma source(%dma_start3A_567 : memref<80x128xf32, #tpu.memory_space<vmem>>) target(%dma_start3A_563 : memref<80x128xf32, #tpu.memory_space<hbm>>) target_semaphore(%arg20 : memref<!tpu.dma_semaphore, #tpu.memory_space<semaphore_mem>>)
    %add3A_568 = arith.constant 5680 : i32
    %add3A_569 = arith.addi %mul3A_2, %add3A_568 : i32
    %dma_wait3A_570 = arith.constant 7 : i32
    %dma_wait3A_571 = arith.constant 0 : i32
    %dma_wait3A_572 = arith.constant 0 : i32
    %dma_wait3A_573 = tpu.memref_slice %arg6[%dma_wait3A_570, %dma_wait3A_571, %dma_wait3A_572] : memref<8x80x128xf32, #tpu.memory_space<vmem>> -> memref<1x80x128xf32, #tpu.memory_space<vmem>>
    %dma_wait3A_574 = tpu.memref_squeeze %dma_wait3A_573 : memref<1x80x128xf32, #tpu.memory_space<vmem>> -> memref<80x128xf32, #tpu.memory_space<vmem>>
    %dma_wait3A_575 = arith.constant 0 : i32
    %dma_wait3A_576 = tpu.memref_slice %arg4[%add3A_569, %dma_wait3A_575] : memref<204800x128xf32, #tpu.memory_space<hbm>> -> memref<80x128xf32, #tpu.memory_space<hbm>>
    %dma_wait3A_577 = arith.constant 0 : i32
    %dma_wait3A_578 = tpu.memref_slice %arg4[%add3A_569, %dma_wait3A_577] : memref<204800x128xf32, #tpu.memory_space<hbm>> -> memref<80x128xf32, #tpu.memory_space<hbm>>
    %dma_wait3A_579 = arith.constant 0 : i32
    %dma_wait3A_580 = arith.constant 0 : i32
    %dma_wait3A_581 = tpu.memref_slice %arg6[%dma_wait3A_570, %dma_wait3A_579, %dma_wait3A_580] : memref<8x80x128xf32, #tpu.memory_space<vmem>> -> memref<1x80x128xf32, #tpu.memory_space<vmem>>
    %dma_wait3A_582 = tpu.memref_squeeze %dma_wait3A_581 : memref<1x80x128xf32, #tpu.memory_space<vmem>> -> memref<80x128xf32, #tpu.memory_space<vmem>>
    tpu.wait_dma2 semaphore(%arg24 : memref<!tpu.dma_semaphore, #tpu.memory_space<semaphore_mem>>) src(%dma_wait3A_582 : memref<80x128xf32, #tpu.memory_space<vmem>>) dst(%dma_wait3A_578 : memref<80x128xf32, #tpu.memory_space<hbm>>)
    %dma_start3A_583 = arith.constant 7 : i32
    %dma_start3A_584 = arith.constant 0 : i32
    %dma_start3A_585 = arith.constant 0 : i32
    %dma_start3A_586 = tpu.memref_slice %arg6[%dma_start3A_583, %dma_start3A_584, %dma_start3A_585] : memref<8x80x128xf32, #tpu.memory_space<vmem>> -> memref<1x80x128xf32, #tpu.memory_space<vmem>>
    %dma_start3A_587 = tpu.memref_squeeze %dma_start3A_586 : memref<1x80x128xf32, #tpu.memory_space<vmem>> -> memref<80x128xf32, #tpu.memory_space<vmem>>
    %dma_start3A_588 = arith.constant 6320 : i32
    %dma_start3A_589 = tpu.memref_slice %arg5[%dma_start3A_588] : memref<6400xi32, #tpu.memory_space<vmem>> -> memref<80xi32, #tpu.memory_space<vmem>>
    %dma_start3A_590 = arith.constant 0 : i32
    %dma_start3A_591 = arith.constant 0 : i32
    %dma_start3A_592 = tpu.memref_slice %arg7[%dma_start3A_590, %dma_start3A_591] : memref<1001x128xf32, #tpu.memory_space<vmem_shared>> -> memref<1001x128xf32, #tpu.memory_space<vmem_shared>>
    tpu.enqueue_indirect_dma source(%dma_start3A_592 : memref<1001x128xf32, #tpu.memory_space<vmem_shared>>) target(%dma_start3A_587 : memref<80x128xf32, #tpu.memory_space<vmem>>) offsets(%dma_start3A_589 : memref<80xi32, #tpu.memory_space<vmem>>) semaphore(%arg16 : memref<!tpu.dma_semaphore, #tpu.memory_space<semaphore_mem>>)
    %dma_wait3A_593 = arith.constant 4 : i32
    %dma_wait3A_594 = arith.constant 0 : i32
    %dma_wait3A_595 = arith.constant 0 : i32
    %dma_wait3A_596 = tpu.memref_slice %arg6[%dma_wait3A_593, %dma_wait3A_594, %dma_wait3A_595] : memref<8x80x128xf32, #tpu.memory_space<vmem>> -> memref<1x80x128xf32, #tpu.memory_space<vmem>>
    %dma_wait3A_597 = tpu.memref_squeeze %dma_wait3A_596 : memref<1x80x128xf32, #tpu.memory_space<vmem>> -> memref<80x128xf32, #tpu.memory_space<vmem>>
    %dma_wait3A_598 = arith.constant 6080 : i32
    %dma_wait3A_599 = tpu.memref_slice %arg5[%dma_wait3A_598] : memref<6400xi32, #tpu.memory_space<vmem>> -> memref<80xi32, #tpu.memory_space<vmem>>
    %dma_wait3A_600 = arith.constant 0 : i32
    %dma_wait3A_601 = arith.constant 0 : i32
    %dma_wait3A_602 = tpu.memref_slice %arg7[%dma_wait3A_600, %dma_wait3A_601] : memref<1001x128xf32, #tpu.memory_space<vmem_shared>> -> memref<1001x128xf32, #tpu.memory_space<vmem_shared>>
    tpu.wait_indirect_dma semaphore(%arg13 : memref<!tpu.dma_semaphore, #tpu.memory_space<semaphore_mem>>) src(%dma_wait3A_602 : memref<1001x128xf32, #tpu.memory_space<vmem_shared>>) dst(%dma_wait3A_597 : memref<80x128xf32, #tpu.memory_space<vmem>>)
    %add3A_603 = arith.constant 6080 : i32
    %add3A_604 = arith.addi %mul3A_2, %add3A_603 : i32
    %dma_start3A_605 = arith.constant 4 : i32
    %dma_start3A_606 = arith.constant 0 : i32
    %dma_start3A_607 = arith.constant 0 : i32
    %dma_start3A_608 = tpu.memref_slice %arg6[%dma_start3A_605, %dma_start3A_606, %dma_start3A_607] : memref<8x80x128xf32, #tpu.memory_space<vmem>> -> memref<1x80x128xf32, #tpu.memory_space<vmem>>
    %dma_start3A_609 = tpu.memref_squeeze %dma_start3A_608 : memref<1x80x128xf32, #tpu.memory_space<vmem>> -> memref<80x128xf32, #tpu.memory_space<vmem>>
    %dma_start3A_610 = arith.constant 0 : i32
    %dma_start3A_611 = tpu.memref_slice %arg4[%add3A_604, %dma_start3A_610] : memref<204800x128xf32, #tpu.memory_space<hbm>> -> memref<80x128xf32, #tpu.memory_space<hbm>>
    %dma_start3A_612 = arith.constant 0 : i32
    %dma_start3A_613 = tpu.memref_slice %arg4[%add3A_604, %dma_start3A_612] : memref<204800x128xf32, #tpu.memory_space<hbm>> -> memref<80x128xf32, #tpu.memory_space<hbm>>
    %dma_start3A_614 = arith.constant 0 : i32
    %dma_start3A_615 = arith.constant 0 : i32
    %dma_start3A_616 = tpu.memref_slice %arg6[%dma_start3A_605, %dma_start3A_614, %dma_start3A_615] : memref<8x80x128xf32, #tpu.memory_space<vmem>> -> memref<1x80x128xf32, #tpu.memory_space<vmem>>
    %dma_start3A_617 = tpu.memref_squeeze %dma_start3A_616 : memref<1x80x128xf32, #tpu.memory_space<vmem>> -> memref<80x128xf32, #tpu.memory_space<vmem>>
    tpu.enqueue_dma source(%dma_start3A_617 : memref<80x128xf32, #tpu.memory_space<vmem>>) target(%dma_start3A_613 : memref<80x128xf32, #tpu.memory_space<hbm>>) target_semaphore(%arg21 : memref<!tpu.dma_semaphore, #tpu.memory_space<semaphore_mem>>)
    %add3A_618 = arith.constant 5760 : i32
    %add3A_619 = arith.addi %mul3A_2, %add3A_618 : i32
    %dma_wait3A_620 = arith.constant 0 : i32
    %dma_wait3A_621 = arith.constant 0 : i32
    %dma_wait3A_622 = arith.constant 0 : i32
    %dma_wait3A_623 = tpu.memref_slice %arg6[%dma_wait3A_620, %dma_wait3A_621, %dma_wait3A_622] : memref<8x80x128xf32, #tpu.memory_space<vmem>> -> memref<1x80x128xf32, #tpu.memory_space<vmem>>
    %dma_wait3A_624 = tpu.memref_squeeze %dma_wait3A_623 : memref<1x80x128xf32, #tpu.memory_space<vmem>> -> memref<80x128xf32, #tpu.memory_space<vmem>>
    %dma_wait3A_625 = arith.constant 0 : i32
    %dma_wait3A_626 = tpu.memref_slice %arg4[%add3A_619, %dma_wait3A_625] : memref<204800x128xf32, #tpu.memory_space<hbm>> -> memref<80x128xf32, #tpu.memory_space<hbm>>
    %dma_wait3A_627 = arith.constant 0 : i32
    %dma_wait3A_628 = tpu.memref_slice %arg4[%add3A_619, %dma_wait3A_627] : memref<204800x128xf32, #tpu.memory_space<hbm>> -> memref<80x128xf32, #tpu.memory_space<hbm>>
    %dma_wait3A_629 = arith.constant 0 : i32
    %dma_wait3A_630 = arith.constant 0 : i32
    %dma_wait3A_631 = tpu.memref_slice %arg6[%dma_wait3A_620, %dma_wait3A_629, %dma_wait3A_630] : memref<8x80x128xf32, #tpu.memory_space<vmem>> -> memref<1x80x128xf32, #tpu.memory_space<vmem>>
    %dma_wait3A_632 = tpu.memref_squeeze %dma_wait3A_631 : memref<1x80x128xf32, #tpu.memory_space<vmem>> -> memref<80x128xf32, #tpu.memory_space<vmem>>
    tpu.wait_dma2 semaphore(%arg17 : memref<!tpu.dma_semaphore, #tpu.memory_space<semaphore_mem>>) src(%dma_wait3A_632 : memref<80x128xf32, #tpu.memory_space<vmem>>) dst(%dma_wait3A_628 : memref<80x128xf32, #tpu.memory_space<hbm>>)
    %dma_wait3A_633 = arith.constant 5 : i32
    %dma_wait3A_634 = arith.constant 0 : i32
    %dma_wait3A_635 = arith.constant 0 : i32
    %dma_wait3A_636 = tpu.memref_slice %arg6[%dma_wait3A_633, %dma_wait3A_634, %dma_wait3A_635] : memref<8x80x128xf32, #tpu.memory_space<vmem>> -> memref<1x80x128xf32, #tpu.memory_space<vmem>>
    %dma_wait3A_637 = tpu.memref_squeeze %dma_wait3A_636 : memref<1x80x128xf32, #tpu.memory_space<vmem>> -> memref<80x128xf32, #tpu.memory_space<vmem>>
    %dma_wait3A_638 = arith.constant 6160 : i32
    %dma_wait3A_639 = tpu.memref_slice %arg5[%dma_wait3A_638] : memref<6400xi32, #tpu.memory_space<vmem>> -> memref<80xi32, #tpu.memory_space<vmem>>
    %dma_wait3A_640 = arith.constant 0 : i32
    %dma_wait3A_641 = arith.constant 0 : i32
    %dma_wait3A_642 = tpu.memref_slice %arg7[%dma_wait3A_640, %dma_wait3A_641] : memref<1001x128xf32, #tpu.memory_space<vmem_shared>> -> memref<1001x128xf32, #tpu.memory_space<vmem_shared>>
    tpu.wait_indirect_dma semaphore(%arg14 : memref<!tpu.dma_semaphore, #tpu.memory_space<semaphore_mem>>) src(%dma_wait3A_642 : memref<1001x128xf32, #tpu.memory_space<vmem_shared>>) dst(%dma_wait3A_637 : memref<80x128xf32, #tpu.memory_space<vmem>>)
    %add3A_643 = arith.constant 6160 : i32
    %add3A_644 = arith.addi %mul3A_2, %add3A_643 : i32
    %dma_start3A_645 = arith.constant 5 : i32
    %dma_start3A_646 = arith.constant 0 : i32
    %dma_start3A_647 = arith.constant 0 : i32
    %dma_start3A_648 = tpu.memref_slice %arg6[%dma_start3A_645, %dma_start3A_646, %dma_start3A_647] : memref<8x80x128xf32, #tpu.memory_space<vmem>> -> memref<1x80x128xf32, #tpu.memory_space<vmem>>
    %dma_start3A_649 = tpu.memref_squeeze %dma_start3A_648 : memref<1x80x128xf32, #tpu.memory_space<vmem>> -> memref<80x128xf32, #tpu.memory_space<vmem>>
    %dma_start3A_650 = arith.constant 0 : i32
    %dma_start3A_651 = tpu.memref_slice %arg4[%add3A_644, %dma_start3A_650] : memref<204800x128xf32, #tpu.memory_space<hbm>> -> memref<80x128xf32, #tpu.memory_space<hbm>>
    %dma_start3A_652 = arith.constant 0 : i32
    %dma_start3A_653 = tpu.memref_slice %arg4[%add3A_644, %dma_start3A_652] : memref<204800x128xf32, #tpu.memory_space<hbm>> -> memref<80x128xf32, #tpu.memory_space<hbm>>
    %dma_start3A_654 = arith.constant 0 : i32
    %dma_start3A_655 = arith.constant 0 : i32
    %dma_start3A_656 = tpu.memref_slice %arg6[%dma_start3A_645, %dma_start3A_654, %dma_start3A_655] : memref<8x80x128xf32, #tpu.memory_space<vmem>> -> memref<1x80x128xf32, #tpu.memory_space<vmem>>
    %dma_start3A_657 = tpu.memref_squeeze %dma_start3A_656 : memref<1x80x128xf32, #tpu.memory_space<vmem>> -> memref<80x128xf32, #tpu.memory_space<vmem>>
    tpu.enqueue_dma source(%dma_start3A_657 : memref<80x128xf32, #tpu.memory_space<vmem>>) target(%dma_start3A_653 : memref<80x128xf32, #tpu.memory_space<hbm>>) target_semaphore(%arg22 : memref<!tpu.dma_semaphore, #tpu.memory_space<semaphore_mem>>)
    %add3A_658 = arith.constant 5840 : i32
    %add3A_659 = arith.addi %mul3A_2, %add3A_658 : i32
    %dma_wait3A_660 = arith.constant 1 : i32
    %dma_wait3A_661 = arith.constant 0 : i32
    %dma_wait3A_662 = arith.constant 0 : i32
    %dma_wait3A_663 = tpu.memref_slice %arg6[%dma_wait3A_660, %dma_wait3A_661, %dma_wait3A_662] : memref<8x80x128xf32, #tpu.memory_space<vmem>> -> memref<1x80x128xf32, #tpu.memory_space<vmem>>
    %dma_wait3A_664 = tpu.memref_squeeze %dma_wait3A_663 : memref<1x80x128xf32, #tpu.memory_space<vmem>> -> memref<80x128xf32, #tpu.memory_space<vmem>>
    %dma_wait3A_665 = arith.constant 0 : i32
    %dma_wait3A_666 = tpu.memref_slice %arg4[%add3A_659, %dma_wait3A_665] : memref<204800x128xf32, #tpu.memory_space<hbm>> -> memref<80x128xf32, #tpu.memory_space<hbm>>
    %dma_wait3A_667 = arith.constant 0 : i32
    %dma_wait3A_668 = tpu.memref_slice %arg4[%add3A_659, %dma_wait3A_667] : memref<204800x128xf32, #tpu.memory_space<hbm>> -> memref<80x128xf32, #tpu.memory_space<hbm>>
    %dma_wait3A_669 = arith.constant 0 : i32
    %dma_wait3A_670 = arith.constant 0 : i32
    %dma_wait3A_671 = tpu.memref_slice %arg6[%dma_wait3A_660, %dma_wait3A_669, %dma_wait3A_670] : memref<8x80x128xf32, #tpu.memory_space<vmem>> -> memref<1x80x128xf32, #tpu.memory_space<vmem>>
    %dma_wait3A_672 = tpu.memref_squeeze %dma_wait3A_671 : memref<1x80x128xf32, #tpu.memory_space<vmem>> -> memref<80x128xf32, #tpu.memory_space<vmem>>
    tpu.wait_dma2 semaphore(%arg18 : memref<!tpu.dma_semaphore, #tpu.memory_space<semaphore_mem>>) src(%dma_wait3A_672 : memref<80x128xf32, #tpu.memory_space<vmem>>) dst(%dma_wait3A_668 : memref<80x128xf32, #tpu.memory_space<hbm>>)
    %dma_wait3A_673 = arith.constant 6 : i32
    %dma_wait3A_674 = arith.constant 0 : i32
    %dma_wait3A_675 = arith.constant 0 : i32
    %dma_wait3A_676 = tpu.memref_slice %arg6[%dma_wait3A_673, %dma_wait3A_674, %dma_wait3A_675] : memref<8x80x128xf32, #tpu.memory_space<vmem>> -> memref<1x80x128xf32, #tpu.memory_space<vmem>>
    %dma_wait3A_677 = tpu.memref_squeeze %dma_wait3A_676 : memref<1x80x128xf32, #tpu.memory_space<vmem>> -> memref<80x128xf32, #tpu.memory_space<vmem>>
    %dma_wait3A_678 = arith.constant 6240 : i32
    %dma_wait3A_679 = tpu.memref_slice %arg5[%dma_wait3A_678] : memref<6400xi32, #tpu.memory_space<vmem>> -> memref<80xi32, #tpu.memory_space<vmem>>
    %dma_wait3A_680 = arith.constant 0 : i32
    %dma_wait3A_681 = arith.constant 0 : i32
    %dma_wait3A_682 = tpu.memref_slice %arg7[%dma_wait3A_680, %dma_wait3A_681] : memref<1001x128xf32, #tpu.memory_space<vmem_shared>> -> memref<1001x128xf32, #tpu.memory_space<vmem_shared>>
    tpu.wait_indirect_dma semaphore(%arg15 : memref<!tpu.dma_semaphore, #tpu.memory_space<semaphore_mem>>) src(%dma_wait3A_682 : memref<1001x128xf32, #tpu.memory_space<vmem_shared>>) dst(%dma_wait3A_677 : memref<80x128xf32, #tpu.memory_space<vmem>>)
    %add3A_683 = arith.constant 6240 : i32
    %add3A_684 = arith.addi %mul3A_2, %add3A_683 : i32
    %dma_start3A_685 = arith.constant 6 : i32
    %dma_start3A_686 = arith.constant 0 : i32
    %dma_start3A_687 = arith.constant 0 : i32
    %dma_start3A_688 = tpu.memref_slice %arg6[%dma_start3A_685, %dma_start3A_686, %dma_start3A_687] : memref<8x80x128xf32, #tpu.memory_space<vmem>> -> memref<1x80x128xf32, #tpu.memory_space<vmem>>
    %dma_start3A_689 = tpu.memref_squeeze %dma_start3A_688 : memref<1x80x128xf32, #tpu.memory_space<vmem>> -> memref<80x128xf32, #tpu.memory_space<vmem>>
    %dma_start3A_690 = arith.constant 0 : i32
    %dma_start3A_691 = tpu.memref_slice %arg4[%add3A_684, %dma_start3A_690] : memref<204800x128xf32, #tpu.memory_space<hbm>> -> memref<80x128xf32, #tpu.memory_space<hbm>>
    %dma_start3A_692 = arith.constant 0 : i32
    %dma_start3A_693 = tpu.memref_slice %arg4[%add3A_684, %dma_start3A_692] : memref<204800x128xf32, #tpu.memory_space<hbm>> -> memref<80x128xf32, #tpu.memory_space<hbm>>
    %dma_start3A_694 = arith.constant 0 : i32
    %dma_start3A_695 = arith.constant 0 : i32
    %dma_start3A_696 = tpu.memref_slice %arg6[%dma_start3A_685, %dma_start3A_694, %dma_start3A_695] : memref<8x80x128xf32, #tpu.memory_space<vmem>> -> memref<1x80x128xf32, #tpu.memory_space<vmem>>
    %dma_start3A_697 = tpu.memref_squeeze %dma_start3A_696 : memref<1x80x128xf32, #tpu.memory_space<vmem>> -> memref<80x128xf32, #tpu.memory_space<vmem>>
    tpu.enqueue_dma source(%dma_start3A_697 : memref<80x128xf32, #tpu.memory_space<vmem>>) target(%dma_start3A_693 : memref<80x128xf32, #tpu.memory_space<hbm>>) target_semaphore(%arg23 : memref<!tpu.dma_semaphore, #tpu.memory_space<semaphore_mem>>)
    %add3A_698 = arith.constant 5920 : i32
    %add3A_699 = arith.addi %mul3A_2, %add3A_698 : i32
    %dma_wait3A_700 = arith.constant 2 : i32
    %dma_wait3A_701 = arith.constant 0 : i32
    %dma_wait3A_702 = arith.constant 0 : i32
    %dma_wait3A_703 = tpu.memref_slice %arg6[%dma_wait3A_700, %dma_wait3A_701, %dma_wait3A_702] : memref<8x80x128xf32, #tpu.memory_space<vmem>> -> memref<1x80x128xf32, #tpu.memory_space<vmem>>
    %dma_wait3A_704 = tpu.memref_squeeze %dma_wait3A_703 : memref<1x80x128xf32, #tpu.memory_space<vmem>> -> memref<80x128xf32, #tpu.memory_space<vmem>>
    %dma_wait3A_705 = arith.constant 0 : i32
    %dma_wait3A_706 = tpu.memref_slice %arg4[%add3A_699, %dma_wait3A_705] : memref<204800x128xf32, #tpu.memory_space<hbm>> -> memref<80x128xf32, #tpu.memory_space<hbm>>
    %dma_wait3A_707 = arith.constant 0 : i32
    %dma_wait3A_708 = tpu.memref_slice %arg4[%add3A_699, %dma_wait3A_707] : memref<204800x128xf32, #tpu.memory_space<hbm>> -> memref<80x128xf32, #tpu.memory_space<hbm>>
    %dma_wait3A_709 = arith.constant 0 : i32
    %dma_wait3A_710 = arith.constant 0 : i32
    %dma_wait3A_711 = tpu.memref_slice %arg6[%dma_wait3A_700, %dma_wait3A_709, %dma_wait3A_710] : memref<8x80x128xf32, #tpu.memory_space<vmem>> -> memref<1x80x128xf32, #tpu.memory_space<vmem>>
    %dma_wait3A_712 = tpu.memref_squeeze %dma_wait3A_711 : memref<1x80x128xf32, #tpu.memory_space<vmem>> -> memref<80x128xf32, #tpu.memory_space<vmem>>
    tpu.wait_dma2 semaphore(%arg19 : memref<!tpu.dma_semaphore, #tpu.memory_space<semaphore_mem>>) src(%dma_wait3A_712 : memref<80x128xf32, #tpu.memory_space<vmem>>) dst(%dma_wait3A_708 : memref<80x128xf32, #tpu.memory_space<hbm>>)
    %dma_wait3A_713 = arith.constant 7 : i32
    %dma_wait3A_714 = arith.constant 0 : i32
    %dma_wait3A_715 = arith.constant 0 : i32
    %dma_wait3A_716 = tpu.memref_slice %arg6[%dma_wait3A_713, %dma_wait3A_714, %dma_wait3A_715] : memref<8x80x128xf32, #tpu.memory_space<vmem>> -> memref<1x80x128xf32, #tpu.memory_space<vmem>>
    %dma_wait3A_717 = tpu.memref_squeeze %dma_wait3A_716 : memref<1x80x128xf32, #tpu.memory_space<vmem>> -> memref<80x128xf32, #tpu.memory_space<vmem>>
    %dma_wait3A_718 = arith.constant 6320 : i32
    %dma_wait3A_719 = tpu.memref_slice %arg5[%dma_wait3A_718] : memref<6400xi32, #tpu.memory_space<vmem>> -> memref<80xi32, #tpu.memory_space<vmem>>
    %dma_wait3A_720 = arith.constant 0 : i32
    %dma_wait3A_721 = arith.constant 0 : i32
    %dma_wait3A_722 = tpu.memref_slice %arg7[%dma_wait3A_720, %dma_wait3A_721] : memref<1001x128xf32, #tpu.memory_space<vmem_shared>> -> memref<1001x128xf32, #tpu.memory_space<vmem_shared>>
    tpu.wait_indirect_dma semaphore(%arg16 : memref<!tpu.dma_semaphore, #tpu.memory_space<semaphore_mem>>) src(%dma_wait3A_722 : memref<1001x128xf32, #tpu.memory_space<vmem_shared>>) dst(%dma_wait3A_717 : memref<80x128xf32, #tpu.memory_space<vmem>>)
    %add3A_723 = arith.constant 6320 : i32
    %add3A_724 = arith.addi %mul3A_2, %add3A_723 : i32
    %dma_start3A_725 = arith.constant 7 : i32
    %dma_start3A_726 = arith.constant 0 : i32
    %dma_start3A_727 = arith.constant 0 : i32
    %dma_start3A_728 = tpu.memref_slice %arg6[%dma_start3A_725, %dma_start3A_726, %dma_start3A_727] : memref<8x80x128xf32, #tpu.memory_space<vmem>> -> memref<1x80x128xf32, #tpu.memory_space<vmem>>
    %dma_start3A_729 = tpu.memref_squeeze %dma_start3A_728 : memref<1x80x128xf32, #tpu.memory_space<vmem>> -> memref<80x128xf32, #tpu.memory_space<vmem>>
    %dma_start3A_730 = arith.constant 0 : i32
    %dma_start3A_731 = tpu.memref_slice %arg4[%add3A_724, %dma_start3A_730] : memref<204800x128xf32, #tpu.memory_space<hbm>> -> memref<80x128xf32, #tpu.memory_space<hbm>>
    %dma_start3A_732 = arith.constant 0 : i32
    %dma_start3A_733 = tpu.memref_slice %arg4[%add3A_724, %dma_start3A_732] : memref<204800x128xf32, #tpu.memory_space<hbm>> -> memref<80x128xf32, #tpu.memory_space<hbm>>
    %dma_start3A_734 = arith.constant 0 : i32
    %dma_start3A_735 = arith.constant 0 : i32
    %dma_start3A_736 = tpu.memref_slice %arg6[%dma_start3A_725, %dma_start3A_734, %dma_start3A_735] : memref<8x80x128xf32, #tpu.memory_space<vmem>> -> memref<1x80x128xf32, #tpu.memory_space<vmem>>
    %dma_start3A_737 = tpu.memref_squeeze %dma_start3A_736 : memref<1x80x128xf32, #tpu.memory_space<vmem>> -> memref<80x128xf32, #tpu.memory_space<vmem>>
    tpu.enqueue_dma source(%dma_start3A_737 : memref<80x128xf32, #tpu.memory_space<vmem>>) target(%dma_start3A_733 : memref<80x128xf32, #tpu.memory_space<hbm>>) target_semaphore(%arg24 : memref<!tpu.dma_semaphore, #tpu.memory_space<semaphore_mem>>)
    %add3A_738 = arith.constant 6000 : i32
    %add3A_739 = arith.addi %mul3A_2, %add3A_738 : i32
    %dma_wait3A_740 = arith.constant 3 : i32
    %dma_wait3A_741 = arith.constant 0 : i32
    %dma_wait3A_742 = arith.constant 0 : i32
    %dma_wait3A_743 = tpu.memref_slice %arg6[%dma_wait3A_740, %dma_wait3A_741, %dma_wait3A_742] : memref<8x80x128xf32, #tpu.memory_space<vmem>> -> memref<1x80x128xf32, #tpu.memory_space<vmem>>
    %dma_wait3A_744 = tpu.memref_squeeze %dma_wait3A_743 : memref<1x80x128xf32, #tpu.memory_space<vmem>> -> memref<80x128xf32, #tpu.memory_space<vmem>>
    %dma_wait3A_745 = arith.constant 0 : i32
    %dma_wait3A_746 = tpu.memref_slice %arg4[%add3A_739, %dma_wait3A_745] : memref<204800x128xf32, #tpu.memory_space<hbm>> -> memref<80x128xf32, #tpu.memory_space<hbm>>
    %dma_wait3A_747 = arith.constant 0 : i32
    %dma_wait3A_748 = tpu.memref_slice %arg4[%add3A_739, %dma_wait3A_747] : memref<204800x128xf32, #tpu.memory_space<hbm>> -> memref<80x128xf32, #tpu.memory_space<hbm>>
    %dma_wait3A_749 = arith.constant 0 : i32
    %dma_wait3A_750 = arith.constant 0 : i32
    %dma_wait3A_751 = tpu.memref_slice %arg6[%dma_wait3A_740, %dma_wait3A_749, %dma_wait3A_750] : memref<8x80x128xf32, #tpu.memory_space<vmem>> -> memref<1x80x128xf32, #tpu.memory_space<vmem>>
    %dma_wait3A_752 = tpu.memref_squeeze %dma_wait3A_751 : memref<1x80x128xf32, #tpu.memory_space<vmem>> -> memref<80x128xf32, #tpu.memory_space<vmem>>
    tpu.wait_dma2 semaphore(%arg20 : memref<!tpu.dma_semaphore, #tpu.memory_space<semaphore_mem>>) src(%dma_wait3A_752 : memref<80x128xf32, #tpu.memory_space<vmem>>) dst(%dma_wait3A_748 : memref<80x128xf32, #tpu.memory_space<hbm>>)
    %add3A_753 = arith.constant 6080 : i32
    %add3A_754 = arith.addi %mul3A_2, %add3A_753 : i32
    %dma_wait3A_755 = arith.constant 4 : i32
    %dma_wait3A_756 = arith.constant 0 : i32
    %dma_wait3A_757 = arith.constant 0 : i32
    %dma_wait3A_758 = tpu.memref_slice %arg6[%dma_wait3A_755, %dma_wait3A_756, %dma_wait3A_757] : memref<8x80x128xf32, #tpu.memory_space<vmem>> -> memref<1x80x128xf32, #tpu.memory_space<vmem>>
    %dma_wait3A_759 = tpu.memref_squeeze %dma_wait3A_758 : memref<1x80x128xf32, #tpu.memory_space<vmem>> -> memref<80x128xf32, #tpu.memory_space<vmem>>
    %dma_wait3A_760 = arith.constant 0 : i32
    %dma_wait3A_761 = tpu.memref_slice %arg4[%add3A_754, %dma_wait3A_760] : memref<204800x128xf32, #tpu.memory_space<hbm>> -> memref<80x128xf32, #tpu.memory_space<hbm>>
    %dma_wait3A_762 = arith.constant 0 : i32
    %dma_wait3A_763 = tpu.memref_slice %arg4[%add3A_754, %dma_wait3A_762] : memref<204800x128xf32, #tpu.memory_space<hbm>> -> memref<80x128xf32, #tpu.memory_space<hbm>>
    %dma_wait3A_764 = arith.constant 0 : i32
    %dma_wait3A_765 = arith.constant 0 : i32
    %dma_wait3A_766 = tpu.memref_slice %arg6[%dma_wait3A_755, %dma_wait3A_764, %dma_wait3A_765] : memref<8x80x128xf32, #tpu.memory_space<vmem>> -> memref<1x80x128xf32, #tpu.memory_space<vmem>>
    %dma_wait3A_767 = tpu.memref_squeeze %dma_wait3A_766 : memref<1x80x128xf32, #tpu.memory_space<vmem>> -> memref<80x128xf32, #tpu.memory_space<vmem>>
    tpu.wait_dma2 semaphore(%arg21 : memref<!tpu.dma_semaphore, #tpu.memory_space<semaphore_mem>>) src(%dma_wait3A_767 : memref<80x128xf32, #tpu.memory_space<vmem>>) dst(%dma_wait3A_763 : memref<80x128xf32, #tpu.memory_space<hbm>>)
    %add3A_768 = arith.constant 6160 : i32
    %add3A_769 = arith.addi %mul3A_2, %add3A_768 : i32
    %dma_wait3A_770 = arith.constant 5 : i32
    %dma_wait3A_771 = arith.constant 0 : i32
    %dma_wait3A_772 = arith.constant 0 : i32
    %dma_wait3A_773 = tpu.memref_slice %arg6[%dma_wait3A_770, %dma_wait3A_771, %dma_wait3A_772] : memref<8x80x128xf32, #tpu.memory_space<vmem>> -> memref<1x80x128xf32, #tpu.memory_space<vmem>>
    %dma_wait3A_774 = tpu.memref_squeeze %dma_wait3A_773 : memref<1x80x128xf32, #tpu.memory_space<vmem>> -> memref<80x128xf32, #tpu.memory_space<vmem>>
    %dma_wait3A_775 = arith.constant 0 : i32
    %dma_wait3A_776 = tpu.memref_slice %arg4[%add3A_769, %dma_wait3A_775] : memref<204800x128xf32, #tpu.memory_space<hbm>> -> memref<80x128xf32, #tpu.memory_space<hbm>>
    %dma_wait3A_777 = arith.constant 0 : i32
    %dma_wait3A_778 = tpu.memref_slice %arg4[%add3A_769, %dma_wait3A_777] : memref<204800x128xf32, #tpu.memory_space<hbm>> -> memref<80x128xf32, #tpu.memory_space<hbm>>
    %dma_wait3A_779 = arith.constant 0 : i32
    %dma_wait3A_780 = arith.constant 0 : i32
    %dma_wait3A_781 = tpu.memref_slice %arg6[%dma_wait3A_770, %dma_wait3A_779, %dma_wait3A_780] : memref<8x80x128xf32, #tpu.memory_space<vmem>> -> memref<1x80x128xf32, #tpu.memory_space<vmem>>
    %dma_wait3A_782 = tpu.memref_squeeze %dma_wait3A_781 : memref<1x80x128xf32, #tpu.memory_space<vmem>> -> memref<80x128xf32, #tpu.memory_space<vmem>>
    tpu.wait_dma2 semaphore(%arg22 : memref<!tpu.dma_semaphore, #tpu.memory_space<semaphore_mem>>) src(%dma_wait3A_782 : memref<80x128xf32, #tpu.memory_space<vmem>>) dst(%dma_wait3A_778 : memref<80x128xf32, #tpu.memory_space<hbm>>)
    %add3A_783 = arith.constant 6240 : i32
    %add3A_784 = arith.addi %mul3A_2, %add3A_783 : i32
    %dma_wait3A_785 = arith.constant 6 : i32
    %dma_wait3A_786 = arith.constant 0 : i32
    %dma_wait3A_787 = arith.constant 0 : i32
    %dma_wait3A_788 = tpu.memref_slice %arg6[%dma_wait3A_785, %dma_wait3A_786, %dma_wait3A_787] : memref<8x80x128xf32, #tpu.memory_space<vmem>> -> memref<1x80x128xf32, #tpu.memory_space<vmem>>
    %dma_wait3A_789 = tpu.memref_squeeze %dma_wait3A_788 : memref<1x80x128xf32, #tpu.memory_space<vmem>> -> memref<80x128xf32, #tpu.memory_space<vmem>>
    %dma_wait3A_790 = arith.constant 0 : i32
    %dma_wait3A_791 = tpu.memref_slice %arg4[%add3A_784, %dma_wait3A_790] : memref<204800x128xf32, #tpu.memory_space<hbm>> -> memref<80x128xf32, #tpu.memory_space<hbm>>
    %dma_wait3A_792 = arith.constant 0 : i32
    %dma_wait3A_793 = tpu.memref_slice %arg4[%add3A_784, %dma_wait3A_792] : memref<204800x128xf32, #tpu.memory_space<hbm>> -> memref<80x128xf32, #tpu.memory_space<hbm>>
    %dma_wait3A_794 = arith.constant 0 : i32
    %dma_wait3A_795 = arith.constant 0 : i32
    %dma_wait3A_796 = tpu.memref_slice %arg6[%dma_wait3A_785, %dma_wait3A_794, %dma_wait3A_795] : memref<8x80x128xf32, #tpu.memory_space<vmem>> -> memref<1x80x128xf32, #tpu.memory_space<vmem>>
    %dma_wait3A_797 = tpu.memref_squeeze %dma_wait3A_796 : memref<1x80x128xf32, #tpu.memory_space<vmem>> -> memref<80x128xf32, #tpu.memory_space<vmem>>
    tpu.wait_dma2 semaphore(%arg23 : memref<!tpu.dma_semaphore, #tpu.memory_space<semaphore_mem>>) src(%dma_wait3A_797 : memref<80x128xf32, #tpu.memory_space<vmem>>) dst(%dma_wait3A_793 : memref<80x128xf32, #tpu.memory_space<hbm>>)
    %add3A_798 = arith.constant 6320 : i32
    %add3A_799 = arith.addi %mul3A_2, %add3A_798 : i32
    %dma_wait3A_800 = arith.constant 7 : i32
    %dma_wait3A_801 = arith.constant 0 : i32
    %dma_wait3A_802 = arith.constant 0 : i32
    %dma_wait3A_803 = tpu.memref_slice %arg6[%dma_wait3A_800, %dma_wait3A_801, %dma_wait3A_802] : memref<8x80x128xf32, #tpu.memory_space<vmem>> -> memref<1x80x128xf32, #tpu.memory_space<vmem>>
    %dma_wait3A_804 = tpu.memref_squeeze %dma_wait3A_803 : memref<1x80x128xf32, #tpu.memory_space<vmem>> -> memref<80x128xf32, #tpu.memory_space<vmem>>
    %dma_wait3A_805 = arith.constant 0 : i32
    %dma_wait3A_806 = tpu.memref_slice %arg4[%add3A_799, %dma_wait3A_805] : memref<204800x128xf32, #tpu.memory_space<hbm>> -> memref<80x128xf32, #tpu.memory_space<hbm>>
    %dma_wait3A_807 = arith.constant 0 : i32
    %dma_wait3A_808 = tpu.memref_slice %arg4[%add3A_799, %dma_wait3A_807] : memref<204800x128xf32, #tpu.memory_space<hbm>> -> memref<80x128xf32, #tpu.memory_space<hbm>>
    %dma_wait3A_809 = arith.constant 0 : i32
    %dma_wait3A_810 = arith.constant 0 : i32
    %dma_wait3A_811 = tpu.memref_slice %arg6[%dma_wait3A_800, %dma_wait3A_809, %dma_wait3A_810] : memref<8x80x128xf32, #tpu.memory_space<vmem>> -> memref<1x80x128xf32, #tpu.memory_space<vmem>>
    %dma_wait3A_812 = tpu.memref_squeeze %dma_wait3A_811 : memref<1x80x128xf32, #tpu.memory_space<vmem>> -> memref<80x128xf32, #tpu.memory_space<vmem>>
    tpu.wait_dma2 semaphore(%arg24 : memref<!tpu.dma_semaphore, #tpu.memory_space<semaphore_mem>>) src(%dma_wait3A_812 : memref<80x128xf32, #tpu.memory_space<vmem>>) dst(%dma_wait3A_808 : memref<80x128xf32, #tpu.memory_space<hbm>>)
    return
  }
}

</mosaic_0001>

<sc_bundles>
// kernel: kernel.3.cloned.1.call-start
scs
__scs_entry_jumppad:
0x0: {  	(pc) =	sbr.rel $0x88, $3  }
0x1: {  	(tag) =	ssettag $0x0;
	lr =	simm.s32 $0x1  }
0x2: {  	[smem:$0x3F9F] =	sst lr;
	_ =	strace $0xD0000000  }
0x3: {  	_ = 	snop  }
0x4: {  	_ = 	snop  }
0x5: {  	_ = 	snop  }
0x6: {  	_ = 	snop  }
0x7: {  	_ = 	snop  }
__scs_overlays_trampoline_lowered:
0x8: {  	[smem:$0x3FAE] =	sst s0  }
0x9: {  	[smem:$0x3FAF] =	sst s1  }
0xa: {  	[smem:$0x3FB0] =	sst s2  }
0xb: {  	[smem:$0x3FB1] =	sst s3  }
0xc: {  	[smem:$0x3FB2] =	sst s4  }
0xd: {  	[smem:$0x3FB3] =	sst s5  }
0xe: {  	[smem:$0x3FB4] =	sst s6  }
0xf: {  	[smem:$0x3FB5] =	sst s7  }
0x10: {  	[smem:$0x3FB6] =	sst s8  }
0x11: {  	[smem:$0x3FB7] =	sst s9;
	s0 =	simm.s32 @!p0 $0x0  }
0x12: {  	s1 =	sld [smem:$0x3F9D];
	s0 =	simm.s32 @p0 $0x1  }
0x13: {  	[smem:$0x3FB8] =	sst s0;
	s0 =	simm.s32 @!p1 $0x0  }
0x14: {  	s2 =	sld [smem:$0x3F9C];
	s0 =	simm.s32 @p1 $0x1  }
0x15: {  	[smem:$0x3FB9] =	sst s0;
	s0 =	simm.s32 @!p2 $0x0  }
0x16: {  	s3 =	sld [smem:$0x3FDB];
	s0 =	simm.s32 @p2 $0x1  }
0x17: {  	s4 =	simm.s32 $0x1BF5;
	[smem:$0x3FBB] =	sst s0  }
0x18: {  	s0 =	sld [smem:$0x3F9E];
	_ =	swait.ge [sflag:s4], $0x0  }
0x19: {  	s7 =	sld [smem:$0x3F9F]  }
0x1a: {  	s8 =	sadd.s32 $0xFFFFE003, lr  }
0x1b: {  	s9 =	sadd.s32 $0xFFFFFEF7, lr;
	s5 =	simm.s32 $0xFFFFFFFF;
	p2 =	slt.u32 s8, $0xFFFFF086  }
0x1c: {  	p1 =	slt.u32 s9, $0xF7A;
	s5 =	simm.s32 @!p2 $0x0  }
0x1d: {  	s5 =	simm.s32 @p1 $0x1;
	p0 =	seq.s32 s7, s2  }
0x1e: {  	s7 =	smul.u32 @!p0 $0xF7A, s2;
	p2 =	seq.s32 @!p0 s5, $0x0  }
0x1f: {  	s9 =	smul.u32 $0xF7A, s1;
	s8 =	simm.s32 @!p0 $0x1BF5;
	p2 =	por !p2, p0  }
0x20: {  	[sflag:s8] =	ssyncset.s32 @!p0 $0xFFFFF086;
	s6 =	sadd.s32 @!p0 s3, s7;
	s7 =	simm.s32 @!p0 $0x108  }
0x21: {  	s3 =	sadd.s32 s3, s9;
	s6 =	sadd.s32 @!p0 $0x88, s6;
	s7 =	simm.s32 @p2 $0x1082  }
0x22: {  	[simem:s7], [sflag:s8] =	dma.local @!p0 [hbm:s6], $0xF7A  }
0x23: {  	s9 =	sor.u32 $0xD0000000, s2;
	s6 =	simm.s32 $0x108;
	_ =	swait.ge @!p0 [sflag:s8], $0x0  }
0x24: {  	s3 =	sadd.s32 $0x88, s3;
	s6 =	simm.s32 @!p1 $0x1082;
	[sflag:s4] =	ssyncset.s32 $0xFFFFF086  }
0x25: {  	[simem:s6], [sflag:s4] =	dma.local [hbm:s3], $0xF7A  }
0x26: {  	[smem:$0x3F9F] =	sst s1;
	(tag) =	ssettag s2;
	_ =	strace s9  }
0x27: {  	s1 =	sld [smem:$0x3FAF]  }
0x28: {  	s2 =	sld [smem:$0x3FB0]  }
0x29: {  	s4 =	sld [smem:$0x3FB2]  }
0x2a: {  	p0 =	seq.s32 s5, $0x0;
	s5 =	sld [smem:$0x3FB3]  }
0x2b: {  	s6 =	sld [smem:$0x3FB4]  }
0x2c: {  	s7 =	sld [smem:$0x3FB5]  }
0x2d: {  	s3 =	simm.s32 $0x108;
	s8 =	sld [smem:$0x3FB6]  }
0x2e: {  	s3 =	simm.s32 @!p0 $0x1082;
	s9 =	sld [smem:$0x3FB7]  }
0x2f: {  	lr =	sadd.s32 s0, s3;
	s0 =	sld [smem:$0x3FAE]  }
0x30: {  	s3 =	sld [smem:$0x3FB1]  }
0x31: {  	[smem:$0x3FBA] =	sst s10  }
0x32: {  	s10 =	sld [smem:$0x3FB8];
	_ =	sdelay $0x3  }
0x33: {  	p0 =	seq.s32 s10, $0x1;
	s10 =	sld [smem:$0x3FBA];
	_ =	sdelay $0x3  }
0x34: {  	[smem:$0x3FBA] =	sst s10  }
0x35: {  	s10 =	sld [smem:$0x3FB9];
	_ =	sdelay $0x3  }
0x36: {  	p1 =	seq.s32 s10, $0x1;
	s10 =	sld [smem:$0x3FBA];
	_ =	sdelay $0x3  }
0x37: {  	[smem:$0x3FBA] =	sst s10  }
0x38: {  	s10 =	sld [smem:$0x3FBB]  }
0x39: {  	_ = 	snop;
	(pc) =	sbr.ind lr, $3  }
0x3a: {  	_ = 	snop  }
0x3b: {  	_ = 	snop  }
0x3c: {  	p2 =	seq.s32 s10, $0x1;
	s10 =	sld [smem:$0x3FBA]  }
0x3d: {  	_ =	shalt  }
0x3e: {  	_ =	shalt  }
0x3f: {  	_ =	shalt  }
0x40: {  	_ =	shalt  }
0x41: {  	_ =	shalt  }
0x42: {  	_ =	shalt  }
0x43: {  	_ =	shalt  }
0x44: {  	_ =	shalt  }
0x45: {  	_ =	shalt  }
0x46: {  	_ =	shalt  }
0x47: {  	_ =	shalt  }
0x48: {  	_ =	shalt  }
0x49: {  	_ =	shalt  }
0x4a: {  	_ =	shalt  }
0x4b: {  	_ =	shalt  }
0x4c: {  	_ =	shalt  }
0x4d: {  	_ =	shalt  }
0x4e: {  	_ =	shalt  }
0x4f: {  	_ =	shalt  }
0x50: {  	_ =	shalt  }
0x51: {  	_ =	shalt  }
0x52: {  	_ =	shalt  }
0x53: {  	_ =	shalt  }
0x54: {  	_ =	shalt  }
0x55: {  	_ =	shalt  }
0x56: {  	_ =	shalt  }
0x57: {  	_ =	shalt  }
0x58: {  	_ =	shalt  }
0x59: {  	_ =	shalt  }
0x5a: {  	_ =	shalt  }
0x5b: {  	_ =	shalt  }
0x5c: {  	_ =	shalt  }
0x5d: {  	_ =	shalt  }
0x5e: {  	_ =	shalt  }
0x5f: {  	_ =	shalt  }
0x60: {  	_ =	shalt  }
0x61: {  	_ =	shalt  }
0x62: {  	_ =	shalt  }
0x63: {  	_ =	shalt  }
0x64: {  	_ =	shalt  }
0x65: {  	_ =	shalt  }
0x66: {  	_ =	shalt  }
0x67: {  	_ =	shalt  }
0x68: {  	_ =	shalt  }
0x69: {  	_ =	shalt  }
0x6a: {  	_ =	shalt  }
0x6b: {  	_ =	shalt  }
0x6c: {  	_ =	shalt  }
0x6d: {  	_ =	shalt  }
0x6e: {  	_ =	shalt  }
0x6f: {  	_ =	shalt  }
0x70: {  	_ =	shalt  }
0x71: {  	_ =	shalt  }
0x72: {  	_ =	shalt  }
0x73: {  	_ =	shalt  }
0x74: {  	_ =	shalt  }
0x75: {  	_ =	shalt  }
0x76: {  	_ =	shalt  }
0x77: {  	_ =	shalt  }
0x78: {  	_ =	shalt  }
0x79: {  	_ =	shalt  }
0x7a: {  	_ =	shalt  }
0x7b: {  	_ =	shalt  }
0x7c: {  	_ =	shalt  }
0x7d: {  	_ =	shalt  }
0x7e: {  	_ =	shalt  }
0x7f: {  	_ =	shalt  }
0x80: {  	_ =	shalt  }
0x81: {  	_ =	shalt  }
0x82: {  	_ =	shalt  }
0x83: {  	_ =	shalt  }
0x84: {  	_ =	shalt  }
0x85: {  	_ =	shalt  }
0x86: {  	_ =	shalt  }
0x87: {  	_ =	shalt  }
.Lfunc_end0:
.L_simem_size_0:
called_computation_lowered:
.L_overlay_start_0:
0x88: {  	s2 =	sld [smem:$0x3FD9]  }
0x89: {  	s3 =	sld [smem:$0x3FFE];
	_ =	sdelay $0x1  }
0x8a: {  	s1 =	srdreg.scid  }
0x8b: {  	s0 =	sand.u32 $0x1, s1  }
0x8c: {  	s17 =	sshll.u32 s0, $0xA;
	s2 =	sadd.s32 s3, s2  }
0x8d: {  	s2 =	sadd.s32 s2, s17  }
0x8e: {  	[smem:$0x3FC6] =	sst s2  }
0x8f: {  	_ = 	snop  }
0x90: {  	s2 =	sld [smem:$0x3FC8]  }
0x91: {  	s18 =	sld [smem:$0x3FD0];
	(tm) =	ssettm $0x1  }
0x92: {  	s4 =	sld [smem:$0x3FFB];
	_ =	sdelay $0x3  }
0x93: {  	_ =	strace s4  }
0x94: {  	s4 =	sld [smem:$0x3FFC];
	_ =	sdelay $0x3  }
0x95: {  	_ =	strace s4  }
0x96: {  	s4 =	sld [smem:$0x3FFD];
	_ =	sdelay $0x3  }
0x97: {  	_ =	strace s4  }
0x98: {  	_ =	strace $0x8FFFFFFF  }
0x99: {  	s19 =	sld [smem:$0x3FDB];
	_ =	sdelay $0x1  }
0x9a: {  	s5 =	simm.s32 $_scs_section_size  }
0x9b: {  	s6 =	simm.s32 $_size__tile_overlayer_lowered;
	s7 =	simm.s32 $_tile_overlayer_lowered  }
0x9c: {  	s22 =	simm.s32 $0x1BFF;
	s21 =	sshll.u32 s7, $0x1;
	s4 =	sadd.s32 s5, s19  }
0x9d: {  	s8 =	simm.s32 $0x0;
	s20 =	sshll.u32 s6, $0x1;
	s6 =	sadd.s32 s21, s4  }
0x9e: {  	[timem:s8], [sflag:s22] =	dma.local [hbm:s6], s20  }
0x9f: {  	_ =	swait.ge [sflag:s22], s20  }
0xa0: {  	s5 =	ssub.s32 $0x0, s20;
	[sflag:s22] =	ssyncset.done $0x0  }
0xa1: {  	[sflag:s22] =	ssyncadd.s32 s5;
	_ =	sdelay $0x1  }
0xa2: {  	s23 =	simm.s32 $0x1B8B  }
0xa3: {  	_ =	swait.ge [sflag:s23], $0x1  }
0xa4: {  	[sflag:s23] =	ssyncset.done $0x0  }
0xa5: {  	s25 =	simm.s32 $0x1B8E;
	s24 =	sld [smem:$0x3FFE];
	[sflag:s23] =	ssyncadd.s32 $0xFFFFFFFF  }
0xa6: {  	s26 =	simm.s32 $execute0_lowered;
	[smem:$0x3FD2] =	sst s25  }
0xa7: {  	s6 =	sshll.u32 s26, $0x1;
	_ =	strace $0x80000046;
	[dreg:$0x1] =	wrdreg $0xFFFFFFFF  }
0xa8: {  	s28 =	simm.s32 $_size_execute0_lowered;
	s4 =	sadd.s32 s4, s6;
	[dreg:$0x0] =	wrdreg $0x0  }
0xa9: {  	s6 =	sshll.u32 s28, $0x1;
	[dreg:$0x2] =	wrdreg s4  }
0xaa: {  	[dreg:$0x3] =	wrdreg s6  }
0xab: {  	[dreg:$0x4] =	wrdreg $0xC0  }
0xac: {  	_ =	task [dreg:s8], $0x5FFFF  }
0xad: {  	[dreg:$0x1] =	wrdreg $0xFFFFFFFF  }
0xae: {  	[dreg:$0x0] =	wrdreg $0x60  }
0xaf: {  	[dreg:$0x2] =	wrdreg s2  }
0xb0: {  	[dreg:$0x3] =	wrdreg s24  }
0xb1: {  	[dreg:$0x4] =	wrdreg s18  }
0xb2: {  	[dreg:$0x5] =	wrdreg $0x159000  }
0xb3: {  	[dreg:$0x6] =	wrdreg $0x9  }
0xb4: {  	_ =	task.clear_ibuf [dreg:s8], $0x7FFFF;
	_ =	strace $0x90000046  }
0xb5: {  	s29 =	simm.s32 $0x9;
	_ =	strace $0x80000048  }
0xb6: {  	_ =	swait.ge [sflag:s29], $0x1  }
0xb7: {  	[sflag:s29] =	ssyncadd.s32 $0xFFFFFFFF  }
0xb8: {  	_ =	strace $0x90000048  }
0xb9: {  	_ =	sfence  }
0xba: {  	s30 =	sld [smem:$0x0];
	_ =	sdelay $0x2  }
0xbb: {  	s31 =	sshll.u32 s1, $0xD;
	s1 =	sshrl.u32 s1, $0x2  }
0xbc: {  	s3 =	sand.u32 $0x4000, s31;
	s1 =	sadd.s32 s1, s30  }
0xbd: {  	s0 =	sor.u32 s3, s0;
	s1 =	sshll.u32 s1, $0x11  }
0xbe: {  	s0 =	sor.u32 s1, s0  }
0xbf: {  	s0 =	sadd.s32 $0x8F2B, s0  }
0xc0: {  	[sflag:s0] =	ssyncadd.remote.s32 $0x1  }
0xc1: {  	_ =	sfence.sel $0xFFFF  }
0xc2: {  	[dreg:$0x0] =	wrdreg $0xFFFFFFFF;
	(pc) =	sbr.abs _section_cstart, $3  }
0xc3: {  	[dreg:$0x1] =	wrdreg $0xFFFFFFFF  }
0xc4: {  	_ =	task.clear_ibuf [dreg:s8], $0x2FFFF;
	_ =	strace $0x9FFFFFFF  }
0xc5: {  	(tm) =	ssettm $0x7FFFFFFF  }
tec
execute0_lowered:
.L_overlay_start_1:
0x0: {  	(tag) =	ssettag $0x1  }
0x1: {  	s0 =	rddreg [dreg:$0x0];
	s1 =	srdreg.scid  }
0x2: {  	s10 =	stileid.u32;
	s4 =	rddreg [dreg:$0x1]  }
0x3: {  	s5 =	rddreg [dreg:$0x2];
	s3 =	simm.s32 $0x0;
	s30 =	simm.s32 $0x50  }
0x4: {  	s1 =	sand.u32 $0x1, s1;
	s2 =	sshll.u32 s10, $0x1;
	[smem:$0x7FF] =	sst s3  }
0x5: {  	s26 =	sshll.u32 s10, $0xD;
	s6 =	sor.u32 s1, s2;
	s2 =	rddreg [dreg:$0x3]  }
0x6: {  	s8 =	ssub.s32 $0x2, s1;
	_ =	strace $0x80000047;
	s7 =	smul.u32 $0x1900, s6  }
0x7: {  	s24 =	sshrl.u32 s8, $0x1;
	s28 =	sadd.s32 s26, s2;
	s29 =	smul.u32 $0x19000, s6  }
0x8: {  	s11 =	sadd.s32 $0x1F400, s2;
	[dreg:$0x7] =	wrdreg s28;
	s7 =	sshrl.u32 s7, $0x3  }
0x9: {  	[dreg:$0xa] =	wrdreg s11;
	s12 =	sadd.s32 s5, s29;
	s4 =	sadd.s32 s7, s4  }
0xa: {  	s7 =	ssub.s32 s8, s24;
	s8 =	sadd.s32 $0x1E000, s2;
	[dreg:$0xb] =	wrdreg s12  }
0xb: {  	s31 =	simm.s32 $0x1900;
	s28 =	sadd.s32 $0xA00, s12;
	[dreg:$0x9] =	wrdreg s8  }
0xc: {  	s25 =	sshll.u32 s10, $0xA;
	s29 =	sadd.s32 $0xF00, s12;
	[dreg:$0x1b] =	wrdreg s28  }
0xd: {  	s17 =	smul.u32 $0x32000, s10;
	s4 =	sadd.s32 $0x400, s4;
	[dreg:$0x1c] =	wrdreg s29  }
0xe: {  	s9 =	smul.u32 $0xC8000, s6;
	[dreg:$0x5] =	wrdreg s4;
	s4 =	sadd.s32 s0, s25  }
0xf: {  	p0 =	seq.s32 s10, $0xF;
	s0 =	sadd.s32 $0x3C00, s0;
	[dreg:$0x6] =	wrdreg s4  }
0x10: {  	s9 =	sshrl.u32 s9, $0x3;
	s25 =	smax.u32 s7, $0x1;
	[dreg:$0x8] =	wrdreg s0  }
0x11: {  	s0 =	sadd.s32 s5, s9;
	s4 =	sadd.s32 $0x500, s12;
	[dreg:$0x19] =	wrdreg s25  }
0x12: {  	s1 =	smul.u32 $0x19000, s1;
	[dreg:$0xc] =	wrdreg s4;
	s13 =	sadd.s32 $0x1400, s0  }
0x13: {  	s6 =	simm.s32 $0xB900;
	s14 =	sadd.s32 $0x1900, s0;
	[dreg:$0xd] =	wrdreg s13  }
0x14: {  	s11 =	simm.s32 $0x10900;
	s15 =	sadd.s32 $0x1E00, s0;
	[dreg:$0xe] =	wrdreg s14  }
0x15: {  	s8 =	simm.s32 $0xE100;
	s16 =	sadd.s32 $0x2300, s0;
	[dreg:$0xf] =	wrdreg s15  }
0x16: {  	s7 =	simm.s32 $0x2;
	s18 =	sadd.s32 $0x16800, s0;
	[dreg:$0x10] =	wrdreg s16  }
0x17: {  	s9 =	simm.s32 $0x3;
	s19 =	sadd.s32 $0x16D00, s0;
	[dreg:$0x11] =	wrdreg s18  }
0x18: {  	s12 =	simm.s32 $0x4;
	s20 =	sadd.s32 $0x17200, s0;
	[dreg:$0x12] =	wrdreg s19  }
0x19: {  	s25 =	simm.s32 $0x0;
	s21 =	sadd.s32 $0x17700, s0;
	[dreg:$0x13] =	wrdreg s20  }
0x1a: {  	s4 =	sadd.s32 s17, s5;
	s22 =	sadd.s32 $0x17C00, s0;
	[dreg:$0x14] =	wrdreg s21  }
0x1b: {  	s23 =	sadd.s32 $0x18100, s0;
	s24 =	sadd.s32 $0x18600, s0;
	[dreg:$0x15] =	wrdreg s22  }
0x1c: {  	s0 =	sadd.s32 $0x18B00, s0;
	s5 =	simm.s32 $0x1;
	[dreg:$0x16] =	wrdreg s23  }
0x1d: {  	s17 =	simm.s32 $0xA;
	s1 =	sadd.s32 s1, s4;
	[dreg:$0x17] =	wrdreg s24  }
0x1e: {  	[dreg:$0x18] =	wrdreg s0;
	s0 =	simm.s32 $0x6900;
	s4 =	simm.s32 $0x9100  }
0x1f: {  	s13 =	simm.s32 $0x13100;
	s14 =	simm.s32 $0x5;
	s15 =	simm.s32 $0x9  }
0x20: {  	s16 =	simm.s32 $0x6;
	s18 =	simm.s32 $0x7;
	s19 =	simm.s32 $0xB  }
0x21: {  	s20 =	simm.s32 $0x8;
	s21 =	simm.s32 $0xC;
	s22 =	simm.s32 $0xD  }
0x22: {  	s23 =	simm.s32 $0xE;
	s24 =	simm.s32 $0xF;
	s26 =	sadd.s32 $0x4B00, s1  }
0x23: {  	s1 =	simm.s32 $0x4100;
	[dreg:$0x1a] =	wrdreg s26;
	s26 =	simm.s32 $0x10  }
.LBB2_1:
0x24: {  	[dreg:$0x1d] =	wrdreg s25  }
0x25: {  	s10 =	rddreg [dreg:$0x5];
	s25 =	simm.s32 $0x11  }
0x26: {  	[tilespmem:s3], [sflag:$0x11] =	stream.linear.gather [hbm4b:s10+s3], $0x1900, $0x38;
	[tilespmem:$0x178C8] =	vst v63  }
0x27: {  	_ =	swait.ge [sflag:s25], $0x1900  }
0x28: {  	s28 =	simm.s32 @p0 $0x1900;
	[sflag:s25] =	ssyncset.done $0x0  }
0x29: {  	s10 =	simm.s32 @p0 $0x0;
	[sflag:s25] =	ssyncadd.s32 $0xFFFFE700;
	s25 =	rddreg [dreg:$0x8]  }
0x2a: {  	[tilespmem:s28], [sflag:$0x11] =	stream.linear.gather @p0 [hbm4b:s25+s10], $0x1400, $0x38;
	[tilespmem:$0x178C8] =	vst v63  }
0x2b: {  	s10 =	simm.s32 @p0 $0x11  }
0x2c: {  	_ =	swait.ge @p0 [sflag:s10], $0x1400  }
0x2d: {  	[sflag:s10] =	ssyncset.done @p0 $0x0  }
0x2e: {  	s25 =	rddreg [dreg:$0x9];
	[sflag:s10] =	ssyncadd.s32 @p0 $0xFFFFEC00  }
0x2f: {  	[spmem:s25] =	stream.linear.scatter @p0 [tilespmem:s28], [sflag:$0x11], $0x1400, $0x38;
	[tilespmem:$0x178C8] =	vst v63  }
0x30: {  	_ =	swait.ge @p0 [sflag:s10], $0x1400  }
0x31: {  	[sflag:s10] =	ssyncset.done @p0 $0x0  }
0x32: {  	v0 =	vimm.f32 @p0 $0.0e+00;
	[sflag:s10] =	ssyncadd.s32 @p0 $0xFFFFEC00  }
0x33: {  	[tilespmem:$0x17848] =	vst @p0 v0  }
0x34: {  	[tilespmem:$0x17858] =	vst @p0 v0  }
0x35: {  	[tilespmem:$0x17868] =	vst @p0 v0  }
0x36: {  	[tilespmem:$0x17878] =	vst @p0 v0  }
0x37: {  	[tilespmem:$0x17888] =	vst @p0 v0  }
0x38: {  	[tilespmem:$0x17898] =	vst @p0 v0  }
0x39: {  	[tilespmem:$0x178A8] =	vst @p0 v0  }
0x3a: {  	s28 =	simm.s32 @p0 $0x17848;
	s25 =	rddreg [dreg:$0xa];
	[tilespmem:$0x178B8] =	vst @p0 v0  }
0x3b: {  	[spmem:s25] =	stream.linear.scatter @p0 [tilespmem:s28], [sflag:$0x11], $0x80, $0x38;
	[tilespmem:$0x178C8] =	vst v63  }
0x3c: {  	_ =	swait.ge @p0 [sflag:s10], $0x80  }
0x3d: {  	s28 =	simm.s32 @!p0 $0x1900;
	[sflag:s10] =	ssyncset.done @p0 $0x0  }
0x3e: {  	s25 =	rddreg [dreg:$0x6];
	[sflag:s10] =	ssyncadd.s32 @p0 $0xFFFFFF80;
	s10 =	simm.s32 @!p0 $0x0  }
0x3f: {  	[tilespmem:s28], [sflag:$0x11] =	stream.linear.gather @!p0 [hbm4b:s25+s10], $0x2000, $0x38;
	[tilespmem:$0x178C8] =	vst v63  }
0x40: {  	s10 =	simm.s32 @!p0 $0x11  }
0x41: {  	_ =	swait.ge @!p0 [sflag:s10], $0x2000  }
0x42: {  	[sflag:s10] =	ssyncset.done @!p0 $0x0  }
0x43: {  	s25 =	rddreg [dreg:$0x7];
	[sflag:s10] =	ssyncadd.s32 @!p0 $0xFFFFE000  }
0x44: {  	[spmem:s25] =	stream.linear.scatter @!p0 [tilespmem:s28], [sflag:$0x11], $0x2000, $0x38;
	[tilespmem:$0x178C8] =	vst v63  }
0x45: {  	_ =	swait.ge @!p0 [sflag:s10], $0x2000  }
0x46: {  	[sflag:s10] =	ssyncset.done @!p0 $0x0  }
0x47: {  	[sflag:s10] =	ssyncadd.s32 @!p0 $0xFFFFE000  }
0x48: {  	[bflag:$0x0] =	sbarrier.arrive $0xFFFF  }
0x49: {  	[tilespmem:s31], [sflag:$0x1] =	stream.indirect.gather [spmem:s2], $0x80, s3, s30, $0xb8;
	[tilespmem:$0x178C8] =	vst v63  }
0x4a: {  	_ = 	snop  }
0x4b: {  	[tilespmem:s1], [sflag:$0x2] =	stream.indirect.gather [spmem:s2], $0x80, s30, s30, $0xb8;
	[tilespmem:$0x178C8] =	vst v63  }
0x4c: {  	s25 =	simm.s32 $0xA0  }
0x4d: {  	[tilespmem:s0], [sflag:$0x3] =	stream.indirect.gather [spmem:s2], $0x80, s25, s30, $0xb8;
	[tilespmem:$0x178C8] =	vst v63  }
0x4e: {  	s25 =	simm.s32 $0xF0  }
0x4f: {  	[tilespmem:s4], [sflag:$0x4] =	stream.indirect.gather [spmem:s2], $0x80, s25, s30, $0xb8;
	[tilespmem:$0x178C8] =	vst v63  }
0x50: {  	_ =	swait.ge [sflag:s5], $0x2800  }
0x51: {  	[sflag:s5] =	ssyncset.done $0x0  }
0x52: {  	s25 =	rddreg [dreg:$0xb];
	[sflag:s5] =	ssyncadd.s32 $0xFFFFD800  }
0x53: {  	[hbm4b:s25+s3] =	stream.linear.scatter [tilespmem:s31], [sflag:$0x9], $0x2800, $0x38;
	[tilespmem:$0x178C8] =	vst v63  }
0x54: {  	s25 =	simm.s32 $0x140  }
0x55: {  	[tilespmem:s6], [sflag:$0x5] =	stream.indirect.gather [spmem:s2], $0x80, s25, s30, $0xb8;
	[tilespmem:$0x178C8] =	vst v63  }
0x56: {  	_ =	swait.ge [sflag:s7], $0x2800  }
0x57: {  	[sflag:s7] =	ssyncset.done $0x0  }
0x58: {  	s25 =	rddreg [dreg:$0xc];
	[sflag:s7] =	ssyncadd.s32 $0xFFFFD800  }
0x59: {  	[hbm4b:s25+s3] =	stream.linear.scatter [tilespmem:s1], [sflag:$0xA], $0x2800, $0x38;
	[tilespmem:$0x178C8] =	vst v63  }
0x5a: {  	s25 =	simm.s32 $0x190  }
0x5b: {  	[tilespmem:s8], [sflag:$0x6] =	stream.indirect.gather [spmem:s2], $0x80, s25, s30, $0xb8;
	[tilespmem:$0x178C8] =	vst v63  }
0x5c: {  	_ =	swait.ge [sflag:s9], $0x2800  }
0x5d: {  	[sflag:s9] =	ssyncset.done $0x0  }
0x5e: {  	s25 =	rddreg [dreg:$0x1b];
	[sflag:s9] =	ssyncadd.s32 $0xFFFFD800  }
0x5f: {  	[hbm4b:s25+s3] =	stream.linear.scatter [tilespmem:s0], [sflag:$0xB], $0x2800, $0x38;
	[tilespmem:$0x178C8] =	vst v63  }
0x60: {  	s25 =	simm.s32 $0x1E0  }
0x61: {  	[tilespmem:s11], [sflag:$0x7] =	stream.indirect.gather [spmem:s2], $0x80, s25, s30, $0xb8;
	[tilespmem:$0x178C8] =	vst v63  }
0x62: {  	_ =	swait.ge [sflag:s12], $0x2800  }
0x63: {  	[sflag:s12] =	ssyncset.done $0x0  }
0x64: {  	s25 =	rddreg [dreg:$0x1c];
	[sflag:s12] =	ssyncadd.s32 $0xFFFFD800  }
0x65: {  	[hbm4b:s25+s3] =	stream.linear.scatter [tilespmem:s4], [sflag:$0xC], $0x2800, $0x38;
	[tilespmem:$0x178C8] =	vst v63  }
0x66: {  	s25 =	simm.s32 $0x230  }
0x67: {  	[tilespmem:s13], [sflag:$0x8] =	stream.indirect.gather [spmem:s2], $0x80, s25, s30, $0xb8;
	[tilespmem:$0x178C8] =	vst v63  }
0x68: {  	_ =	swait.ge [sflag:s14], $0x2800  }
0x69: {  	[sflag:s14] =	ssyncset.done $0x0  }
0x6a: {  	s25 =	rddreg [dreg:$0xd];
	[sflag:s14] =	ssyncadd.s32 $0xFFFFD800  }
0x6b: {  	[hbm4b:s25+s3] =	stream.linear.scatter [tilespmem:s6], [sflag:$0xD], $0x2800, $0x38;
	[tilespmem:$0x178C8] =	vst v63  }
0x6c: {  	_ =	swait.ge [sflag:s15], $0x2800  }
0x6d: {  	[sflag:s15] =	ssyncset.done $0x0  }
0x6e: {  	s25 =	simm.s32 $0x280;
	[sflag:s15] =	ssyncadd.s32 $0xFFFFD800  }
0x6f: {  	[tilespmem:s31], [sflag:$0x1] =	stream.indirect.gather [spmem:s2], $0x80, s25, s30, $0xb8;
	[tilespmem:$0x178C8] =	vst v63  }
0x70: {  	_ =	swait.ge [sflag:s16], $0x2800  }
0x71: {  	[sflag:s16] =	ssyncset.done $0x0  }
0x72: {  	s25 =	rddreg [dreg:$0xe];
	[sflag:s16] =	ssyncadd.s32 $0xFFFFD800  }
0x73: {  	[hbm4b:s25+s3] =	stream.linear.scatter [tilespmem:s8], [sflag:$0xE], $0x2800, $0x38;
	[tilespmem:$0x178C8] =	vst v63  }
0x74: {  	_ =	swait.ge [sflag:s17], $0x2800  }
0x75: {  	[sflag:s17] =	ssyncset.done $0x0  }
0x76: {  	s25 =	simm.s32 $0x2D0;
	[sflag:s17] =	ssyncadd.s32 $0xFFFFD800  }
0x77: {  	[tilespmem:s1], [sflag:$0x2] =	stream.indirect.gather [spmem:s2], $0x80, s25, s30, $0xb8;
	[tilespmem:$0x178C8] =	vst v63  }
0x78: {  	_ =	swait.ge [sflag:s18], $0x2800  }
0x79: {  	[sflag:s18] =	ssyncset.done $0x0  }
0x7a: {  	s25 =	rddreg [dreg:$0xf];
	[sflag:s18] =	ssyncadd.s32 $0xFFFFD800  }
0x7b: {  	[hbm4b:s25+s3] =	stream.linear.scatter [tilespmem:s11], [sflag:$0xF], $0x2800, $0x38;
	[tilespmem:$0x178C8] =	vst v63  }
0x7c: {  	_ =	swait.ge [sflag:s19], $0x2800  }
0x7d: {  	[sflag:s19] =	ssyncset.done $0x0  }
0x7e: {  	s25 =	simm.s32 $0x320;
	[sflag:s19] =	ssyncadd.s32 $0xFFFFD800  }
0x7f: {  	[tilespmem:s0], [sflag:$0x3] =	stream.indirect.gather [spmem:s2], $0x80, s25, s30, $0xb8;
	[tilespmem:$0x178C8] =	vst v63  }
0x80: {  	_ =	swait.ge [sflag:s20], $0x2800  }
0x81: {  	[sflag:s20] =	ssyncset.done $0x0  }
0x82: {  	s25 =	rddreg [dreg:$0x10];
	[sflag:s20] =	ssyncadd.s32 $0xFFFFD800  }
0x83: {  	[hbm4b:s25+s3] =	stream.linear.scatter [tilespmem:s13], [sflag:$0x10], $0x2800, $0x38;
	[tilespmem:$0x178C8] =	vst v63  }
0x84: {  	_ =	swait.ge [sflag:s21], $0x2800  }
0x85: {  	[sflag:s21] =	ssyncset.done $0x0  }
0x86: {  	s25 =	simm.s32 $0x370;
	[sflag:s21] =	ssyncadd.s32 $0xFFFFD800  }
0x87: {  	[tilespmem:s4], [sflag:$0x4] =	stream.indirect.gather [spmem:s2], $0x80, s25, s30, $0xb8;
	[tilespmem:$0x178C8] =	vst v63  }
0x88: {  	_ =	swait.ge [sflag:s5], $0x2800  }
0x89: {  	[sflag:s5] =	ssyncset.done $0x0;
	s25 =	rddreg [dreg:$0x1a]  }
0x8a: {  	[sflag:s5] =	ssyncadd.s32 $0xFFFFD800;
	s10 =	sadd.s32 $0xFFFFDD00, s25  }
0x8b: {  	[hbm4b:s10+s3] =	stream.linear.scatter [tilespmem:s31], [sflag:$0x9], $0x2800, $0x38;
	[tilespmem:$0x178C8] =	vst v63  }
0x8c: {  	_ =	swait.ge [sflag:s22], $0x2800  }
0x8d: {  	[sflag:s22] =	ssyncset.done $0x0  }
0x8e: {  	s10 =	simm.s32 $0x3C0;
	[sflag:s22] =	ssyncadd.s32 $0xFFFFD800  }
0x8f: {  	[tilespmem:s6], [sflag:$0x5] =	stream.indirect.gather [spmem:s2], $0x80, s10, s30, $0xb8;
	[tilespmem:$0x178C8] =	vst v63  }
0x90: {  	_ =	swait.ge [sflag:s7], $0x2800  }
0x91: {  	[sflag:s7] =	ssyncset.done $0x0  }
0x92: {  	s10 =	sadd.s32 $0xFFFFE200, s25;
	[sflag:s7] =	ssyncadd.s32 $0xFFFFD800  }
0x93: {  	[hbm4b:s10+s3] =	stream.linear.scatter [tilespmem:s1], [sflag:$0xA], $0x2800, $0x38;
	[tilespmem:$0x178C8] =	vst v63  }
0x94: {  	_ =	swait.ge [sflag:s23], $0x2800  }
0x95: {  	[sflag:s23] =	ssyncset.done $0x0  }
0x96: {  	s10 =	simm.s32 $0x410;
	[sflag:s23] =	ssyncadd.s32 $0xFFFFD800  }
0x97: {  	[tilespmem:s8], [sflag:$0x6] =	stream.indirect.gather [spmem:s2], $0x80, s10, s30, $0xb8;
	[tilespmem:$0x178C8] =	vst v63  }
0x98: {  	_ =	swait.ge [sflag:s9], $0x2800  }
0x99: {  	[sflag:s9] =	ssyncset.done $0x0  }
0x9a: {  	s10 =	sadd.s32 $0xFFFFE700, s25;
	[sflag:s9] =	ssyncadd.s32 $0xFFFFD800  }
0x9b: {  	[hbm4b:s10+s3] =	stream.linear.scatter [tilespmem:s0], [sflag:$0xB], $0x2800, $0x38;
	[tilespmem:$0x178C8] =	vst v63  }
0x9c: {  	_ =	swait.ge [sflag:s24], $0x2800  }
0x9d: {  	[sflag:s24] =	ssyncset.done $0x0  }
0x9e: {  	s10 =	simm.s32 $0x460;
	[sflag:s24] =	ssyncadd.s32 $0xFFFFD800  }
0x9f: {  	[tilespmem:s11], [sflag:$0x7] =	stream.indirect.gather [spmem:s2], $0x80, s10, s30, $0xb8;
	[tilespmem:$0x178C8] =	vst v63  }
0xa0: {  	_ =	swait.ge [sflag:s12], $0x2800  }
0xa1: {  	[sflag:s12] =	ssyncset.done $0x0  }
0xa2: {  	s10 =	sadd.s32 $0xFFFFEC00, s25;
	[sflag:s12] =	ssyncadd.s32 $0xFFFFD800  }
0xa3: {  	[hbm4b:s10+s3] =	stream.linear.scatter [tilespmem:s4], [sflag:$0xC], $0x2800, $0x38;
	[tilespmem:$0x178C8] =	vst v63  }
0xa4: {  	_ =	swait.ge [sflag:s26], $0x2800  }
0xa5: {  	[sflag:s26] =	ssyncset.done $0x0  }
0xa6: {  	s10 =	simm.s32 $0x4B0;
	[sflag:s26] =	ssyncadd.s32 $0xFFFFD800  }
0xa7: {  	[tilespmem:s13], [sflag:$0x8] =	stream.indirect.gather [spmem:s2], $0x80, s10, s30, $0xb8;
	[tilespmem:$0x178C8] =	vst v63  }
0xa8: {  	_ =	swait.ge [sflag:s14], $0x2800  }
0xa9: {  	[sflag:s14] =	ssyncset.done $0x0  }
0xaa: {  	s10 =	sadd.s32 $0xFFFFF100, s25;
	[sflag:s14] =	ssyncadd.s32 $0xFFFFD800  }
0xab: {  	[hbm4b:s10+s3] =	stream.linear.scatter [tilespmem:s6], [sflag:$0xD], $0x2800, $0x38;
	[tilespmem:$0x178C8] =	vst v63  }
0xac: {  	_ =	swait.ge [sflag:s15], $0x2800  }
0xad: {  	[sflag:s15] =	ssyncset.done $0x0  }
0xae: {  	s10 =	simm.s32 $0x500;
	[sflag:s15] =	ssyncadd.s32 $0xFFFFD800  }
0xaf: {  	[tilespmem:s31], [sflag:$0x1] =	stream.indirect.gather [spmem:s2], $0x80, s10, s30, $0xb8;
	[tilespmem:$0x178C8] =	vst v63  }
0xb0: {  	_ =	swait.ge [sflag:s16], $0x2800  }
0xb1: {  	[sflag:s16] =	ssyncset.done $0x0  }
0xb2: {  	s10 =	sadd.s32 $0xFFFFF600, s25;
	[sflag:s16] =	ssyncadd.s32 $0xFFFFD800  }
0xb3: {  	[hbm4b:s10+s3] =	stream.linear.scatter [tilespmem:s8], [sflag:$0xE], $0x2800, $0x38;
	[tilespmem:$0x178C8] =	vst v63  }
0xb4: {  	_ =	swait.ge [sflag:s17], $0x2800  }
0xb5: {  	[sflag:s17] =	ssyncset.done $0x0  }
0xb6: {  	s10 =	simm.s32 $0x550;
	[sflag:s17] =	ssyncadd.s32 $0xFFFFD800  }
0xb7: {  	[tilespmem:s1], [sflag:$0x2] =	stream.indirect.gather [spmem:s2], $0x80, s10, s30, $0xb8;
	[tilespmem:$0x178C8] =	vst v63  }
0xb8: {  	_ =	swait.ge [sflag:s18], $0x2800  }
0xb9: {  	[sflag:s18] =	ssyncset.done $0x0  }
0xba: {  	s10 =	sadd.s32 $0xFFFFFB00, s25;
	[sflag:s18] =	ssyncadd.s32 $0xFFFFD800  }
0xbb: {  	[hbm4b:s10+s3] =	stream.linear.scatter [tilespmem:s11], [sflag:$0xF], $0x2800, $0x38;
	[tilespmem:$0x178C8] =	vst v63  }
0xbc: {  	_ =	swait.ge [sflag:s19], $0x2800  }
0xbd: {  	[sflag:s19] =	ssyncset.done $0x0  }
0xbe: {  	s10 =	simm.s32 $0x5A0;
	[sflag:s19] =	ssyncadd.s32 $0xFFFFD800  }
0xbf: {  	[tilespmem:s0], [sflag:$0x3] =	stream.indirect.gather [spmem:s2], $0x80, s10, s30, $0xb8;
	[tilespmem:$0x178C8] =	vst v63  }
0xc0: {  	_ =	swait.ge [sflag:s20], $0x2800  }
0xc1: {  	[sflag:s20] =	ssyncset.done $0x0  }
0xc2: {  	[sflag:s20] =	ssyncadd.s32 $0xFFFFD800  }
0xc3: {  	[hbm4b:s25+s3] =	stream.linear.scatter [tilespmem:s13], [sflag:$0x10], $0x2800, $0x38;
	[tilespmem:$0x178C8] =	vst v63  }
0xc4: {  	_ =	swait.ge [sflag:s21], $0x2800  }
0xc5: {  	s28 =	simm.s32 $0x5F0;
	[sflag:s21] =	ssyncset.done $0x0  }
0xc6: {  	s29 =	sadd.s32 $0x2800, s25;
	s10 =	simm.s32 $0xA00;
	[sflag:s21] =	ssyncadd.s32 $0xFFFFD800  }
.LBB2_2:
0xc7: {  	[tilespmem:s4], [sflag:$0x4] =	stream.indirect.gather [spmem:s2], $0x80, s28, s30, $0xb8;
	[tilespmem:$0x178C8] =	vst v63  }
0xc8: {  	s28 =	smov.u32 s10  }
0xc9: {  	p1 =	sne.s32 s10, $0x4600;
	s10 =	sadd.s32 $0xA00, s10;
	_ =	swait.ge [sflag:s5], $0x2800  }
0xca: {  	[sflag:s5] =	ssyncset.done $0x0  }
0xcb: {  	s25 =	sadd.s32 $0xFFFFDD00, s29;
	[sflag:s5] =	ssyncadd.s32 $0xFFFFD800  }
0xcc: {  	[hbm4b:s25+s3] =	stream.linear.scatter [tilespmem:s31], [sflag:$0x9], $0x2800, $0x38;
	[tilespmem:$0x178C8] =	vst v63  }
0xcd: {  	_ =	swait.ge [sflag:s22], $0x2800  }
0xce: {  	s28 =	sshra.s32 s28, $0x2;
	[sflag:s22] =	ssyncset.done $0x0  }
0xcf: {  	s25 =	sadd.s32 $0x3C0, s28;
	[sflag:s22] =	ssyncadd.s32 $0xFFFFD800  }
0xd0: {  	[tilespmem:s6], [sflag:$0x5] =	stream.indirect.gather [spmem:s2], $0x80, s25, s30, $0xb8;
	[tilespmem:$0x178C8] =	vst v63  }
0xd1: {  	_ =	swait.ge [sflag:s7], $0x2800  }
0xd2: {  	[sflag:s7] =	ssyncset.done $0x0  }
0xd3: {  	s25 =	sadd.s32 $0xFFFFE200, s29;
	[sflag:s7] =	ssyncadd.s32 $0xFFFFD800  }
0xd4: {  	[hbm4b:s25+s3] =	stream.linear.scatter [tilespmem:s1], [sflag:$0xA], $0x2800, $0x38;
	[tilespmem:$0x178C8] =	vst v63  }
0xd5: {  	_ =	swait.ge [sflag:s23], $0x2800  }
0xd6: {  	[sflag:s23] =	ssyncset.done $0x0  }
0xd7: {  	s25 =	sadd.s32 $0x410, s28;
	[sflag:s23] =	ssyncadd.s32 $0xFFFFD800  }
0xd8: {  	[tilespmem:s8], [sflag:$0x6] =	stream.indirect.gather [spmem:s2], $0x80, s25, s30, $0xb8;
	[tilespmem:$0x178C8] =	vst v63  }
0xd9: {  	_ =	swait.ge [sflag:s9], $0x2800  }
0xda: {  	[sflag:s9] =	ssyncset.done $0x0  }
0xdb: {  	s25 =	sadd.s32 $0xFFFFE700, s29;
	[sflag:s9] =	ssyncadd.s32 $0xFFFFD800  }
0xdc: {  	[hbm4b:s25+s3] =	stream.linear.scatter [tilespmem:s0], [sflag:$0xB], $0x2800, $0x38;
	[tilespmem:$0x178C8] =	vst v63  }
0xdd: {  	_ =	swait.ge [sflag:s24], $0x2800  }
0xde: {  	[sflag:s24] =	ssyncset.done $0x0  }
0xdf: {  	s25 =	sadd.s32 $0x460, s28;
	[sflag:s24] =	ssyncadd.s32 $0xFFFFD800  }
0xe0: {  	[tilespmem:s11], [sflag:$0x7] =	stream.indirect.gather [spmem:s2], $0x80, s25, s30, $0xb8;
	[tilespmem:$0x178C8] =	vst v63  }
0xe1: {  	_ =	swait.ge [sflag:s12], $0x2800  }
0xe2: {  	[sflag:s12] =	ssyncset.done $0x0  }
0xe3: {  	s25 =	sadd.s32 $0xFFFFEC00, s29;
	[sflag:s12] =	ssyncadd.s32 $0xFFFFD800  }
0xe4: {  	[hbm4b:s25+s3] =	stream.linear.scatter [tilespmem:s4], [sflag:$0xC], $0x2800, $0x38;
	[tilespmem:$0x178C8] =	vst v63  }
0xe5: {  	_ =	swait.ge [sflag:s26], $0x2800  }
0xe6: {  	[sflag:s26] =	ssyncset.done $0x0  }
0xe7: {  	s25 =	sadd.s32 $0x4B0, s28;
	[sflag:s26] =	ssyncadd.s32 $0xFFFFD800  }
0xe8: {  	[tilespmem:s13], [sflag:$0x8] =	stream.indirect.gather [spmem:s2], $0x80, s25, s30, $0xb8;
	[tilespmem:$0x178C8] =	vst v63  }
0xe9: {  	_ =	swait.ge [sflag:s14], $0x2800  }
0xea: {  	[sflag:s14] =	ssyncset.done $0x0  }
0xeb: {  	s25 =	sadd.s32 $0xFFFFF100, s29;
	[sflag:s14] =	ssyncadd.s32 $0xFFFFD800  }
0xec: {  	[hbm4b:s25+s3] =	stream.linear.scatter [tilespmem:s6], [sflag:$0xD], $0x2800, $0x38;
	[tilespmem:$0x178C8] =	vst v63  }
0xed: {  	_ =	swait.ge [sflag:s15], $0x2800  }
0xee: {  	[sflag:s15] =	ssyncset.done $0x0  }
0xef: {  	s25 =	sadd.s32 $0x500, s28;
	[sflag:s15] =	ssyncadd.s32 $0xFFFFD800  }
0xf0: {  	[tilespmem:s31], [sflag:$0x1] =	stream.indirect.gather [spmem:s2], $0x80, s25, s30, $0xb8;
	[tilespmem:$0x178C8] =	vst v63  }
0xf1: {  	_ =	swait.ge [sflag:s16], $0x2800  }
0xf2: {  	[sflag:s16] =	ssyncset.done $0x0  }
0xf3: {  	s25 =	sadd.s32 $0xFFFFF600, s29;
	[sflag:s16] =	ssyncadd.s32 $0xFFFFD800  }
0xf4: {  	[hbm4b:s25+s3] =	stream.linear.scatter [tilespmem:s8], [sflag:$0xE], $0x2800, $0x38;
	[tilespmem:$0x178C8] =	vst v63  }
0xf5: {  	_ =	swait.ge [sflag:s17], $0x2800  }
0xf6: {  	[sflag:s17] =	ssyncset.done $0x0  }
0xf7: {  	s25 =	sadd.s32 $0x550, s28;
	[sflag:s17] =	ssyncadd.s32 $0xFFFFD800  }
0xf8: {  	[tilespmem:s1], [sflag:$0x2] =	stream.indirect.gather [spmem:s2], $0x80, s25, s30, $0xb8;
	[tilespmem:$0x178C8] =	vst v63  }
0xf9: {  	_ =	swait.ge [sflag:s18], $0x2800  }
0xfa: {  	[sflag:s18] =	ssyncset.done $0x0  }
0xfb: {  	s25 =	sadd.s32 $0xFFFFFB00, s29;
	[sflag:s18] =	ssyncadd.s32 $0xFFFFD800  }
0xfc: {  	[hbm4b:s25+s3] =	stream.linear.scatter [tilespmem:s11], [sflag:$0xF], $0x2800, $0x38;
	[tilespmem:$0x178C8] =	vst v63  }
0xfd: {  	_ =	swait.ge [sflag:s19], $0x2800  }
0xfe: {  	[sflag:s19] =	ssyncset.done $0x0  }
0xff: {  	s25 =	sadd.s32 $0x5A0, s28;
	[sflag:s19] =	ssyncadd.s32 $0xFFFFD800  }
0x100: {  	[tilespmem:s0], [sflag:$0x3] =	stream.indirect.gather [spmem:s2], $0x80, s25, s30, $0xb8;
	[tilespmem:$0x178C8] =	vst v63  }
0x101: {  	_ =	swait.ge [sflag:s20], $0x2800  }
0x102: {  	[sflag:s20] =	ssyncset.done $0x0  }
.Ltmp0:
0x103: {  	[sflag:s20] =	ssyncadd.s32 $0xFFFFD800;
	(pc) =	sbr.rel @p1 .LBB2_2-.Ltmp0, $4  }
0x104: {  	[hbm4b:s29+s3] =	stream.linear.scatter [tilespmem:s13], [sflag:$0x10], $0x2800, $0x38;
	[tilespmem:$0x178C8] =	vst v63  }
0x105: {  	_ =	swait.ge [sflag:s21], $0x2800  }
0x106: {  	[sflag:s21] =	ssyncset.done $0x0  }
0x107: {  	s28 =	sadd.s32 $0x5F0, s28;
	s29 =	sadd.s32 $0x2800, s29;
	[sflag:s21] =	ssyncadd.s32 $0xFFFFD800  }
0x108: {  	[tilespmem:s4], [sflag:$0x4] =	stream.indirect.gather [spmem:s2], $0x80, s28, s30, $0xb8;
	[tilespmem:$0x178C8] =	vst v63  }
0x109: {  	_ =	swait.ge [sflag:s5], $0x2800  }
0x10a: {  	[sflag:s5] =	ssyncset.done $0x0  }
0x10b: {  	s10 =	rddreg [dreg:$0x11];
	[sflag:s5] =	ssyncadd.s32 $0xFFFFD800  }
0x10c: {  	[hbm4b:s10+s3] =	stream.linear.scatter [tilespmem:s31], [sflag:$0x9], $0x2800, $0x38;
	[tilespmem:$0x178C8] =	vst v63  }
0x10d: {  	_ =	swait.ge [sflag:s22], $0x2800  }
0x10e: {  	[sflag:s22] =	ssyncset.done $0x0  }
0x10f: {  	s25 =	simm.s32 $0x17C0;
	[sflag:s22] =	ssyncadd.s32 $0xFFFFD800  }
0x110: {  	[tilespmem:s6], [sflag:$0x5] =	stream.indirect.gather [spmem:s2], $0x80, s25, s30, $0xb8;
	[tilespmem:$0x178C8] =	vst v63  }
0x111: {  	_ =	swait.ge [sflag:s7], $0x2800  }
0x112: {  	[sflag:s7] =	ssyncset.done $0x0  }
0x113: {  	s28 =	rddreg [dreg:$0x12];
	[sflag:s7] =	ssyncadd.s32 $0xFFFFD800  }
0x114: {  	[hbm4b:s28+s3] =	stream.linear.scatter [tilespmem:s1], [sflag:$0xA], $0x2800, $0x38;
	[tilespmem:$0x178C8] =	vst v63  }
0x115: {  	_ =	swait.ge [sflag:s23], $0x2800  }
0x116: {  	[sflag:s23] =	ssyncset.done $0x0  }
0x117: {  	s29 =	simm.s32 $0x1810;
	[sflag:s23] =	ssyncadd.s32 $0xFFFFD800  }
0x118: {  	[tilespmem:s8], [sflag:$0x6] =	stream.indirect.gather [spmem:s2], $0x80, s29, s30, $0xb8;
	[tilespmem:$0x178C8] =	vst v63  }
0x119: {  	_ =	swait.ge [sflag:s9], $0x2800  }
0x11a: {  	[sflag:s9] =	ssyncset.done $0x0  }
0x11b: {  	s25 =	rddreg [dreg:$0x13];
	[sflag:s9] =	ssyncadd.s32 $0xFFFFD800  }
0x11c: {  	[hbm4b:s25+s3] =	stream.linear.scatter [tilespmem:s0], [sflag:$0xB], $0x2800, $0x38;
	[tilespmem:$0x178C8] =	vst v63  }
0x11d: {  	_ =	swait.ge [sflag:s24], $0x2800  }
0x11e: {  	[sflag:s24] =	ssyncset.done $0x0  }
0x11f: {  	s28 =	simm.s32 $0x1860;
	[sflag:s24] =	ssyncadd.s32 $0xFFFFD800  }
0x120: {  	[tilespmem:s11], [sflag:$0x7] =	stream.indirect.gather [spmem:s2], $0x80, s28, s30, $0xb8;
	[tilespmem:$0x178C8] =	vst v63  }
0x121: {  	_ =	swait.ge [sflag:s12], $0x2800  }
0x122: {  	[sflag:s12] =	ssyncset.done $0x0  }
0x123: {  	s29 =	rddreg [dreg:$0x14];
	[sflag:s12] =	ssyncadd.s32 $0xFFFFD800  }
0x124: {  	[hbm4b:s29+s3] =	stream.linear.scatter [tilespmem:s4], [sflag:$0xC], $0x2800, $0x38;
	[tilespmem:$0x178C8] =	vst v63  }
0x125: {  	_ =	swait.ge [sflag:s26], $0x2800  }
0x126: {  	[sflag:s26] =	ssyncset.done $0x0  }
0x127: {  	s25 =	simm.s32 $0x18B0;
	[sflag:s26] =	ssyncadd.s32 $0xFFFFD800  }
0x128: {  	[tilespmem:s13], [sflag:$0x8] =	stream.indirect.gather [spmem:s2], $0x80, s25, s30, $0xb8;
	[tilespmem:$0x178C8] =	vst v63  }
0x129: {  	_ =	swait.ge [sflag:s14], $0x2800  }
0x12a: {  	[sflag:s14] =	ssyncset.done $0x0  }
0x12b: {  	s28 =	rddreg [dreg:$0x15];
	[sflag:s14] =	ssyncadd.s32 $0xFFFFD800  }
0x12c: {  	[hbm4b:s28+s3] =	stream.linear.scatter [tilespmem:s6], [sflag:$0xD], $0x2800, $0x38;
	[tilespmem:$0x178C8] =	vst v63  }
0x12d: {  	_ =	swait.ge [sflag:s15], $0x2800  }
0x12e: {  	[sflag:s15] =	ssyncset.done $0x0  }
0x12f: {  	[sflag:s15] =	ssyncadd.s32 $0xFFFFD800  }
0x130: {  	_ =	swait.ge [sflag:s16], $0x2800  }
0x131: {  	[sflag:s16] =	ssyncset.done $0x0  }
0x132: {  	s29 =	rddreg [dreg:$0x16];
	[sflag:s16] =	ssyncadd.s32 $0xFFFFD800  }
0x133: {  	[hbm4b:s29+s3] =	stream.linear.scatter [tilespmem:s8], [sflag:$0xE], $0x2800, $0x38;
	[tilespmem:$0x178C8] =	vst v63  }
0x134: {  	_ =	swait.ge [sflag:s17], $0x2800  }
0x135: {  	[sflag:s17] =	ssyncset.done $0x0  }
0x136: {  	[sflag:s17] =	ssyncadd.s32 $0xFFFFD800  }
0x137: {  	_ =	swait.ge [sflag:s18], $0x2800  }
0x138: {  	[sflag:s18] =	ssyncset.done $0x0  }
0x139: {  	s25 =	rddreg [dreg:$0x17];
	[sflag:s18] =	ssyncadd.s32 $0xFFFFD800  }
0x13a: {  	[hbm4b:s25+s3] =	stream.linear.scatter [tilespmem:s11], [sflag:$0xF], $0x2800, $0x38;
	[tilespmem:$0x178C8] =	vst v63  }
0x13b: {  	_ =	swait.ge [sflag:s19], $0x2800  }
0x13c: {  	[sflag:s19] =	ssyncset.done $0x0  }
0x13d: {  	[sflag:s19] =	ssyncadd.s32 $0xFFFFD800  }
0x13e: {  	_ =	swait.ge [sflag:s20], $0x2800  }
0x13f: {  	[sflag:s20] =	ssyncset.done $0x0  }
0x140: {  	s28 =	rddreg [dreg:$0x18];
	[sflag:s20] =	ssyncadd.s32 $0xFFFFD800  }
0x141: {  	[hbm4b:s28+s3] =	stream.linear.scatter [tilespmem:s13], [sflag:$0x10], $0x2800, $0x38;
	[tilespmem:$0x178C8] =	vst v63  }
0x142: {  	_ =	swait.ge [sflag:s21], $0x2800  }
0x143: {  	[sflag:s21] =	ssyncset.done $0x0  }
0x144: {  	[sflag:s21] =	ssyncadd.s32 $0xFFFFD800  }
0x145: {  	_ =	swait.ge [sflag:s22], $0x2800  }
0x146: {  	[sflag:s22] =	ssyncset.done $0x0  }
0x147: {  	[sflag:s22] =	ssyncadd.s32 $0xFFFFD800  }
0x148: {  	_ =	swait.ge [sflag:s23], $0x2800  }
0x149: {  	[sflag:s23] =	ssyncset.done $0x0  }
0x14a: {  	[sflag:s23] =	ssyncadd.s32 $0xFFFFD800  }
0x14b: {  	_ =	swait.ge [sflag:s24], $0x2800  }
0x14c: {  	[sflag:s24] =	ssyncset.done $0x0  }
0x14d: {  	[sflag:s24] =	ssyncadd.s32 $0xFFFFD800  }
0x14e: {  	_ =	swait.ge [sflag:s26], $0x2800  }
0x14f: {  	s25 =	rddreg [dreg:$0x1d]  }
0x150: {  	s29 =	rddreg [dreg:$0x19];
	s25 =	sadd.s32 $0x1, s25  }
0x151: {  	p1 =	sne.s32 s25, s29  }
.Ltmp1:
0x152: {  	_ = 	snop;
	(pc) =	sbr.rel @p1 .LBB2_1-.Ltmp1, $3  }
0x153: {  	_ =	sdelay $0x1  }
0x154: {  	[sflag:s26] =	ssyncset.done $0x0  }
0x155: {  	[sflag:s26] =	ssyncadd.s32 $0xFFFFD800  }
0x156: {  	_ =	sfence.sel $0x180000  }
0x157: {  	[bflag:$0x0] =	sbarrier.arrive $0xFFFF  }
0x158: {  	_ =	strace $0x90000047  }
0x159: {  	s0 =	stileid.u32;
	[bflag:$0x2] =	sbarrier.arrive $0xFFFF  }
0x15a: {  	p0 =	sne.s32 s0, $0x0;
	s0 =	rddreg [dreg:$0x4]  }
0x15b: {  	s0 =	sadd.s32 @!p0 $0x100000, s0  }
0x15c: {  	[sflag:s0] =	ssyncadd.tile.s32 @!p0 $0x1;
	_ =	shalt  }
.Lfunc_end2:
_tile_overlayer_lowered:
.L_overlay_start_2:
0x15d: {  	(tag) =	ssettag $0x2  }
0x15e: {  	s0 =	rddreg [dreg:$0x0];
	s2 =	stileid.u32  }
0x15f: {  	s1 =	rddreg [dreg:$0x1];
	p0 =	sne.s32 s2, $0x0  }
0x160: {  	s3 =	rddreg [dreg:$0x2];
	[bflag:$0x3] =	sbarrier.arrive $0xFFFF;
	s2 =	simm.s32 @!p0 $0x1C11  }
0x161: {  	[timem:s3], [sflag:s2] =	dma.local @!p0 [hbm:s0], s1  }
0x162: {  	s0 =	simm.s32 @!p0 $0x11  }
0x163: {  	_ =	swait.ge @!p0 [sflag:s0], s1  }
0x164: {  	s1 =	ssub.s32 @!p0 $0x0, s1;
	[sflag:s0] =	ssyncset.done @!p0 $0x0  }
0x165: {  	[sflag:s0] =	ssyncadd.s32 @!p0 s1  }
0x166: {  	[bflag:$0x3] =	sbarrier.arrive $0xFFFF  }
0x167: {  	_ =	shalt  }

</sc_bundles>
